<compile_context>
chip_gen: v7x
topology: tpu7x:2x2x1
jax: 0.10.2.dev20260603
libtpu: 0.0.44.dev20260713+nightly
codegen_flags: <defaults>
</compile_context>

<pallas_src>
import functools

import jax
import jax.numpy as jnp
from jax import lax
from jax.experimental import pallas as pl
from jax.experimental.pallas import tpu as pltpu
from jax.experimental.pallas import tpu_sc as plsc

KNB = 16
F32 = jnp.float32



def _consts_body(b01, w02t, b02, w11t, b11, w12t, b12, wf1t, bc1,
                 col0_o, be1_o):
    r = jnp.maximum(b01[...], 0.0)
    c0 = jnp.maximum(
        jnp.dot(r, w02t[...], preferred_element_type=F32) + b02[...], 0.0)
    h = jnp.maximum(
        jnp.dot(c0, w11t[...], preferred_element_type=F32) + b11[...], 0.0)
    f1 = jnp.maximum(
        jnp.dot(h, w12t[...], preferred_element_type=F32) + b12[...], 0.0)
    col0_o[...] = c0
    be1_o[...] = jnp.dot(f1, wf1t[...], preferred_element_type=F32) + bc1[...]


def _run_consts(p):
    (_, b01), (w02, b02) = p['level0_mlp']
    (w11, b11), (w12, b12) = p['pyramid_mlps'][0]
    wc1, bc1 = p['pyramid_convs'][0]
    return pl.pallas_call(
        _consts_body,
        out_shape=(jax.ShapeDtypeStruct((1, 32), F32),
                   jax.ShapeDtypeStruct((1, wc1.shape[0]), F32)),
    )(b01[None, :], w02.T, b02[None, :], w11.T, b11[None, :],
      w12.T, b12[None, :], wc1[:, 3:].T, bc1[None, :])


def _mlp_body(x, w1t, b1, w2t, b2, out):
    h = jnp.maximum(
        jnp.dot(x[...], w1t[...], preferred_element_type=F32) + b1[...], 0.0)
    out[...] = jnp.maximum(
        jnp.dot(h, w2t[...], preferred_element_type=F32) + b2[...], 0.0)


def _run_mlp(x, w1, b1, w2, b2):
    n = x.shape[0]
    co = w2.shape[0]
    return pl.pallas_call(
        _mlp_body,
        out_shape=jax.ShapeDtypeStruct((n, co), F32),
    )(x, w1.T, b1[None, :], w2.T, b2[None, :])


def _knn_body(xa, q, idx_o):
    xav = xa[...]
    qv = q[...]
    xx = jnp.sum(xav * xav, axis=0, keepdims=True)
    qq = jnp.sum(qv * qv, axis=1, keepdims=True)
    d = (qq + jnp.dot(qv * -2.0, xav,
                      preferred_element_type=F32)) + xx
    n = d.shape[1]
    iota = lax.broadcasted_iota(jnp.int32, d.shape, 1)
    cols = []
    for j in range(KNB):
        m = jnp.min(d, axis=1, keepdims=True)
        eq = d == m
        ij = jnp.min(jnp.where(eq, iota, n), axis=1, keepdims=True)
        cols.append(ij)
        if j < KNB - 1:
            d = jnp.where(eq, jnp.inf, d)
    idx_o[...] = jnp.concatenate(cols, axis=1)


def _run_knn(xa, q8, qb):
    m = q8.shape[0]
    n = xa.shape[1]
    return pl.pallas_call(
        _knn_body,
        grid=(m // qb,),
        in_specs=[pl.BlockSpec((8, n), lambda i: (0, 0)),
                  pl.BlockSpec((qb, 8), lambda i: (i, 0))],
        out_specs=pl.BlockSpec((qb, KNB), lambda i: (i, 0)),
        out_shape=jax.ShapeDtypeStruct((m, KNB), jnp.int32),
        compiler_params=pltpu.CompilerParams(
            dimension_semantics=("parallel",)),
    )(xa, q8)


def _conv_body(g, q, wfull, wq, b, out):
    h = jnp.dot(g[...], wfull[...], preferred_element_type=F32)
    qp = jnp.dot(q[...], wq[...], preferred_element_type=F32)
    qb = qp.shape[0]
    co = qp.shape[1]
    h3 = h.reshape(qb, KNB, co)
    o = jnp.maximum(h3 - qp[:, None, :] + b[0:1, :][None], 0.0)
    out[...] = jnp.max(o, axis=1)


def _run_conv(g, q8, wfull, wq8, bias8, qb):
    m = q8.shape[0]
    dt = g.shape[1]
    co = wfull.shape[1]
    return pl.pallas_call(
        _conv_body,
        grid=(m // qb,),
        in_specs=[pl.BlockSpec((qb * KNB, dt), lambda i: (i, 0)),
                  pl.BlockSpec((qb, 8), lambda i: (i, 0)),
                  pl.BlockSpec((dt, co), lambda i: (0, 0)),
                  pl.BlockSpec((8, co), lambda i: (0, 0)),
                  pl.BlockSpec((8, co), lambda i: (0, 0))],
        out_specs=pl.BlockSpec((qb, co), lambda i: (i, 0)),
        out_shape=jax.ShapeDtypeStruct((m, co), F32),
        compiler_params=pltpu.CompilerParams(
            dimension_semantics=("parallel",)),
    )(g, q8, wfull, wq8, bias8)



_IDX_CHUNK = 128


def _run_sc_gather(table, idx):
    v, d = table.shape
    b = idx.shape[0]
    info = plsc.get_sparse_core_info()
    nw = info.num_cores * info.num_subcores
    bpw = b // nw
    nchunk = bpw // _IDX_CHUNK
    idx2 = idx.reshape(b // _IDX_CHUNK, _IDX_CHUNK)
    mesh = plsc.VectorSubcoreMesh(core_axis_name="c", subcore_axis_name="s")

    @functools.partial(
        pl.kernel, mesh=mesh,
        out_type=jax.ShapeDtypeStruct((b, d), F32),
        scratch_types=[pltpu.VMEM((nchunk, _IDX_CHUNK), jnp.int32),
                       pltpu.VMEM((bpw, d), F32),
                       pltpu.SemaphoreType.DMA],
        compiler_params=pltpu.CompilerParams(use_tc_tiling_on_sc=False),
    )
    def gat(table_hbm, idx_hbm, out_hbm, idx_v, rows_v, sem):
        wid = lax.axis_index("s") * info.num_cores + lax.axis_index("c")
        base = wid * bpw
        pltpu.sync_copy(idx_hbm.at[pl.ds(wid * nchunk, nchunk)], idx_v)
        copies = [
            pltpu.async_copy(table_hbm.at[idx_v.at[j]],
                             rows_v.at[pl.ds(j * _IDX_CHUNK, _IDX_CHUNK)],
                             sem)
            for j in range(nchunk)
        ]
        for c in copies:
            c.wait()
        pltpu.sync_copy(rows_v, out_hbm.at[pl.ds(base, bpw)])

    return gat(table, idx2)



def _level(idx, q8_dst, table, wc, bias_vec, qb):
    g = _run_sc_gather(table, idx)
    co = wc.shape[0]
    dt = table.shape[1]
    nfeat = dt - 16
    if nfeat > 0:
        wfull = jnp.concatenate(
            [wc[:, :3].T, jnp.zeros((13, co), F32), wc[:, 3:].T], axis=0)
    else:
        wfull = jnp.concatenate(
            [wc[:, :3].T, jnp.zeros((13, co), F32)], axis=0)
    wq8 = jnp.concatenate([wc[:, :3].T, jnp.zeros((5, co), F32)], axis=0)
    bias8 = jnp.broadcast_to(bias_vec.reshape(1, co), (8, co))
    return _run_conv(g, q8_dst, wfull, wq8, bias8, qb)


def kernel(xyzs_0, xyzs_1, xyzs_2, xyzs_3, params):
    p = params
    xyz = [xyzs_0[0], xyzs_1[0], xyzs_2[0], xyzs_3[0]]
    npts = [x.shape[1] for x in xyz]

    xa = [jnp.concatenate([x, jnp.zeros((5, x.shape[1]), F32)], axis=0)
          for x in xyz]
    q8 = [jnp.concatenate([x.T, jnp.zeros((x.shape[1], 5), F32)], axis=1)
          for x in xyz]
    xpad16 = [jnp.concatenate([x.T, jnp.zeros((x.shape[1], 13), F32)], axis=1)
              for x in xyz]

    col0, be1 = _run_consts(p)
    out0 = jnp.broadcast_to(col0.reshape(32, 1)[None], (1, 32, npts[0]))

    idx1 = _run_knn(xa[0], q8[1], 256).reshape(-1)
    idx2 = _run_knn(xa[1], q8[2], 256).reshape(-1)
    idx3 = _run_knn(xa[2], q8[3], 256).reshape(-1)

    wc1, _ = p['pyramid_convs'][0]
    f1 = _level(idx1, q8[1], xpad16[0], wc1, be1[0], 256)

    (w21, b21), (w22, b22) = p['pyramid_mlps'][1]
    f2 = _run_mlp(f1, w21, b21, w22, b22)
    table2 = jnp.concatenate([xpad16[1], f2], axis=1)
    wc2, bc2 = p['pyramid_convs'][1]
    f2d = _level(idx2, q8[2], table2, wc2, bc2, 256)

    (w31, b31), (w32, b32) = p['pyramid_mlps'][2]
    f3 = _run_mlp(f2d, w31, b31, w32, b32)
    table3 = jnp.concatenate([xpad16[2], f3], axis=1)
    wc3, bc3 = p['pyramid_convs'][2]
    f3d = _level(idx3, q8[3], table3, wc3, bc3, 256)

    return (out0, f1.T[None], f2d.T[None], f3d.T[None])

# --- scband reference (transcript-rebuilt; emitter-appended) ---
"""Pipeline reference for scband-feature-pyramid3-d-74552042324062 (READ-ONLY COPY).

The authoritative reference and input builder live on the scoring server;
editing this copy changes nothing except your own understanding.
"""

import jax, jax.numpy as jnp
import numpy as np

N_CHANNELS = [32, 64, 96, 128]
K = 16
NPTS = [8192, 4096, 2048, 1024]


def _mlp1d(x, layers):
    # x: [B, C, N]; layers: list of (W[out,in], b[out]) with 1x1 conv + ReLU
    for (W, b) in layers:
        x = jnp.einsum('oc,bcn->bon', W, x) + b[None, :, None]
        x = jax.nn.relu(x)
    return x


def _gather(x, idx):
    # x: [B, C, N], idx: [B, M, k] -> [B, C, M, k]
    return jax.vmap(lambda xi, ii: xi[:, ii])(x, idx)


def _knn_idx(new_xyz, xyz, k):
    # new_xyz: [B,3,M], xyz: [B,3,N] -> idx [B,M,k]
    d = (jnp.sum(new_xyz ** 2, axis=1)[:, :, None]
         - 2.0 * jnp.einsum('bcm,bcn->bmn', new_xyz, xyz)
         + jnp.sum(xyz ** 2, axis=1)[:, None, :])
    _, idx = jax.lax.top_k(-d, k)
    return idx


def _pointconv_down(xyz, feat, new_xyz, W, b, k):
    # xyz: [B,3,N], feat: [B,C,N], new_xyz: [B,3,M]
    idx = _knn_idx(new_xyz, xyz, k)                    # [B,M,k]
    nb_xyz = _gather(xyz, idx)                         # [B,3,M,k]
    rel = nb_xyz - new_xyz[:, :, :, None]              # [B,3,M,k]
    nb_feat = _gather(feat, idx)                       # [B,C,M,k]
    cat = jnp.concatenate([rel, nb_feat], axis=1)      # [B,3+C,M,k]
    out = jnp.einsum('oc,bcmk->bomk', W, cat) + b[None, :, None, None]
    out = jax.nn.relu(out)
    return jnp.max(out, axis=3)                        # [B,out,M]


def _make_params(key):
    params = {}
    ks = jax.random.split(key, 32)
    ki = iter(range(32))
    def lin(kk, o, i, scale=0.05):
        return (jax.random.normal(kk, (o, i), dtype=jnp.float32) * scale,
                jnp.zeros((o,), dtype=jnp.float32))
    c = N_CHANNELS
    params['level0_mlp'] = [lin(ks[next(ki)], c[0], 3), lin(ks[next(ki)], c[0], c[0])]
    params['pyramid_mlps'] = []
    params['pyramid_convs'] = []
    for i in range(len(c) - 1):
        params['pyramid_mlps'].append([lin(ks[next(ki)], c[i], c[i]), lin(ks[next(ki)], c[i + 1], c[i])])
        params['pyramid_convs'].append(lin(ks[next(ki)], c[i + 1], 3 + c[i + 1]))
    return params


def setup_inputs(seed: int = 0) -> dict:
    key = jax.random.key(seed)
    k0, k1, k2, k3, kp = jax.random.split(key, 5)
    inp = {
        'xyzs_0': jax.random.normal(k0, (1, 3, NPTS[0]), dtype=jnp.float32),
        'xyzs_1': jax.random.normal(k1, (1, 3, NPTS[1]), dtype=jnp.float32),
        'xyzs_2': jax.random.normal(k2, (1, 3, NPTS[2]), dtype=jnp.float32),
        'xyzs_3': jax.random.normal(k3, (1, 3, NPTS[3]), dtype=jnp.float32),
        'params': _make_params(kp),
    }
    return inp


def _forward(xyzs, params):
    inputs = jnp.zeros_like(xyzs[0])
    feats = [_mlp1d(inputs, params['level0_mlp'])]
    for i in range(len(xyzs) - 1):
        f = _mlp1d(feats[-1], params['pyramid_mlps'][i])
        W, b = params['pyramid_convs'][i]
        feats.append(_pointconv_down(xyzs[i], f, xyzs[i + 1], W, b, K))
    return tuple(feats)


def reference(xyzs_0, xyzs_1, xyzs_2, xyzs_3, params):
    return _forward([xyzs_0, xyzs_1, xyzs_2, xyzs_3], params)

if __name__ == "__main__":
    import jax
    _d = setup_inputs()
    print(jax.jit(kernel)(*tuple(_d.values())))

</pallas_src>

<mosaic_0001>
#map = affine_map<(d0, d1) -> (0, 0)>
module attributes {stable_mosaic.version = 14 : i64} {
  func.func @gat(%arg0: i32, %arg1: i32, %arg2: memref<4096x112xf32, #tpu.memory_space<hbm>>, %arg3: memref<256x128xi32, #tpu.memory_space<hbm>>, %arg4: memref<32768x112xf32, #tpu.memory_space<hbm>>, %arg5: memref<8x128xi32, #tpu.memory_space<vmem>>, %arg6: memref<1024x112xf32, #tpu.memory_space<vmem>>, %arg7: memref<!tpu.dma_semaphore, #tpu.memory_space<semaphore_mem>>) attributes {dimension_semantics = [#tpu.dimension_semantics<core_parallel>, #tpu.dimension_semantics<subcore_parallel>], iteration_bounds = array<i64: 2, 16>, scalar_prefetch = 0 : i64, scratch_operands = 3 : i64, tpu.core_type = #tpu.core_type<sc_vector_subcore>, window_params = [{transform_indices = #map}, {transform_indices = #map}, {transform_indices = #map}]} {
    %mul3A = arith.constant 2 : i32
    %mul3A_0 = arith.muli %arg1, %mul3A : i32
    %add3A = arith.addi %mul3A_0, %arg0 : i32
    %mul3A_1 = arith.constant 1024 : i32
    %mul3A_2 = arith.muli %add3A, %mul3A_1 : i32
    %mul3A_3 = arith.constant 8 : i32
    %mul3A_4 = arith.muli %add3A, %mul3A_3 : i32
    "tpu.region"() ({
      %run_scoped3A = tpu.sem_alloc : memref<!tpu.dma_semaphore, #tpu.memory_space<semaphore_mem>>
      %dma_start3A_163 = arith.constant 0 : i32
      %dma_start3A_164 = tpu.memref_slice %arg3[%mul3A_4, %dma_start3A_163] : memref<256x128xi32, #tpu.memory_space<hbm>> -> memref<8x128xi32, #tpu.memory_space<hbm>>
      %dma_start3A_165 = arith.constant 0 : i32
      %dma_start3A_166 = tpu.memref_slice %arg3[%mul3A_4, %dma_start3A_165] : memref<256x128xi32, #tpu.memory_space<hbm>> -> memref<8x128xi32, #tpu.memory_space<hbm>>
      tpu.enqueue_dma source(%dma_start3A_166 : memref<8x128xi32, #tpu.memory_space<hbm>>) target(%arg5 : memref<8x128xi32, #tpu.memory_space<vmem>>) target_semaphore(%run_scoped3A : memref<!tpu.dma_semaphore, #tpu.memory_space<semaphore_mem>>)
      %dma_wait3A_167 = arith.constant 0 : i32
      %dma_wait3A_168 = tpu.memref_slice %arg3[%mul3A_4, %dma_wait3A_167] : memref<256x128xi32, #tpu.memory_space<hbm>> -> memref<8x128xi32, #tpu.memory_space<hbm>>
      %dma_wait3A_169 = arith.constant 0 : i32
      %dma_wait3A_170 = tpu.memref_slice %arg3[%mul3A_4, %dma_wait3A_169] : memref<256x128xi32, #tpu.memory_space<hbm>> -> memref<8x128xi32, #tpu.memory_space<hbm>>
      tpu.wait_dma2 semaphore(%run_scoped3A : memref<!tpu.dma_semaphore, #tpu.memory_space<semaphore_mem>>) src(%dma_wait3A_170 : memref<8x128xi32, #tpu.memory_space<hbm>>) dst(%arg5 : memref<8x128xi32, #tpu.memory_space<vmem>>)
      tpu.yield
    }) : () -> ()
    %dma_start3A = arith.constant 0 : i32
    %dma_start3A_5 = arith.constant 0 : i32
    %dma_start3A_6 = arith.constant 0 : i32
    %dma_start3A_7 = tpu.memref_slice %arg6[%dma_start3A_5, %dma_start3A_6] : memref<1024x112xf32, #tpu.memory_space<vmem>> -> memref<128x112xf32, #tpu.memory_space<vmem>>
    %dma_start3A_8 = arith.constant 0 : i32
    %dma_start3A_9 = tpu.memref_slice %arg5[%dma_start3A, %dma_start3A_8] : memref<8x128xi32, #tpu.memory_space<vmem>> -> memref<1x128xi32, #tpu.memory_space<vmem>>
    %dma_start3A_10 = tpu.memref_squeeze %dma_start3A_9 : memref<1x128xi32, #tpu.memory_space<vmem>> -> memref<128xi32, #tpu.memory_space<vmem>>
    %dma_start3A_11 = arith.constant 0 : i32
    %dma_start3A_12 = arith.constant 0 : i32
    %dma_start3A_13 = tpu.memref_slice %arg2[%dma_start3A_11, %dma_start3A_12] : memref<4096x112xf32, #tpu.memory_space<hbm>> -> memref<4096x112xf32, #tpu.memory_space<hbm>>
    tpu.enqueue_indirect_dma source(%dma_start3A_13 : memref<4096x112xf32, #tpu.memory_space<hbm>>) target(%dma_start3A_7 : memref<128x112xf32, #tpu.memory_space<vmem>>) offsets(%dma_start3A_10 : memref<128xi32, #tpu.memory_space<vmem>>) semaphore(%arg7 : memref<!tpu.dma_semaphore, #tpu.memory_space<semaphore_mem>>)
    %dma_start3A_14 = arith.constant 1 : i32
    %dma_start3A_15 = arith.constant 128 : i32
    %dma_start3A_16 = arith.constant 0 : i32
    %dma_start3A_17 = tpu.memref_slice %arg6[%dma_start3A_15, %dma_start3A_16] : memref<1024x112xf32, #tpu.memory_space<vmem>> -> memref<128x112xf32, #tpu.memory_space<vmem>>
    %dma_start3A_18 = arith.constant 0 : i32
    %dma_start3A_19 = tpu.memref_slice %arg5[%dma_start3A_14, %dma_start3A_18] : memref<8x128xi32, #tpu.memory_space<vmem>> -> memref<1x128xi32, #tpu.memory_space<vmem>>
    %dma_start3A_20 = tpu.memref_squeeze %dma_start3A_19 : memref<1x128xi32, #tpu.memory_space<vmem>> -> memref<128xi32, #tpu.memory_space<vmem>>
    %dma_start3A_21 = arith.constant 0 : i32
    %dma_start3A_22 = arith.constant 0 : i32
    %dma_start3A_23 = tpu.memref_slice %arg2[%dma_start3A_21, %dma_start3A_22] : memref<4096x112xf32, #tpu.memory_space<hbm>> -> memref<4096x112xf32, #tpu.memory_space<hbm>>
    tpu.enqueue_indirect_dma source(%dma_start3A_23 : memref<4096x112xf32, #tpu.memory_space<hbm>>) target(%dma_start3A_17 : memref<128x112xf32, #tpu.memory_space<vmem>>) offsets(%dma_start3A_20 : memref<128xi32, #tpu.memory_space<vmem>>) semaphore(%arg7 : memref<!tpu.dma_semaphore, #tpu.memory_space<semaphore_mem>>)
    %dma_start3A_24 = arith.constant 2 : i32
    %dma_start3A_25 = arith.constant 256 : i32
    %dma_start3A_26 = arith.constant 0 : i32
    %dma_start3A_27 = tpu.memref_slice %arg6[%dma_start3A_25, %dma_start3A_26] : memref<1024x112xf32, #tpu.memory_space<vmem>> -> memref<128x112xf32, #tpu.memory_space<vmem>>
    %dma_start3A_28 = arith.constant 0 : i32
    %dma_start3A_29 = tpu.memref_slice %arg5[%dma_start3A_24, %dma_start3A_28] : memref<8x128xi32, #tpu.memory_space<vmem>> -> memref<1x128xi32, #tpu.memory_space<vmem>>
    %dma_start3A_30 = tpu.memref_squeeze %dma_start3A_29 : memref<1x128xi32, #tpu.memory_space<vmem>> -> memref<128xi32, #tpu.memory_space<vmem>>
    %dma_start3A_31 = arith.constant 0 : i32
    %dma_start3A_32 = arith.constant 0 : i32
    %dma_start3A_33 = tpu.memref_slice %arg2[%dma_start3A_31, %dma_start3A_32] : memref<4096x112xf32, #tpu.memory_space<hbm>> -> memref<4096x112xf32, #tpu.memory_space<hbm>>
    tpu.enqueue_indirect_dma source(%dma_start3A_33 : memref<4096x112xf32, #tpu.memory_space<hbm>>) target(%dma_start3A_27 : memref<128x112xf32, #tpu.memory_space<vmem>>) offsets(%dma_start3A_30 : memref<128xi32, #tpu.memory_space<vmem>>) semaphore(%arg7 : memref<!tpu.dma_semaphore, #tpu.memory_space<semaphore_mem>>)
    %dma_start3A_34 = arith.constant 3 : i32
    %dma_start3A_35 = arith.constant 384 : i32
    %dma_start3A_36 = arith.constant 0 : i32
    %dma_start3A_37 = tpu.memref_slice %arg6[%dma_start3A_35, %dma_start3A_36] : memref<1024x112xf32, #tpu.memory_space<vmem>> -> memref<128x112xf32, #tpu.memory_space<vmem>>
    %dma_start3A_38 = arith.constant 0 : i32
    %dma_start3A_39 = tpu.memref_slice %arg5[%dma_start3A_34, %dma_start3A_38] : memref<8x128xi32, #tpu.memory_space<vmem>> -> memref<1x128xi32, #tpu.memory_space<vmem>>
    %dma_start3A_40 = tpu.memref_squeeze %dma_start3A_39 : memref<1x128xi32, #tpu.memory_space<vmem>> -> memref<128xi32, #tpu.memory_space<vmem>>
    %dma_start3A_41 = arith.constant 0 : i32
    %dma_start3A_42 = arith.constant 0 : i32
    %dma_start3A_43 = tpu.memref_slice %arg2[%dma_start3A_41, %dma_start3A_42] : memref<4096x112xf32, #tpu.memory_space<hbm>> -> memref<4096x112xf32, #tpu.memory_space<hbm>>
    tpu.enqueue_indirect_dma source(%dma_start3A_43 : memref<4096x112xf32, #tpu.memory_space<hbm>>) target(%dma_start3A_37 : memref<128x112xf32, #tpu.memory_space<vmem>>) offsets(%dma_start3A_40 : memref<128xi32, #tpu.memory_space<vmem>>) semaphore(%arg7 : memref<!tpu.dma_semaphore, #tpu.memory_space<semaphore_mem>>)
    %dma_start3A_44 = arith.constant 4 : i32
    %dma_start3A_45 = arith.constant 512 : i32
    %dma_start3A_46 = arith.constant 0 : i32
    %dma_start3A_47 = tpu.memref_slice %arg6[%dma_start3A_45, %dma_start3A_46] : memref<1024x112xf32, #tpu.memory_space<vmem>> -> memref<128x112xf32, #tpu.memory_space<vmem>>
    %dma_start3A_48 = arith.constant 0 : i32
    %dma_start3A_49 = tpu.memref_slice %arg5[%dma_start3A_44, %dma_start3A_48] : memref<8x128xi32, #tpu.memory_space<vmem>> -> memref<1x128xi32, #tpu.memory_space<vmem>>
    %dma_start3A_50 = tpu.memref_squeeze %dma_start3A_49 : memref<1x128xi32, #tpu.memory_space<vmem>> -> memref<128xi32, #tpu.memory_space<vmem>>
    %dma_start3A_51 = arith.constant 0 : i32
    %dma_start3A_52 = arith.constant 0 : i32
    %dma_start3A_53 = tpu.memref_slice %arg2[%dma_start3A_51, %dma_start3A_52] : memref<4096x112xf32, #tpu.memory_space<hbm>> -> memref<4096x112xf32, #tpu.memory_space<hbm>>
    tpu.enqueue_indirect_dma source(%dma_start3A_53 : memref<4096x112xf32, #tpu.memory_space<hbm>>) target(%dma_start3A_47 : memref<128x112xf32, #tpu.memory_space<vmem>>) offsets(%dma_start3A_50 : memref<128xi32, #tpu.memory_space<vmem>>) semaphore(%arg7 : memref<!tpu.dma_semaphore, #tpu.memory_space<semaphore_mem>>)
    %dma_start3A_54 = arith.constant 5 : i32
    %dma_start3A_55 = arith.constant 640 : i32
    %dma_start3A_56 = arith.constant 0 : i32
    %dma_start3A_57 = tpu.memref_slice %arg6[%dma_start3A_55, %dma_start3A_56] : memref<1024x112xf32, #tpu.memory_space<vmem>> -> memref<128x112xf32, #tpu.memory_space<vmem>>
    %dma_start3A_58 = arith.constant 0 : i32
    %dma_start3A_59 = tpu.memref_slice %arg5[%dma_start3A_54, %dma_start3A_58] : memref<8x128xi32, #tpu.memory_space<vmem>> -> memref<1x128xi32, #tpu.memory_space<vmem>>
    %dma_start3A_60 = tpu.memref_squeeze %dma_start3A_59 : memref<1x128xi32, #tpu.memory_space<vmem>> -> memref<128xi32, #tpu.memory_space<vmem>>
    %dma_start3A_61 = arith.constant 0 : i32
    %dma_start3A_62 = arith.constant 0 : i32
    %dma_start3A_63 = tpu.memref_slice %arg2[%dma_start3A_61, %dma_start3A_62] : memref<4096x112xf32, #tpu.memory_space<hbm>> -> memref<4096x112xf32, #tpu.memory_space<hbm>>
    tpu.enqueue_indirect_dma source(%dma_start3A_63 : memref<4096x112xf32, #tpu.memory_space<hbm>>) target(%dma_start3A_57 : memref<128x112xf32, #tpu.memory_space<vmem>>) offsets(%dma_start3A_60 : memref<128xi32, #tpu.memory_space<vmem>>) semaphore(%arg7 : memref<!tpu.dma_semaphore, #tpu.memory_space<semaphore_mem>>)
    %dma_start3A_64 = arith.constant 6 : i32
    %dma_start3A_65 = arith.constant 768 : i32
    %dma_start3A_66 = arith.constant 0 : i32
    %dma_start3A_67 = tpu.memref_slice %arg6[%dma_start3A_65, %dma_start3A_66] : memref<1024x112xf32, #tpu.memory_space<vmem>> -> memref<128x112xf32, #tpu.memory_space<vmem>>
    %dma_start3A_68 = arith.constant 0 : i32
    %dma_start3A_69 = tpu.memref_slice %arg5[%dma_start3A_64, %dma_start3A_68] : memref<8x128xi32, #tpu.memory_space<vmem>> -> memref<1x128xi32, #tpu.memory_space<vmem>>
    %dma_start3A_70 = tpu.memref_squeeze %dma_start3A_69 : memref<1x128xi32, #tpu.memory_space<vmem>> -> memref<128xi32, #tpu.memory_space<vmem>>
    %dma_start3A_71 = arith.constant 0 : i32
    %dma_start3A_72 = arith.constant 0 : i32
    %dma_start3A_73 = tpu.memref_slice %arg2[%dma_start3A_71, %dma_start3A_72] : memref<4096x112xf32, #tpu.memory_space<hbm>> -> memref<4096x112xf32, #tpu.memory_space<hbm>>
    tpu.enqueue_indirect_dma source(%dma_start3A_73 : memref<4096x112xf32, #tpu.memory_space<hbm>>) target(%dma_start3A_67 : memref<128x112xf32, #tpu.memory_space<vmem>>) offsets(%dma_start3A_70 : memref<128xi32, #tpu.memory_space<vmem>>) semaphore(%arg7 : memref<!tpu.dma_semaphore, #tpu.memory_space<semaphore_mem>>)
    %dma_start3A_74 = arith.constant 7 : i32
    %dma_start3A_75 = arith.constant 896 : i32
    %dma_start3A_76 = arith.constant 0 : i32
    %dma_start3A_77 = tpu.memref_slice %arg6[%dma_start3A_75, %dma_start3A_76] : memref<1024x112xf32, #tpu.memory_space<vmem>> -> memref<128x112xf32, #tpu.memory_space<vmem>>
    %dma_start3A_78 = arith.constant 0 : i32
    %dma_start3A_79 = tpu.memref_slice %arg5[%dma_start3A_74, %dma_start3A_78] : memref<8x128xi32, #tpu.memory_space<vmem>> -> memref<1x128xi32, #tpu.memory_space<vmem>>
    %dma_start3A_80 = tpu.memref_squeeze %dma_start3A_79 : memref<1x128xi32, #tpu.memory_space<vmem>> -> memref<128xi32, #tpu.memory_space<vmem>>
    %dma_start3A_81 = arith.constant 0 : i32
    %dma_start3A_82 = arith.constant 0 : i32
    %dma_start3A_83 = tpu.memref_slice %arg2[%dma_start3A_81, %dma_start3A_82] : memref<4096x112xf32, #tpu.memory_space<hbm>> -> memref<4096x112xf32, #tpu.memory_space<hbm>>
    tpu.enqueue_indirect_dma source(%dma_start3A_83 : memref<4096x112xf32, #tpu.memory_space<hbm>>) target(%dma_start3A_77 : memref<128x112xf32, #tpu.memory_space<vmem>>) offsets(%dma_start3A_80 : memref<128xi32, #tpu.memory_space<vmem>>) semaphore(%arg7 : memref<!tpu.dma_semaphore, #tpu.memory_space<semaphore_mem>>)
    %dma_wait3A = arith.constant 0 : i32
    %dma_wait3A_84 = arith.constant 0 : i32
    %dma_wait3A_85 = arith.constant 0 : i32
    %dma_wait3A_86 = tpu.memref_slice %arg6[%dma_wait3A_84, %dma_wait3A_85] : memref<1024x112xf32, #tpu.memory_space<vmem>> -> memref<128x112xf32, #tpu.memory_space<vmem>>
    %dma_wait3A_87 = arith.constant 0 : i32
    %dma_wait3A_88 = tpu.memref_slice %arg5[%dma_wait3A, %dma_wait3A_87] : memref<8x128xi32, #tpu.memory_space<vmem>> -> memref<1x128xi32, #tpu.memory_space<vmem>>
    %dma_wait3A_89 = tpu.memref_squeeze %dma_wait3A_88 : memref<1x128xi32, #tpu.memory_space<vmem>> -> memref<128xi32, #tpu.memory_space<vmem>>
    %dma_wait3A_90 = arith.constant 0 : i32
    %dma_wait3A_91 = arith.constant 0 : i32
    %dma_wait3A_92 = tpu.memref_slice %arg2[%dma_wait3A_90, %dma_wait3A_91] : memref<4096x112xf32, #tpu.memory_space<hbm>> -> memref<4096x112xf32, #tpu.memory_space<hbm>>
    tpu.wait_indirect_dma semaphore(%arg7 : memref<!tpu.dma_semaphore, #tpu.memory_space<semaphore_mem>>) src(%dma_wait3A_92 : memref<4096x112xf32, #tpu.memory_space<hbm>>) dst(%dma_wait3A_86 : memref<128x112xf32, #tpu.memory_space<vmem>>)
    %dma_wait3A_93 = arith.constant 1 : i32
    %dma_wait3A_94 = arith.constant 128 : i32
    %dma_wait3A_95 = arith.constant 0 : i32
    %dma_wait3A_96 = tpu.memref_slice %arg6[%dma_wait3A_94, %dma_wait3A_95] : memref<1024x112xf32, #tpu.memory_space<vmem>> -> memref<128x112xf32, #tpu.memory_space<vmem>>
    %dma_wait3A_97 = arith.constant 0 : i32
    %dma_wait3A_98 = tpu.memref_slice %arg5[%dma_wait3A_93, %dma_wait3A_97] : memref<8x128xi32, #tpu.memory_space<vmem>> -> memref<1x128xi32, #tpu.memory_space<vmem>>
    %dma_wait3A_99 = tpu.memref_squeeze %dma_wait3A_98 : memref<1x128xi32, #tpu.memory_space<vmem>> -> memref<128xi32, #tpu.memory_space<vmem>>
    %dma_wait3A_100 = arith.constant 0 : i32
    %dma_wait3A_101 = arith.constant 0 : i32
    %dma_wait3A_102 = tpu.memref_slice %arg2[%dma_wait3A_100, %dma_wait3A_101] : memref<4096x112xf32, #tpu.memory_space<hbm>> -> memref<4096x112xf32, #tpu.memory_space<hbm>>
    tpu.wait_indirect_dma semaphore(%arg7 : memref<!tpu.dma_semaphore, #tpu.memory_space<semaphore_mem>>) src(%dma_wait3A_102 : memref<4096x112xf32, #tpu.memory_space<hbm>>) dst(%dma_wait3A_96 : memref<128x112xf32, #tpu.memory_space<vmem>>)
    %dma_wait3A_103 = arith.constant 2 : i32
    %dma_wait3A_104 = arith.constant 256 : i32
    %dma_wait3A_105 = arith.constant 0 : i32
    %dma_wait3A_106 = tpu.memref_slice %arg6[%dma_wait3A_104, %dma_wait3A_105] : memref<1024x112xf32, #tpu.memory_space<vmem>> -> memref<128x112xf32, #tpu.memory_space<vmem>>
    %dma_wait3A_107 = arith.constant 0 : i32
    %dma_wait3A_108 = tpu.memref_slice %arg5[%dma_wait3A_103, %dma_wait3A_107] : memref<8x128xi32, #tpu.memory_space<vmem>> -> memref<1x128xi32, #tpu.memory_space<vmem>>
    %dma_wait3A_109 = tpu.memref_squeeze %dma_wait3A_108 : memref<1x128xi32, #tpu.memory_space<vmem>> -> memref<128xi32, #tpu.memory_space<vmem>>
    %dma_wait3A_110 = arith.constant 0 : i32
    %dma_wait3A_111 = arith.constant 0 : i32
    %dma_wait3A_112 = tpu.memref_slice %arg2[%dma_wait3A_110, %dma_wait3A_111] : memref<4096x112xf32, #tpu.memory_space<hbm>> -> memref<4096x112xf32, #tpu.memory_space<hbm>>
    tpu.wait_indirect_dma semaphore(%arg7 : memref<!tpu.dma_semaphore, #tpu.memory_space<semaphore_mem>>) src(%dma_wait3A_112 : memref<4096x112xf32, #tpu.memory_space<hbm>>) dst(%dma_wait3A_106 : memref<128x112xf32, #tpu.memory_space<vmem>>)
    %dma_wait3A_113 = arith.constant 3 : i32
    %dma_wait3A_114 = arith.constant 384 : i32
    %dma_wait3A_115 = arith.constant 0 : i32
    %dma_wait3A_116 = tpu.memref_slice %arg6[%dma_wait3A_114, %dma_wait3A_115] : memref<1024x112xf32, #tpu.memory_space<vmem>> -> memref<128x112xf32, #tpu.memory_space<vmem>>
    %dma_wait3A_117 = arith.constant 0 : i32
    %dma_wait3A_118 = tpu.memref_slice %arg5[%dma_wait3A_113, %dma_wait3A_117] : memref<8x128xi32, #tpu.memory_space<vmem>> -> memref<1x128xi32, #tpu.memory_space<vmem>>
    %dma_wait3A_119 = tpu.memref_squeeze %dma_wait3A_118 : memref<1x128xi32, #tpu.memory_space<vmem>> -> memref<128xi32, #tpu.memory_space<vmem>>
    %dma_wait3A_120 = arith.constant 0 : i32
    %dma_wait3A_121 = arith.constant 0 : i32
    %dma_wait3A_122 = tpu.memref_slice %arg2[%dma_wait3A_120, %dma_wait3A_121] : memref<4096x112xf32, #tpu.memory_space<hbm>> -> memref<4096x112xf32, #tpu.memory_space<hbm>>
    tpu.wait_indirect_dma semaphore(%arg7 : memref<!tpu.dma_semaphore, #tpu.memory_space<semaphore_mem>>) src(%dma_wait3A_122 : memref<4096x112xf32, #tpu.memory_space<hbm>>) dst(%dma_wait3A_116 : memref<128x112xf32, #tpu.memory_space<vmem>>)
    %dma_wait3A_123 = arith.constant 4 : i32
    %dma_wait3A_124 = arith.constant 512 : i32
    %dma_wait3A_125 = arith.constant 0 : i32
    %dma_wait3A_126 = tpu.memref_slice %arg6[%dma_wait3A_124, %dma_wait3A_125] : memref<1024x112xf32, #tpu.memory_space<vmem>> -> memref<128x112xf32, #tpu.memory_space<vmem>>
    %dma_wait3A_127 = arith.constant 0 : i32
    %dma_wait3A_128 = tpu.memref_slice %arg5[%dma_wait3A_123, %dma_wait3A_127] : memref<8x128xi32, #tpu.memory_space<vmem>> -> memref<1x128xi32, #tpu.memory_space<vmem>>
    %dma_wait3A_129 = tpu.memref_squeeze %dma_wait3A_128 : memref<1x128xi32, #tpu.memory_space<vmem>> -> memref<128xi32, #tpu.memory_space<vmem>>
    %dma_wait3A_130 = arith.constant 0 : i32
    %dma_wait3A_131 = arith.constant 0 : i32
    %dma_wait3A_132 = tpu.memref_slice %arg2[%dma_wait3A_130, %dma_wait3A_131] : memref<4096x112xf32, #tpu.memory_space<hbm>> -> memref<4096x112xf32, #tpu.memory_space<hbm>>
    tpu.wait_indirect_dma semaphore(%arg7 : memref<!tpu.dma_semaphore, #tpu.memory_space<semaphore_mem>>) src(%dma_wait3A_132 : memref<4096x112xf32, #tpu.memory_space<hbm>>) dst(%dma_wait3A_126 : memref<128x112xf32, #tpu.memory_space<vmem>>)
    %dma_wait3A_133 = arith.constant 5 : i32
    %dma_wait3A_134 = arith.constant 640 : i32
    %dma_wait3A_135 = arith.constant 0 : i32
    %dma_wait3A_136 = tpu.memref_slice %arg6[%dma_wait3A_134, %dma_wait3A_135] : memref<1024x112xf32, #tpu.memory_space<vmem>> -> memref<128x112xf32, #tpu.memory_space<vmem>>
    %dma_wait3A_137 = arith.constant 0 : i32
    %dma_wait3A_138 = tpu.memref_slice %arg5[%dma_wait3A_133, %dma_wait3A_137] : memref<8x128xi32, #tpu.memory_space<vmem>> -> memref<1x128xi32, #tpu.memory_space<vmem>>
    %dma_wait3A_139 = tpu.memref_squeeze %dma_wait3A_138 : memref<1x128xi32, #tpu.memory_space<vmem>> -> memref<128xi32, #tpu.memory_space<vmem>>
    %dma_wait3A_140 = arith.constant 0 : i32
    %dma_wait3A_141 = arith.constant 0 : i32
    %dma_wait3A_142 = tpu.memref_slice %arg2[%dma_wait3A_140, %dma_wait3A_141] : memref<4096x112xf32, #tpu.memory_space<hbm>> -> memref<4096x112xf32, #tpu.memory_space<hbm>>
    tpu.wait_indirect_dma semaphore(%arg7 : memref<!tpu.dma_semaphore, #tpu.memory_space<semaphore_mem>>) src(%dma_wait3A_142 : memref<4096x112xf32, #tpu.memory_space<hbm>>) dst(%dma_wait3A_136 : memref<128x112xf32, #tpu.memory_space<vmem>>)
    %dma_wait3A_143 = arith.constant 6 : i32
    %dma_wait3A_144 = arith.constant 768 : i32
    %dma_wait3A_145 = arith.constant 0 : i32
    %dma_wait3A_146 = tpu.memref_slice %arg6[%dma_wait3A_144, %dma_wait3A_145] : memref<1024x112xf32, #tpu.memory_space<vmem>> -> memref<128x112xf32, #tpu.memory_space<vmem>>
    %dma_wait3A_147 = arith.constant 0 : i32
    %dma_wait3A_148 = tpu.memref_slice %arg5[%dma_wait3A_143, %dma_wait3A_147] : memref<8x128xi32, #tpu.memory_space<vmem>> -> memref<1x128xi32, #tpu.memory_space<vmem>>
    %dma_wait3A_149 = tpu.memref_squeeze %dma_wait3A_148 : memref<1x128xi32, #tpu.memory_space<vmem>> -> memref<128xi32, #tpu.memory_space<vmem>>
    %dma_wait3A_150 = arith.constant 0 : i32
    %dma_wait3A_151 = arith.constant 0 : i32
    %dma_wait3A_152 = tpu.memref_slice %arg2[%dma_wait3A_150, %dma_wait3A_151] : memref<4096x112xf32, #tpu.memory_space<hbm>> -> memref<4096x112xf32, #tpu.memory_space<hbm>>
    tpu.wait_indirect_dma semaphore(%arg7 : memref<!tpu.dma_semaphore, #tpu.memory_space<semaphore_mem>>) src(%dma_wait3A_152 : memref<4096x112xf32, #tpu.memory_space<hbm>>) dst(%dma_wait3A_146 : memref<128x112xf32, #tpu.memory_space<vmem>>)
    %dma_wait3A_153 = arith.constant 7 : i32
    %dma_wait3A_154 = arith.constant 896 : i32
    %dma_wait3A_155 = arith.constant 0 : i32
    %dma_wait3A_156 = tpu.memref_slice %arg6[%dma_wait3A_154, %dma_wait3A_155] : memref<1024x112xf32, #tpu.memory_space<vmem>> -> memref<128x112xf32, #tpu.memory_space<vmem>>
    %dma_wait3A_157 = arith.constant 0 : i32
    %dma_wait3A_158 = tpu.memref_slice %arg5[%dma_wait3A_153, %dma_wait3A_157] : memref<8x128xi32, #tpu.memory_space<vmem>> -> memref<1x128xi32, #tpu.memory_space<vmem>>
    %dma_wait3A_159 = tpu.memref_squeeze %dma_wait3A_158 : memref<1x128xi32, #tpu.memory_space<vmem>> -> memref<128xi32, #tpu.memory_space<vmem>>
    %dma_wait3A_160 = arith.constant 0 : i32
    %dma_wait3A_161 = arith.constant 0 : i32
    %dma_wait3A_162 = tpu.memref_slice %arg2[%dma_wait3A_160, %dma_wait3A_161] : memref<4096x112xf32, #tpu.memory_space<hbm>> -> memref<4096x112xf32, #tpu.memory_space<hbm>>
    tpu.wait_indirect_dma semaphore(%arg7 : memref<!tpu.dma_semaphore, #tpu.memory_space<semaphore_mem>>) src(%dma_wait3A_162 : memref<4096x112xf32, #tpu.memory_space<hbm>>) dst(%dma_wait3A_156 : memref<128x112xf32, #tpu.memory_space<vmem>>)
    "tpu.region"() ({
      %run_scoped3A = tpu.sem_alloc : memref<!tpu.dma_semaphore, #tpu.memory_space<semaphore_mem>>
      %dma_start3A_163 = arith.constant 0 : i32
      %dma_start3A_164 = tpu.memref_slice %arg4[%mul3A_2, %dma_start3A_163] : memref<32768x112xf32, #tpu.memory_space<hbm>> -> memref<1024x112xf32, #tpu.memory_space<hbm>>
      %dma_start3A_165 = arith.constant 0 : i32
      %dma_start3A_166 = tpu.memref_slice %arg4[%mul3A_2, %dma_start3A_165] : memref<32768x112xf32, #tpu.memory_space<hbm>> -> memref<1024x112xf32, #tpu.memory_space<hbm>>
      tpu.enqueue_dma source(%arg6 : memref<1024x112xf32, #tpu.memory_space<vmem>>) target(%dma_start3A_166 : memref<1024x112xf32, #tpu.memory_space<hbm>>) target_semaphore(%run_scoped3A : memref<!tpu.dma_semaphore, #tpu.memory_space<semaphore_mem>>)
      %dma_wait3A_167 = arith.constant 0 : i32
      %dma_wait3A_168 = tpu.memref_slice %arg4[%mul3A_2, %dma_wait3A_167] : memref<32768x112xf32, #tpu.memory_space<hbm>> -> memref<1024x112xf32, #tpu.memory_space<hbm>>
      %dma_wait3A_169 = arith.constant 0 : i32
      %dma_wait3A_170 = tpu.memref_slice %arg4[%mul3A_2, %dma_wait3A_169] : memref<32768x112xf32, #tpu.memory_space<hbm>> -> memref<1024x112xf32, #tpu.memory_space<hbm>>
      tpu.wait_dma2 semaphore(%run_scoped3A : memref<!tpu.dma_semaphore, #tpu.memory_space<semaphore_mem>>) src(%arg6 : memref<1024x112xf32, #tpu.memory_space<vmem>>) dst(%dma_wait3A_170 : memref<1024x112xf32, #tpu.memory_space<hbm>>)
      tpu.yield
    }) : () -> ()
    return
  }
}

#map = affine_map<(d0, d1) -> (0, 0)>
module attributes {stable_mosaic.version = 14 : i64} {
  func.func @gat(%arg0: i32, %arg1: i32, %arg2: memref<8192x16xf32, #tpu.memory_space<hbm>>, %arg3: memref<512x128xi32, #tpu.memory_space<hbm>>, %arg4: memref<65536x16xf32, #tpu.memory_space<hbm>>, %arg5: memref<16x128xi32, #tpu.memory_space<vmem>>, %arg6: memref<2048x16xf32, #tpu.memory_space<vmem>>, %arg7: memref<!tpu.dma_semaphore, #tpu.memory_space<semaphore_mem>>) attributes {dimension_semantics = [#tpu.dimension_semantics<core_parallel>, #tpu.dimension_semantics<subcore_parallel>], iteration_bounds = array<i64: 2, 16>, scalar_prefetch = 0 : i64, scratch_operands = 3 : i64, tpu.core_type = #tpu.core_type<sc_vector_subcore>, window_params = [{transform_indices = #map}, {transform_indices = #map}, {transform_indices = #map}]} {
    %mul3A = arith.constant 2 : i32
    %mul3A_0 = arith.muli %arg1, %mul3A : i32
    %add3A = arith.addi %mul3A_0, %arg0 : i32
    %mul3A_1 = arith.constant 2048 : i32
    %mul3A_2 = arith.muli %add3A, %mul3A_1 : i32
    %mul3A_3 = arith.constant 16 : i32
    %mul3A_4 = arith.muli %add3A, %mul3A_3 : i32
    "tpu.region"() ({
      %run_scoped3A = tpu.sem_alloc : memref<!tpu.dma_semaphore, #tpu.memory_space<semaphore_mem>>
      %dma_start3A_323 = arith.constant 0 : i32
      %dma_start3A_324 = tpu.memref_slice %arg3[%mul3A_4, %dma_start3A_323] : memref<512x128xi32, #tpu.memory_space<hbm>> -> memref<16x128xi32, #tpu.memory_space<hbm>>
      %dma_start3A_325 = arith.constant 0 : i32
      %dma_start3A_326 = tpu.memref_slice %arg3[%mul3A_4, %dma_start3A_325] : memref<512x128xi32, #tpu.memory_space<hbm>> -> memref<16x128xi32, #tpu.memory_space<hbm>>
      tpu.enqueue_dma source(%dma_start3A_326 : memref<16x128xi32, #tpu.memory_space<hbm>>) target(%arg5 : memref<16x128xi32, #tpu.memory_space<vmem>>) target_semaphore(%run_scoped3A : memref<!tpu.dma_semaphore, #tpu.memory_space<semaphore_mem>>)
      %dma_wait3A_327 = arith.constant 0 : i32
      %dma_wait3A_328 = tpu.memref_slice %arg3[%mul3A_4, %dma_wait3A_327] : memref<512x128xi32, #tpu.memory_space<hbm>> -> memref<16x128xi32, #tpu.memory_space<hbm>>
      %dma_wait3A_329 = arith.constant 0 : i32
      %dma_wait3A_330 = tpu.memref_slice %arg3[%mul3A_4, %dma_wait3A_329] : memref<512x128xi32, #tpu.memory_space<hbm>> -> memref<16x128xi32, #tpu.memory_space<hbm>>
      tpu.wait_dma2 semaphore(%run_scoped3A : memref<!tpu.dma_semaphore, #tpu.memory_space<semaphore_mem>>) src(%dma_wait3A_330 : memref<16x128xi32, #tpu.memory_space<hbm>>) dst(%arg5 : memref<16x128xi32, #tpu.memory_space<vmem>>)
      tpu.yield
    }) : () -> ()
    %dma_start3A = arith.constant 0 : i32
    %dma_start3A_5 = arith.constant 0 : i32
    %dma_start3A_6 = arith.constant 0 : i32
    %dma_start3A_7 = tpu.memref_slice %arg6[%dma_start3A_5, %dma_start3A_6] : memref<2048x16xf32, #tpu.memory_space<vmem>> -> memref<128x16xf32, #tpu.memory_space<vmem>>
    %dma_start3A_8 = arith.constant 0 : i32
    %dma_start3A_9 = tpu.memref_slice %arg5[%dma_start3A, %dma_start3A_8] : memref<16x128xi32, #tpu.memory_space<vmem>> -> memref<1x128xi32, #tpu.memory_space<vmem>>
    %dma_start3A_10 = tpu.memref_squeeze %dma_start3A_9 : memref<1x128xi32, #tpu.memory_space<vmem>> -> memref<128xi32, #tpu.memory_space<vmem>>
    %dma_start3A_11 = arith.constant 0 : i32
    %dma_start3A_12 = arith.constant 0 : i32
    %dma_start3A_13 = tpu.memref_slice %arg2[%dma_start3A_11, %dma_start3A_12] : memref<8192x16xf32, #tpu.memory_space<hbm>> -> memref<8192x16xf32, #tpu.memory_space<hbm>>
    tpu.enqueue_indirect_dma source(%dma_start3A_13 : memref<8192x16xf32, #tpu.memory_space<hbm>>) target(%dma_start3A_7 : memref<128x16xf32, #tpu.memory_space<vmem>>) offsets(%dma_start3A_10 : memref<128xi32, #tpu.memory_space<vmem>>) semaphore(%arg7 : memref<!tpu.dma_semaphore, #tpu.memory_space<semaphore_mem>>)
    %dma_start3A_14 = arith.constant 1 : i32
    %dma_start3A_15 = arith.constant 128 : i32
    %dma_start3A_16 = arith.constant 0 : i32
    %dma_start3A_17 = tpu.memref_slice %arg6[%dma_start3A_15, %dma_start3A_16] : memref<2048x16xf32, #tpu.memory_space<vmem>> -> memref<128x16xf32, #tpu.memory_space<vmem>>
    %dma_start3A_18 = arith.constant 0 : i32
    %dma_start3A_19 = tpu.memref_slice %arg5[%dma_start3A_14, %dma_start3A_18] : memref<16x128xi32, #tpu.memory_space<vmem>> -> memref<1x128xi32, #tpu.memory_space<vmem>>
    %dma_start3A_20 = tpu.memref_squeeze %dma_start3A_19 : memref<1x128xi32, #tpu.memory_space<vmem>> -> memref<128xi32, #tpu.memory_space<vmem>>
    %dma_start3A_21 = arith.constant 0 : i32
    %dma_start3A_22 = arith.constant 0 : i32
    %dma_start3A_23 = tpu.memref_slice %arg2[%dma_start3A_21, %dma_start3A_22] : memref<8192x16xf32, #tpu.memory_space<hbm>> -> memref<8192x16xf32, #tpu.memory_space<hbm>>
    tpu.enqueue_indirect_dma source(%dma_start3A_23 : memref<8192x16xf32, #tpu.memory_space<hbm>>) target(%dma_start3A_17 : memref<128x16xf32, #tpu.memory_space<vmem>>) offsets(%dma_start3A_20 : memref<128xi32, #tpu.memory_space<vmem>>) semaphore(%arg7 : memref<!tpu.dma_semaphore, #tpu.memory_space<semaphore_mem>>)
    %dma_start3A_24 = arith.constant 2 : i32
    %dma_start3A_25 = arith.constant 256 : i32
    %dma_start3A_26 = arith.constant 0 : i32
    %dma_start3A_27 = tpu.memref_slice %arg6[%dma_start3A_25, %dma_start3A_26] : memref<2048x16xf32, #tpu.memory_space<vmem>> -> memref<128x16xf32, #tpu.memory_space<vmem>>
    %dma_start3A_28 = arith.constant 0 : i32
    %dma_start3A_29 = tpu.memref_slice %arg5[%dma_start3A_24, %dma_start3A_28] : memref<16x128xi32, #tpu.memory_space<vmem>> -> memref<1x128xi32, #tpu.memory_space<vmem>>
    %dma_start3A_30 = tpu.memref_squeeze %dma_start3A_29 : memref<1x128xi32, #tpu.memory_space<vmem>> -> memref<128xi32, #tpu.memory_space<vmem>>
    %dma_start3A_31 = arith.constant 0 : i32
    %dma_start3A_32 = arith.constant 0 : i32
    %dma_start3A_33 = tpu.memref_slice %arg2[%dma_start3A_31, %dma_start3A_32] : memref<8192x16xf32, #tpu.memory_space<hbm>> -> memref<8192x16xf32, #tpu.memory_space<hbm>>
    tpu.enqueue_indirect_dma source(%dma_start3A_33 : memref<8192x16xf32, #tpu.memory_space<hbm>>) target(%dma_start3A_27 : memref<128x16xf32, #tpu.memory_space<vmem>>) offsets(%dma_start3A_30 : memref<128xi32, #tpu.memory_space<vmem>>) semaphore(%arg7 : memref<!tpu.dma_semaphore, #tpu.memory_space<semaphore_mem>>)
    %dma_start3A_34 = arith.constant 3 : i32
    %dma_start3A_35 = arith.constant 384 : i32
    %dma_start3A_36 = arith.constant 0 : i32
    %dma_start3A_37 = tpu.memref_slice %arg6[%dma_start3A_35, %dma_start3A_36] : memref<2048x16xf32, #tpu.memory_space<vmem>> -> memref<128x16xf32, #tpu.memory_space<vmem>>
    %dma_start3A_38 = arith.constant 0 : i32
    %dma_start3A_39 = tpu.memref_slice %arg5[%dma_start3A_34, %dma_start3A_38] : memref<16x128xi32, #tpu.memory_space<vmem>> -> memref<1x128xi32, #tpu.memory_space<vmem>>
    %dma_start3A_40 = tpu.memref_squeeze %dma_start3A_39 : memref<1x128xi32, #tpu.memory_space<vmem>> -> memref<128xi32, #tpu.memory_space<vmem>>
    %dma_start3A_41 = arith.constant 0 : i32
    %dma_start3A_42 = arith.constant 0 : i32
    %dma_start3A_43 = tpu.memref_slice %arg2[%dma_start3A_41, %dma_start3A_42] : memref<8192x16xf32, #tpu.memory_space<hbm>> -> memref<8192x16xf32, #tpu.memory_space<hbm>>
    tpu.enqueue_indirect_dma source(%dma_start3A_43 : memref<8192x16xf32, #tpu.memory_space<hbm>>) target(%dma_start3A_37 : memref<128x16xf32, #tpu.memory_space<vmem>>) offsets(%dma_start3A_40 : memref<128xi32, #tpu.memory_space<vmem>>) semaphore(%arg7 : memref<!tpu.dma_semaphore, #tpu.memory_space<semaphore_mem>>)
    %dma_start3A_44 = arith.constant 4 : i32
    %dma_start3A_45 = arith.constant 512 : i32
    %dma_start3A_46 = arith.constant 0 : i32
    %dma_start3A_47 = tpu.memref_slice %arg6[%dma_start3A_45, %dma_start3A_46] : memref<2048x16xf32, #tpu.memory_space<vmem>> -> memref<128x16xf32, #tpu.memory_space<vmem>>
    %dma_start3A_48 = arith.constant 0 : i32
    %dma_start3A_49 = tpu.memref_slice %arg5[%dma_start3A_44, %dma_start3A_48] : memref<16x128xi32, #tpu.memory_space<vmem>> -> memref<1x128xi32, #tpu.memory_space<vmem>>
    %dma_start3A_50 = tpu.memref_squeeze %dma_start3A_49 : memref<1x128xi32, #tpu.memory_space<vmem>> -> memref<128xi32, #tpu.memory_space<vmem>>
    %dma_start3A_51 = arith.constant 0 : i32
    %dma_start3A_52 = arith.constant 0 : i32
    %dma_start3A_53 = tpu.memref_slice %arg2[%dma_start3A_51, %dma_start3A_52] : memref<8192x16xf32, #tpu.memory_space<hbm>> -> memref<8192x16xf32, #tpu.memory_space<hbm>>
    tpu.enqueue_indirect_dma source(%dma_start3A_53 : memref<8192x16xf32, #tpu.memory_space<hbm>>) target(%dma_start3A_47 : memref<128x16xf32, #tpu.memory_space<vmem>>) offsets(%dma_start3A_50 : memref<128xi32, #tpu.memory_space<vmem>>) semaphore(%arg7 : memref<!tpu.dma_semaphore, #tpu.memory_space<semaphore_mem>>)
    %dma_start3A_54 = arith.constant 5 : i32
    %dma_start3A_55 = arith.constant 640 : i32
    %dma_start3A_56 = arith.constant 0 : i32
    %dma_start3A_57 = tpu.memref_slice %arg6[%dma_start3A_55, %dma_start3A_56] : memref<2048x16xf32, #tpu.memory_space<vmem>> -> memref<128x16xf32, #tpu.memory_space<vmem>>
    %dma_start3A_58 = arith.constant 0 : i32
    %dma_start3A_59 = tpu.memref_slice %arg5[%dma_start3A_54, %dma_start3A_58] : memref<16x128xi32, #tpu.memory_space<vmem>> -> memref<1x128xi32, #tpu.memory_space<vmem>>
    %dma_start3A_60 = tpu.memref_squeeze %dma_start3A_59 : memref<1x128xi32, #tpu.memory_space<vmem>> -> memref<128xi32, #tpu.memory_space<vmem>>
    %dma_start3A_61 = arith.constant 0 : i32
    %dma_start3A_62 = arith.constant 0 : i32
    %dma_start3A_63 = tpu.memref_slice %arg2[%dma_start3A_61, %dma_start3A_62] : memref<8192x16xf32, #tpu.memory_space<hbm>> -> memref<8192x16xf32, #tpu.memory_space<hbm>>
    tpu.enqueue_indirect_dma source(%dma_start3A_63 : memref<8192x16xf32, #tpu.memory_space<hbm>>) target(%dma_start3A_57 : memref<128x16xf32, #tpu.memory_space<vmem>>) offsets(%dma_start3A_60 : memref<128xi32, #tpu.memory_space<vmem>>) semaphore(%arg7 : memref<!tpu.dma_semaphore, #tpu.memory_space<semaphore_mem>>)
    %dma_start3A_64 = arith.constant 6 : i32
    %dma_start3A_65 = arith.constant 768 : i32
    %dma_start3A_66 = arith.constant 0 : i32
    %dma_start3A_67 = tpu.memref_slice %arg6[%dma_start3A_65, %dma_start3A_66] : memref<2048x16xf32, #tpu.memory_space<vmem>> -> memref<128x16xf32, #tpu.memory_space<vmem>>
    %dma_start3A_68 = arith.constant 0 : i32
    %dma_start3A_69 = tpu.memref_slice %arg5[%dma_start3A_64, %dma_start3A_68] : memref<16x128xi32, #tpu.memory_space<vmem>> -> memref<1x128xi32, #tpu.memory_space<vmem>>
    %dma_start3A_70 = tpu.memref_squeeze %dma_start3A_69 : memref<1x128xi32, #tpu.memory_space<vmem>> -> memref<128xi32, #tpu.memory_space<vmem>>
    %dma_start3A_71 = arith.constant 0 : i32
    %dma_start3A_72 = arith.constant 0 : i32
    %dma_start3A_73 = tpu.memref_slice %arg2[%dma_start3A_71, %dma_start3A_72] : memref<8192x16xf32, #tpu.memory_space<hbm>> -> memref<8192x16xf32, #tpu.memory_space<hbm>>
    tpu.enqueue_indirect_dma source(%dma_start3A_73 : memref<8192x16xf32, #tpu.memory_space<hbm>>) target(%dma_start3A_67 : memref<128x16xf32, #tpu.memory_space<vmem>>) offsets(%dma_start3A_70 : memref<128xi32, #tpu.memory_space<vmem>>) semaphore(%arg7 : memref<!tpu.dma_semaphore, #tpu.memory_space<semaphore_mem>>)
    %dma_start3A_74 = arith.constant 7 : i32
    %dma_start3A_75 = arith.constant 896 : i32
    %dma_start3A_76 = arith.constant 0 : i32
    %dma_start3A_77 = tpu.memref_slice %arg6[%dma_start3A_75, %dma_start3A_76] : memref<2048x16xf32, #tpu.memory_space<vmem>> -> memref<128x16xf32, #tpu.memory_space<vmem>>
    %dma_start3A_78 = arith.constant 0 : i32
    %dma_start3A_79 = tpu.memref_slice %arg5[%dma_start3A_74, %dma_start3A_78] : memref<16x128xi32, #tpu.memory_space<vmem>> -> memref<1x128xi32, #tpu.memory_space<vmem>>
    %dma_start3A_80 = tpu.memref_squeeze %dma_start3A_79 : memref<1x128xi32, #tpu.memory_space<vmem>> -> memref<128xi32, #tpu.memory_space<vmem>>
    %dma_start3A_81 = arith.constant 0 : i32
    %dma_start3A_82 = arith.constant 0 : i32
    %dma_start3A_83 = tpu.memref_slice %arg2[%dma_start3A_81, %dma_start3A_82] : memref<8192x16xf32, #tpu.memory_space<hbm>> -> memref<8192x16xf32, #tpu.memory_space<hbm>>
    tpu.enqueue_indirect_dma source(%dma_start3A_83 : memref<8192x16xf32, #tpu.memory_space<hbm>>) target(%dma_start3A_77 : memref<128x16xf32, #tpu.memory_space<vmem>>) offsets(%dma_start3A_80 : memref<128xi32, #tpu.memory_space<vmem>>) semaphore(%arg7 : memref<!tpu.dma_semaphore, #tpu.memory_space<semaphore_mem>>)
    %dma_start3A_84 = arith.constant 8 : i32
    %dma_start3A_85 = arith.constant 1024 : i32
    %dma_start3A_86 = arith.constant 0 : i32
    %dma_start3A_87 = tpu.memref_slice %arg6[%dma_start3A_85, %dma_start3A_86] : memref<2048x16xf32, #tpu.memory_space<vmem>> -> memref<128x16xf32, #tpu.memory_space<vmem>>
    %dma_start3A_88 = arith.constant 0 : i32
    %dma_start3A_89 = tpu.memref_slice %arg5[%dma_start3A_84, %dma_start3A_88] : memref<16x128xi32, #tpu.memory_space<vmem>> -> memref<1x128xi32, #tpu.memory_space<vmem>>
    %dma_start3A_90 = tpu.memref_squeeze %dma_start3A_89 : memref<1x128xi32, #tpu.memory_space<vmem>> -> memref<128xi32, #tpu.memory_space<vmem>>
    %dma_start3A_91 = arith.constant 0 : i32
    %dma_start3A_92 = arith.constant 0 : i32
    %dma_start3A_93 = tpu.memref_slice %arg2[%dma_start3A_91, %dma_start3A_92] : memref<8192x16xf32, #tpu.memory_space<hbm>> -> memref<8192x16xf32, #tpu.memory_space<hbm>>
    tpu.enqueue_indirect_dma source(%dma_start3A_93 : memref<8192x16xf32, #tpu.memory_space<hbm>>) target(%dma_start3A_87 : memref<128x16xf32, #tpu.memory_space<vmem>>) offsets(%dma_start3A_90 : memref<128xi32, #tpu.memory_space<vmem>>) semaphore(%arg7 : memref<!tpu.dma_semaphore, #tpu.memory_space<semaphore_mem>>)
    %dma_start3A_94 = arith.constant 9 : i32
    %dma_start3A_95 = arith.constant 1152 : i32
    %dma_start3A_96 = arith.constant 0 : i32
    %dma_start3A_97 = tpu.memref_slice %arg6[%dma_start3A_95, %dma_start3A_96] : memref<2048x16xf32, #tpu.memory_space<vmem>> -> memref<128x16xf32, #tpu.memory_space<vmem>>
    %dma_start3A_98 = arith.constant 0 : i32
    %dma_start3A_99 = tpu.memref_slice %arg5[%dma_start3A_94, %dma_start3A_98] : memref<16x128xi32, #tpu.memory_space<vmem>> -> memref<1x128xi32, #tpu.memory_space<vmem>>
    %dma_start3A_100 = tpu.memref_squeeze %dma_start3A_99 : memref<1x128xi32, #tpu.memory_space<vmem>> -> memref<128xi32, #tpu.memory_space<vmem>>
    %dma_start3A_101 = arith.constant 0 : i32
    %dma_start3A_102 = arith.constant 0 : i32
    %dma_start3A_103 = tpu.memref_slice %arg2[%dma_start3A_101, %dma_start3A_102] : memref<8192x16xf32, #tpu.memory_space<hbm>> -> memref<8192x16xf32, #tpu.memory_space<hbm>>
    tpu.enqueue_indirect_dma source(%dma_start3A_103 : memref<8192x16xf32, #tpu.memory_space<hbm>>) target(%dma_start3A_97 : memref<128x16xf32, #tpu.memory_space<vmem>>) offsets(%dma_start3A_100 : memref<128xi32, #tpu.memory_space<vmem>>) semaphore(%arg7 : memref<!tpu.dma_semaphore, #tpu.memory_space<semaphore_mem>>)
    %dma_start3A_104 = arith.constant 10 : i32
    %dma_start3A_105 = arith.constant 1280 : i32
    %dma_start3A_106 = arith.constant 0 : i32
    %dma_start3A_107 = tpu.memref_slice %arg6[%dma_start3A_105, %dma_start3A_106] : memref<2048x16xf32, #tpu.memory_space<vmem>> -> memref<128x16xf32, #tpu.memory_space<vmem>>
    %dma_start3A_108 = arith.constant 0 : i32
    %dma_start3A_109 = tpu.memref_slice %arg5[%dma_start3A_104, %dma_start3A_108] : memref<16x128xi32, #tpu.memory_space<vmem>> -> memref<1x128xi32, #tpu.memory_space<vmem>>
    %dma_start3A_110 = tpu.memref_squeeze %dma_start3A_109 : memref<1x128xi32, #tpu.memory_space<vmem>> -> memref<128xi32, #tpu.memory_space<vmem>>
    %dma_start3A_111 = arith.constant 0 : i32
    %dma_start3A_112 = arith.constant 0 : i32
    %dma_start3A_113 = tpu.memref_slice %arg2[%dma_start3A_111, %dma_start3A_112] : memref<8192x16xf32, #tpu.memory_space<hbm>> -> memref<8192x16xf32, #tpu.memory_space<hbm>>
    tpu.enqueue_indirect_dma source(%dma_start3A_113 : memref<8192x16xf32, #tpu.memory_space<hbm>>) target(%dma_start3A_107 : memref<128x16xf32, #tpu.memory_space<vmem>>) offsets(%dma_start3A_110 : memref<128xi32, #tpu.memory_space<vmem>>) semaphore(%arg7 : memref<!tpu.dma_semaphore, #tpu.memory_space<semaphore_mem>>)
    %dma_start3A_114 = arith.constant 11 : i32
    %dma_start3A_115 = arith.constant 1408 : i32
    %dma_start3A_116 = arith.constant 0 : i32
    %dma_start3A_117 = tpu.memref_slice %arg6[%dma_start3A_115, %dma_start3A_116] : memref<2048x16xf32, #tpu.memory_space<vmem>> -> memref<128x16xf32, #tpu.memory_space<vmem>>
    %dma_start3A_118 = arith.constant 0 : i32
    %dma_start3A_119 = tpu.memref_slice %arg5[%dma_start3A_114, %dma_start3A_118] : memref<16x128xi32, #tpu.memory_space<vmem>> -> memref<1x128xi32, #tpu.memory_space<vmem>>
    %dma_start3A_120 = tpu.memref_squeeze %dma_start3A_119 : memref<1x128xi32, #tpu.memory_space<vmem>> -> memref<128xi32, #tpu.memory_space<vmem>>
    %dma_start3A_121 = arith.constant 0 : i32
    %dma_start3A_122 = arith.constant 0 : i32
    %dma_start3A_123 = tpu.memref_slice %arg2[%dma_start3A_121, %dma_start3A_122] : memref<8192x16xf32, #tpu.memory_space<hbm>> -> memref<8192x16xf32, #tpu.memory_space<hbm>>
    tpu.enqueue_indirect_dma source(%dma_start3A_123 : memref<8192x16xf32, #tpu.memory_space<hbm>>) target(%dma_start3A_117 : memref<128x16xf32, #tpu.memory_space<vmem>>) offsets(%dma_start3A_120 : memref<128xi32, #tpu.memory_space<vmem>>) semaphore(%arg7 : memref<!tpu.dma_semaphore, #tpu.memory_space<semaphore_mem>>)
    %dma_start3A_124 = arith.constant 12 : i32
    %dma_start3A_125 = arith.constant 1536 : i32
    %dma_start3A_126 = arith.constant 0 : i32
    %dma_start3A_127 = tpu.memref_slice %arg6[%dma_start3A_125, %dma_start3A_126] : memref<2048x16xf32, #tpu.memory_space<vmem>> -> memref<128x16xf32, #tpu.memory_space<vmem>>
    %dma_start3A_128 = arith.constant 0 : i32
    %dma_start3A_129 = tpu.memref_slice %arg5[%dma_start3A_124, %dma_start3A_128] : memref<16x128xi32, #tpu.memory_space<vmem>> -> memref<1x128xi32, #tpu.memory_space<vmem>>
    %dma_start3A_130 = tpu.memref_squeeze %dma_start3A_129 : memref<1x128xi32, #tpu.memory_space<vmem>> -> memref<128xi32, #tpu.memory_space<vmem>>
    %dma_start3A_131 = arith.constant 0 : i32
    %dma_start3A_132 = arith.constant 0 : i32
    %dma_start3A_133 = tpu.memref_slice %arg2[%dma_start3A_131, %dma_start3A_132] : memref<8192x16xf32, #tpu.memory_space<hbm>> -> memref<8192x16xf32, #tpu.memory_space<hbm>>
    tpu.enqueue_indirect_dma source(%dma_start3A_133 : memref<8192x16xf32, #tpu.memory_space<hbm>>) target(%dma_start3A_127 : memref<128x16xf32, #tpu.memory_space<vmem>>) offsets(%dma_start3A_130 : memref<128xi32, #tpu.memory_space<vmem>>) semaphore(%arg7 : memref<!tpu.dma_semaphore, #tpu.memory_space<semaphore_mem>>)
    %dma_start3A_134 = arith.constant 13 : i32
    %dma_start3A_135 = arith.constant 1664 : i32
    %dma_start3A_136 = arith.constant 0 : i32
    %dma_start3A_137 = tpu.memref_slice %arg6[%dma_start3A_135, %dma_start3A_136] : memref<2048x16xf32, #tpu.memory_space<vmem>> -> memref<128x16xf32, #tpu.memory_space<vmem>>
    %dma_start3A_138 = arith.constant 0 : i32
    %dma_start3A_139 = tpu.memref_slice %arg5[%dma_start3A_134, %dma_start3A_138] : memref<16x128xi32, #tpu.memory_space<vmem>> -> memref<1x128xi32, #tpu.memory_space<vmem>>
    %dma_start3A_140 = tpu.memref_squeeze %dma_start3A_139 : memref<1x128xi32, #tpu.memory_space<vmem>> -> memref<128xi32, #tpu.memory_space<vmem>>
    %dma_start3A_141 = arith.constant 0 : i32
    %dma_start3A_142 = arith.constant 0 : i32
    %dma_start3A_143 = tpu.memref_slice %arg2[%dma_start3A_141, %dma_start3A_142] : memref<8192x16xf32, #tpu.memory_space<hbm>> -> memref<8192x16xf32, #tpu.memory_space<hbm>>
    tpu.enqueue_indirect_dma source(%dma_start3A_143 : memref<8192x16xf32, #tpu.memory_space<hbm>>) target(%dma_start3A_137 : memref<128x16xf32, #tpu.memory_space<vmem>>) offsets(%dma_start3A_140 : memref<128xi32, #tpu.memory_space<vmem>>) semaphore(%arg7 : memref<!tpu.dma_semaphore, #tpu.memory_space<semaphore_mem>>)
    %dma_start3A_144 = arith.constant 14 : i32
    %dma_start3A_145 = arith.constant 1792 : i32
    %dma_start3A_146 = arith.constant 0 : i32
    %dma_start3A_147 = tpu.memref_slice %arg6[%dma_start3A_145, %dma_start3A_146] : memref<2048x16xf32, #tpu.memory_space<vmem>> -> memref<128x16xf32, #tpu.memory_space<vmem>>
    %dma_start3A_148 = arith.constant 0 : i32
    %dma_start3A_149 = tpu.memref_slice %arg5[%dma_start3A_144, %dma_start3A_148] : memref<16x128xi32, #tpu.memory_space<vmem>> -> memref<1x128xi32, #tpu.memory_space<vmem>>
    %dma_start3A_150 = tpu.memref_squeeze %dma_start3A_149 : memref<1x128xi32, #tpu.memory_space<vmem>> -> memref<128xi32, #tpu.memory_space<vmem>>
    %dma_start3A_151 = arith.constant 0 : i32
    %dma_start3A_152 = arith.constant 0 : i32
    %dma_start3A_153 = tpu.memref_slice %arg2[%dma_start3A_151, %dma_start3A_152] : memref<8192x16xf32, #tpu.memory_space<hbm>> -> memref<8192x16xf32, #tpu.memory_space<hbm>>
    tpu.enqueue_indirect_dma source(%dma_start3A_153 : memref<8192x16xf32, #tpu.memory_space<hbm>>) target(%dma_start3A_147 : memref<128x16xf32, #tpu.memory_space<vmem>>) offsets(%dma_start3A_150 : memref<128xi32, #tpu.memory_space<vmem>>) semaphore(%arg7 : memref<!tpu.dma_semaphore, #tpu.memory_space<semaphore_mem>>)
    %dma_start3A_154 = arith.constant 15 : i32
    %dma_start3A_155 = arith.constant 1920 : i32
    %dma_start3A_156 = arith.constant 0 : i32
    %dma_start3A_157 = tpu.memref_slice %arg6[%dma_start3A_155, %dma_start3A_156] : memref<2048x16xf32, #tpu.memory_space<vmem>> -> memref<128x16xf32, #tpu.memory_space<vmem>>
    %dma_start3A_158 = arith.constant 0 : i32
    %dma_start3A_159 = tpu.memref_slice %arg5[%dma_start3A_154, %dma_start3A_158] : memref<16x128xi32, #tpu.memory_space<vmem>> -> memref<1x128xi32, #tpu.memory_space<vmem>>
    %dma_start3A_160 = tpu.memref_squeeze %dma_start3A_159 : memref<1x128xi32, #tpu.memory_space<vmem>> -> memref<128xi32, #tpu.memory_space<vmem>>
    %dma_start3A_161 = arith.constant 0 : i32
    %dma_start3A_162 = arith.constant 0 : i32
    %dma_start3A_163 = tpu.memref_slice %arg2[%dma_start3A_161, %dma_start3A_162] : memref<8192x16xf32, #tpu.memory_space<hbm>> -> memref<8192x16xf32, #tpu.memory_space<hbm>>
    tpu.enqueue_indirect_dma source(%dma_start3A_163 : memref<8192x16xf32, #tpu.memory_space<hbm>>) target(%dma_start3A_157 : memref<128x16xf32, #tpu.memory_space<vmem>>) offsets(%dma_start3A_160 : memref<128xi32, #tpu.memory_space<vmem>>) semaphore(%arg7 : memref<!tpu.dma_semaphore, #tpu.memory_space<semaphore_mem>>)
    %dma_wait3A = arith.constant 0 : i32
    %dma_wait3A_164 = arith.constant 0 : i32
    %dma_wait3A_165 = arith.constant 0 : i32
    %dma_wait3A_166 = tpu.memref_slice %arg6[%dma_wait3A_164, %dma_wait3A_165] : memref<2048x16xf32, #tpu.memory_space<vmem>> -> memref<128x16xf32, #tpu.memory_space<vmem>>
    %dma_wait3A_167 = arith.constant 0 : i32
    %dma_wait3A_168 = tpu.memref_slice %arg5[%dma_wait3A, %dma_wait3A_167] : memref<16x128xi32, #tpu.memory_space<vmem>> -> memref<1x128xi32, #tpu.memory_space<vmem>>
    %dma_wait3A_169 = tpu.memref_squeeze %dma_wait3A_168 : memref<1x128xi32, #tpu.memory_space<vmem>> -> memref<128xi32, #tpu.memory_space<vmem>>
    %dma_wait3A_170 = arith.constant 0 : i32
    %dma_wait3A_171 = arith.constant 0 : i32
    %dma_wait3A_172 = tpu.memref_slice %arg2[%dma_wait3A_170, %dma_wait3A_171] : memref<8192x16xf32, #tpu.memory_space<hbm>> -> memref<8192x16xf32, #tpu.memory_space<hbm>>
    tpu.wait_indirect_dma semaphore(%arg7 : memref<!tpu.dma_semaphore, #tpu.memory_space<semaphore_mem>>) src(%dma_wait3A_172 : memref<8192x16xf32, #tpu.memory_space<hbm>>) dst(%dma_wait3A_166 : memref<128x16xf32, #tpu.memory_space<vmem>>)
    %dma_wait3A_173 = arith.constant 1 : i32
    %dma_wait3A_174 = arith.constant 128 : i32
    %dma_wait3A_175 = arith.constant 0 : i32
    %dma_wait3A_176 = tpu.memref_slice %arg6[%dma_wait3A_174, %dma_wait3A_175] : memref<2048x16xf32, #tpu.memory_space<vmem>> -> memref<128x16xf32, #tpu.memory_space<vmem>>
    %dma_wait3A_177 = arith.constant 0 : i32
    %dma_wait3A_178 = tpu.memref_slice %arg5[%dma_wait3A_173, %dma_wait3A_177] : memref<16x128xi32, #tpu.memory_space<vmem>> -> memref<1x128xi32, #tpu.memory_space<vmem>>
    %dma_wait3A_179 = tpu.memref_squeeze %dma_wait3A_178 : memref<1x128xi32, #tpu.memory_space<vmem>> -> memref<128xi32, #tpu.memory_space<vmem>>
    %dma_wait3A_180 = arith.constant 0 : i32
    %dma_wait3A_181 = arith.constant 0 : i32
    %dma_wait3A_182 = tpu.memref_slice %arg2[%dma_wait3A_180, %dma_wait3A_181] : memref<8192x16xf32, #tpu.memory_space<hbm>> -> memref<8192x16xf32, #tpu.memory_space<hbm>>
    tpu.wait_indirect_dma semaphore(%arg7 : memref<!tpu.dma_semaphore, #tpu.memory_space<semaphore_mem>>) src(%dma_wait3A_182 : memref<8192x16xf32, #tpu.memory_space<hbm>>) dst(%dma_wait3A_176 : memref<128x16xf32, #tpu.memory_space<vmem>>)
    %dma_wait3A_183 = arith.constant 2 : i32
    %dma_wait3A_184 = arith.constant 256 : i32
    %dma_wait3A_185 = arith.constant 0 : i32
    %dma_wait3A_186 = tpu.memref_slice %arg6[%dma_wait3A_184, %dma_wait3A_185] : memref<2048x16xf32, #tpu.memory_space<vmem>> -> memref<128x16xf32, #tpu.memory_space<vmem>>
    %dma_wait3A_187 = arith.constant 0 : i32
    %dma_wait3A_188 = tpu.memref_slice %arg5[%dma_wait3A_183, %dma_wait3A_187] : memref<16x128xi32, #tpu.memory_space<vmem>> -> memref<1x128xi32, #tpu.memory_space<vmem>>
    %dma_wait3A_189 = tpu.memref_squeeze %dma_wait3A_188 : memref<1x128xi32, #tpu.memory_space<vmem>> -> memref<128xi32, #tpu.memory_space<vmem>>
    %dma_wait3A_190 = arith.constant 0 : i32
    %dma_wait3A_191 = arith.constant 0 : i32
    %dma_wait3A_192 = tpu.memref_slice %arg2[%dma_wait3A_190, %dma_wait3A_191] : memref<8192x16xf32, #tpu.memory_space<hbm>> -> memref<8192x16xf32, #tpu.memory_space<hbm>>
    tpu.wait_indirect_dma semaphore(%arg7 : memref<!tpu.dma_semaphore, #tpu.memory_space<semaphore_mem>>) src(%dma_wait3A_192 : memref<8192x16xf32, #tpu.memory_space<hbm>>) dst(%dma_wait3A_186 : memref<128x16xf32, #tpu.memory_space<vmem>>)
    %dma_wait3A_193 = arith.constant 3 : i32
    %dma_wait3A_194 = arith.constant 384 : i32
    %dma_wait3A_195 = arith.constant 0 : i32
    %dma_wait3A_196 = tpu.memref_slice %arg6[%dma_wait3A_194, %dma_wait3A_195] : memref<2048x16xf32, #tpu.memory_space<vmem>> -> memref<128x16xf32, #tpu.memory_space<vmem>>
    %dma_wait3A_197 = arith.constant 0 : i32
    %dma_wait3A_198 = tpu.memref_slice %arg5[%dma_wait3A_193, %dma_wait3A_197] : memref<16x128xi32, #tpu.memory_space<vmem>> -> memref<1x128xi32, #tpu.memory_space<vmem>>
    %dma_wait3A_199 = tpu.memref_squeeze %dma_wait3A_198 : memref<1x128xi32, #tpu.memory_space<vmem>> -> memref<128xi32, #tpu.memory_space<vmem>>
    %dma_wait3A_200 = arith.constant 0 : i32
    %dma_wait3A_201 = arith.constant 0 : i32
    %dma_wait3A_202 = tpu.memref_slice %arg2[%dma_wait3A_200, %dma_wait3A_201] : memref<8192x16xf32, #tpu.memory_space<hbm>> -> memref<8192x16xf32, #tpu.memory_space<hbm>>
    tpu.wait_indirect_dma semaphore(%arg7 : memref<!tpu.dma_semaphore, #tpu.memory_space<semaphore_mem>>) src(%dma_wait3A_202 : memref<8192x16xf32, #tpu.memory_space<hbm>>) dst(%dma_wait3A_196 : memref<128x16xf32, #tpu.memory_space<vmem>>)
    %dma_wait3A_203 = arith.constant 4 : i32
    %dma_wait3A_204 = arith.constant 512 : i32
    %dma_wait3A_205 = arith.constant 0 : i32
    %dma_wait3A_206 = tpu.memref_slice %arg6[%dma_wait3A_204, %dma_wait3A_205] : memref<2048x16xf32, #tpu.memory_space<vmem>> -> memref<128x16xf32, #tpu.memory_space<vmem>>
    %dma_wait3A_207 = arith.constant 0 : i32
    %dma_wait3A_208 = tpu.memref_slice %arg5[%dma_wait3A_203, %dma_wait3A_207] : memref<16x128xi32, #tpu.memory_space<vmem>> -> memref<1x128xi32, #tpu.memory_space<vmem>>
    %dma_wait3A_209 = tpu.memref_squeeze %dma_wait3A_208 : memref<1x128xi32, #tpu.memory_space<vmem>> -> memref<128xi32, #tpu.memory_space<vmem>>
    %dma_wait3A_210 = arith.constant 0 : i32
    %dma_wait3A_211 = arith.constant 0 : i32
    %dma_wait3A_212 = tpu.memref_slice %arg2[%dma_wait3A_210, %dma_wait3A_211] : memref<8192x16xf32, #tpu.memory_space<hbm>> -> memref<8192x16xf32, #tpu.memory_space<hbm>>
    tpu.wait_indirect_dma semaphore(%arg7 : memref<!tpu.dma_semaphore, #tpu.memory_space<semaphore_mem>>) src(%dma_wait3A_212 : memref<8192x16xf32, #tpu.memory_space<hbm>>) dst(%dma_wait3A_206 : memref<128x16xf32, #tpu.memory_space<vmem>>)
    %dma_wait3A_213 = arith.constant 5 : i32
    %dma_wait3A_214 = arith.constant 640 : i32
    %dma_wait3A_215 = arith.constant 0 : i32
    %dma_wait3A_216 = tpu.memref_slice %arg6[%dma_wait3A_214, %dma_wait3A_215] : memref<2048x16xf32, #tpu.memory_space<vmem>> -> memref<128x16xf32, #tpu.memory_space<vmem>>
    %dma_wait3A_217 = arith.constant 0 : i32
    %dma_wait3A_218 = tpu.memref_slice %arg5[%dma_wait3A_213, %dma_wait3A_217] : memref<16x128xi32, #tpu.memory_space<vmem>> -> memref<1x128xi32, #tpu.memory_space<vmem>>
    %dma_wait3A_219 = tpu.memref_squeeze %dma_wait3A_218 : memref<1x128xi32, #tpu.memory_space<vmem>> -> memref<128xi32, #tpu.memory_space<vmem>>
    %dma_wait3A_220 = arith.constant 0 : i32
    %dma_wait3A_221 = arith.constant 0 : i32
    %dma_wait3A_222 = tpu.memref_slice %arg2[%dma_wait3A_220, %dma_wait3A_221] : memref<8192x16xf32, #tpu.memory_space<hbm>> -> memref<8192x16xf32, #tpu.memory_space<hbm>>
    tpu.wait_indirect_dma semaphore(%arg7 : memref<!tpu.dma_semaphore, #tpu.memory_space<semaphore_mem>>) src(%dma_wait3A_222 : memref<8192x16xf32, #tpu.memory_space<hbm>>) dst(%dma_wait3A_216 : memref<128x16xf32, #tpu.memory_space<vmem>>)
    %dma_wait3A_223 = arith.constant 6 : i32
    %dma_wait3A_224 = arith.constant 768 : i32
    %dma_wait3A_225 = arith.constant 0 : i32
    %dma_wait3A_226 = tpu.memref_slice %arg6[%dma_wait3A_224, %dma_wait3A_225] : memref<2048x16xf32, #tpu.memory_space<vmem>> -> memref<128x16xf32, #tpu.memory_space<vmem>>
    %dma_wait3A_227 = arith.constant 0 : i32
    %dma_wait3A_228 = tpu.memref_slice %arg5[%dma_wait3A_223, %dma_wait3A_227] : memref<16x128xi32, #tpu.memory_space<vmem>> -> memref<1x128xi32, #tpu.memory_space<vmem>>
    %dma_wait3A_229 = tpu.memref_squeeze %dma_wait3A_228 : memref<1x128xi32, #tpu.memory_space<vmem>> -> memref<128xi32, #tpu.memory_space<vmem>>
    %dma_wait3A_230 = arith.constant 0 : i32
    %dma_wait3A_231 = arith.constant 0 : i32
    %dma_wait3A_232 = tpu.memref_slice %arg2[%dma_wait3A_230, %dma_wait3A_231] : memref<8192x16xf32, #tpu.memory_space<hbm>> -> memref<8192x16xf32, #tpu.memory_space<hbm>>
    tpu.wait_indirect_dma semaphore(%arg7 : memref<!tpu.dma_semaphore, #tpu.memory_space<semaphore_mem>>) src(%dma_wait3A_232 : memref<8192x16xf32, #tpu.memory_space<hbm>>) dst(%dma_wait3A_226 : memref<128x16xf32, #tpu.memory_space<vmem>>)
    %dma_wait3A_233 = arith.constant 7 : i32
    %dma_wait3A_234 = arith.constant 896 : i32
    %dma_wait3A_235 = arith.constant 0 : i32
    %dma_wait3A_236 = tpu.memref_slice %arg6[%dma_wait3A_234, %dma_wait3A_235] : memref<2048x16xf32, #tpu.memory_space<vmem>> -> memref<128x16xf32, #tpu.memory_space<vmem>>
    %dma_wait3A_237 = arith.constant 0 : i32
    %dma_wait3A_238 = tpu.memref_slice %arg5[%dma_wait3A_233, %dma_wait3A_237] : memref<16x128xi32, #tpu.memory_space<vmem>> -> memref<1x128xi32, #tpu.memory_space<vmem>>
    %dma_wait3A_239 = tpu.memref_squeeze %dma_wait3A_238 : memref<1x128xi32, #tpu.memory_space<vmem>> -> memref<128xi32, #tpu.memory_space<vmem>>
    %dma_wait3A_240 = arith.constant 0 : i32
    %dma_wait3A_241 = arith.constant 0 : i32
    %dma_wait3A_242 = tpu.memref_slice %arg2[%dma_wait3A_240, %dma_wait3A_241] : memref<8192x16xf32, #tpu.memory_space<hbm>> -> memref<8192x16xf32, #tpu.memory_space<hbm>>
    tpu.wait_indirect_dma semaphore(%arg7 : memref<!tpu.dma_semaphore, #tpu.memory_space<semaphore_mem>>) src(%dma_wait3A_242 : memref<8192x16xf32, #tpu.memory_space<hbm>>) dst(%dma_wait3A_236 : memref<128x16xf32, #tpu.memory_space<vmem>>)
    %dma_wait3A_243 = arith.constant 8 : i32
    %dma_wait3A_244 = arith.constant 1024 : i32
    %dma_wait3A_245 = arith.constant 0 : i32
    %dma_wait3A_246 = tpu.memref_slice %arg6[%dma_wait3A_244, %dma_wait3A_245] : memref<2048x16xf32, #tpu.memory_space<vmem>> -> memref<128x16xf32, #tpu.memory_space<vmem>>
    %dma_wait3A_247 = arith.constant 0 : i32
    %dma_wait3A_248 = tpu.memref_slice %arg5[%dma_wait3A_243, %dma_wait3A_247] : memref<16x128xi32, #tpu.memory_space<vmem>> -> memref<1x128xi32, #tpu.memory_space<vmem>>
    %dma_wait3A_249 = tpu.memref_squeeze %dma_wait3A_248 : memref<1x128xi32, #tpu.memory_space<vmem>> -> memref<128xi32, #tpu.memory_space<vmem>>
    %dma_wait3A_250 = arith.constant 0 : i32
    %dma_wait3A_251 = arith.constant 0 : i32
    %dma_wait3A_252 = tpu.memref_slice %arg2[%dma_wait3A_250, %dma_wait3A_251] : memref<8192x16xf32, #tpu.memory_space<hbm>> -> memref<8192x16xf32, #tpu.memory_space<hbm>>
    tpu.wait_indirect_dma semaphore(%arg7 : memref<!tpu.dma_semaphore, #tpu.memory_space<semaphore_mem>>) src(%dma_wait3A_252 : memref<8192x16xf32, #tpu.memory_space<hbm>>) dst(%dma_wait3A_246 : memref<128x16xf32, #tpu.memory_space<vmem>>)
    %dma_wait3A_253 = arith.constant 9 : i32
    %dma_wait3A_254 = arith.constant 1152 : i32
    %dma_wait3A_255 = arith.constant 0 : i32
    %dma_wait3A_256 = tpu.memref_slice %arg6[%dma_wait3A_254, %dma_wait3A_255] : memref<2048x16xf32, #tpu.memory_space<vmem>> -> memref<128x16xf32, #tpu.memory_space<vmem>>
    %dma_wait3A_257 = arith.constant 0 : i32
    %dma_wait3A_258 = tpu.memref_slice %arg5[%dma_wait3A_253, %dma_wait3A_257] : memref<16x128xi32, #tpu.memory_space<vmem>> -> memref<1x128xi32, #tpu.memory_space<vmem>>
    %dma_wait3A_259 = tpu.memref_squeeze %dma_wait3A_258 : memref<1x128xi32, #tpu.memory_space<vmem>> -> memref<128xi32, #tpu.memory_space<vmem>>
    %dma_wait3A_260 = arith.constant 0 : i32
    %dma_wait3A_261 = arith.constant 0 : i32
    %dma_wait3A_262 = tpu.memref_slice %arg2[%dma_wait3A_260, %dma_wait3A_261] : memref<8192x16xf32, #tpu.memory_space<hbm>> -> memref<8192x16xf32, #tpu.memory_space<hbm>>
    tpu.wait_indirect_dma semaphore(%arg7 : memref<!tpu.dma_semaphore, #tpu.memory_space<semaphore_mem>>) src(%dma_wait3A_262 : memref<8192x16xf32, #tpu.memory_space<hbm>>) dst(%dma_wait3A_256 : memref<128x16xf32, #tpu.memory_space<vmem>>)
    %dma_wait3A_263 = arith.constant 10 : i32
    %dma_wait3A_264 = arith.constant 1280 : i32
    %dma_wait3A_265 = arith.constant 0 : i32
    %dma_wait3A_266 = tpu.memref_slice %arg6[%dma_wait3A_264, %dma_wait3A_265] : memref<2048x16xf32, #tpu.memory_space<vmem>> -> memref<128x16xf32, #tpu.memory_space<vmem>>
    %dma_wait3A_267 = arith.constant 0 : i32
    %dma_wait3A_268 = tpu.memref_slice %arg5[%dma_wait3A_263, %dma_wait3A_267] : memref<16x128xi32, #tpu.memory_space<vmem>> -> memref<1x128xi32, #tpu.memory_space<vmem>>
    %dma_wait3A_269 = tpu.memref_squeeze %dma_wait3A_268 : memref<1x128xi32, #tpu.memory_space<vmem>> -> memref<128xi32, #tpu.memory_space<vmem>>
    %dma_wait3A_270 = arith.constant 0 : i32
    %dma_wait3A_271 = arith.constant 0 : i32
    %dma_wait3A_272 = tpu.memref_slice %arg2[%dma_wait3A_270, %dma_wait3A_271] : memref<8192x16xf32, #tpu.memory_space<hbm>> -> memref<8192x16xf32, #tpu.memory_space<hbm>>
    tpu.wait_indirect_dma semaphore(%arg7 : memref<!tpu.dma_semaphore, #tpu.memory_space<semaphore_mem>>) src(%dma_wait3A_272 : memref<8192x16xf32, #tpu.memory_space<hbm>>) dst(%dma_wait3A_266 : memref<128x16xf32, #tpu.memory_space<vmem>>)
    %dma_wait3A_273 = arith.constant 11 : i32
    %dma_wait3A_274 = arith.constant 1408 : i32
    %dma_wait3A_275 = arith.constant 0 : i32
    %dma_wait3A_276 = tpu.memref_slice %arg6[%dma_wait3A_274, %dma_wait3A_275] : memref<2048x16xf32, #tpu.memory_space<vmem>> -> memref<128x16xf32, #tpu.memory_space<vmem>>
    %dma_wait3A_277 = arith.constant 0 : i32
    %dma_wait3A_278 = tpu.memref_slice %arg5[%dma_wait3A_273, %dma_wait3A_277] : memref<16x128xi32, #tpu.memory_space<vmem>> -> memref<1x128xi32, #tpu.memory_space<vmem>>
    %dma_wait3A_279 = tpu.memref_squeeze %dma_wait3A_278 : memref<1x128xi32, #tpu.memory_space<vmem>> -> memref<128xi32, #tpu.memory_space<vmem>>
    %dma_wait3A_280 = arith.constant 0 : i32
    %dma_wait3A_281 = arith.constant 0 : i32
    %dma_wait3A_282 = tpu.memref_slice %arg2[%dma_wait3A_280, %dma_wait3A_281] : memref<8192x16xf32, #tpu.memory_space<hbm>> -> memref<8192x16xf32, #tpu.memory_space<hbm>>
    tpu.wait_indirect_dma semaphore(%arg7 : memref<!tpu.dma_semaphore, #tpu.memory_space<semaphore_mem>>) src(%dma_wait3A_282 : memref<8192x16xf32, #tpu.memory_space<hbm>>) dst(%dma_wait3A_276 : memref<128x16xf32, #tpu.memory_space<vmem>>)
    %dma_wait3A_283 = arith.constant 12 : i32
    %dma_wait3A_284 = arith.constant 1536 : i32
    %dma_wait3A_285 = arith.constant 0 : i32
    %dma_wait3A_286 = tpu.memref_slice %arg6[%dma_wait3A_284, %dma_wait3A_285] : memref<2048x16xf32, #tpu.memory_space<vmem>> -> memref<128x16xf32, #tpu.memory_space<vmem>>
    %dma_wait3A_287 = arith.constant 0 : i32
    %dma_wait3A_288 = tpu.memref_slice %arg5[%dma_wait3A_283, %dma_wait3A_287] : memref<16x128xi32, #tpu.memory_space<vmem>> -> memref<1x128xi32, #tpu.memory_space<vmem>>
    %dma_wait3A_289 = tpu.memref_squeeze %dma_wait3A_288 : memref<1x128xi32, #tpu.memory_space<vmem>> -> memref<128xi32, #tpu.memory_space<vmem>>
    %dma_wait3A_290 = arith.constant 0 : i32
    %dma_wait3A_291 = arith.constant 0 : i32
    %dma_wait3A_292 = tpu.memref_slice %arg2[%dma_wait3A_290, %dma_wait3A_291] : memref<8192x16xf32, #tpu.memory_space<hbm>> -> memref<8192x16xf32, #tpu.memory_space<hbm>>
    tpu.wait_indirect_dma semaphore(%arg7 : memref<!tpu.dma_semaphore, #tpu.memory_space<semaphore_mem>>) src(%dma_wait3A_292 : memref<8192x16xf32, #tpu.memory_space<hbm>>) dst(%dma_wait3A_286 : memref<128x16xf32, #tpu.memory_space<vmem>>)
    %dma_wait3A_293 = arith.constant 13 : i32
    %dma_wait3A_294 = arith.constant 1664 : i32
    %dma_wait3A_295 = arith.constant 0 : i32
    %dma_wait3A_296 = tpu.memref_slice %arg6[%dma_wait3A_294, %dma_wait3A_295] : memref<2048x16xf32, #tpu.memory_space<vmem>> -> memref<128x16xf32, #tpu.memory_space<vmem>>
    %dma_wait3A_297 = arith.constant 0 : i32
    %dma_wait3A_298 = tpu.memref_slice %arg5[%dma_wait3A_293, %dma_wait3A_297] : memref<16x128xi32, #tpu.memory_space<vmem>> -> memref<1x128xi32, #tpu.memory_space<vmem>>
    %dma_wait3A_299 = tpu.memref_squeeze %dma_wait3A_298 : memref<1x128xi32, #tpu.memory_space<vmem>> -> memref<128xi32, #tpu.memory_space<vmem>>
    %dma_wait3A_300 = arith.constant 0 : i32
    %dma_wait3A_301 = arith.constant 0 : i32
    %dma_wait3A_302 = tpu.memref_slice %arg2[%dma_wait3A_300, %dma_wait3A_301] : memref<8192x16xf32, #tpu.memory_space<hbm>> -> memref<8192x16xf32, #tpu.memory_space<hbm>>
    tpu.wait_indirect_dma semaphore(%arg7 : memref<!tpu.dma_semaphore, #tpu.memory_space<semaphore_mem>>) src(%dma_wait3A_302 : memref<8192x16xf32, #tpu.memory_space<hbm>>) dst(%dma_wait3A_296 : memref<128x16xf32, #tpu.memory_space<vmem>>)
    %dma_wait3A_303 = arith.constant 14 : i32
    %dma_wait3A_304 = arith.constant 1792 : i32
    %dma_wait3A_305 = arith.constant 0 : i32
    %dma_wait3A_306 = tpu.memref_slice %arg6[%dma_wait3A_304, %dma_wait3A_305] : memref<2048x16xf32, #tpu.memory_space<vmem>> -> memref<128x16xf32, #tpu.memory_space<vmem>>
    %dma_wait3A_307 = arith.constant 0 : i32
    %dma_wait3A_308 = tpu.memref_slice %arg5[%dma_wait3A_303, %dma_wait3A_307] : memref<16x128xi32, #tpu.memory_space<vmem>> -> memref<1x128xi32, #tpu.memory_space<vmem>>
    %dma_wait3A_309 = tpu.memref_squeeze %dma_wait3A_308 : memref<1x128xi32, #tpu.memory_space<vmem>> -> memref<128xi32, #tpu.memory_space<vmem>>
    %dma_wait3A_310 = arith.constant 0 : i32
    %dma_wait3A_311 = arith.constant 0 : i32
    %dma_wait3A_312 = tpu.memref_slice %arg2[%dma_wait3A_310, %dma_wait3A_311] : memref<8192x16xf32, #tpu.memory_space<hbm>> -> memref<8192x16xf32, #tpu.memory_space<hbm>>
    tpu.wait_indirect_dma semaphore(%arg7 : memref<!tpu.dma_semaphore, #tpu.memory_space<semaphore_mem>>) src(%dma_wait3A_312 : memref<8192x16xf32, #tpu.memory_space<hbm>>) dst(%dma_wait3A_306 : memref<128x16xf32, #tpu.memory_space<vmem>>)
    %dma_wait3A_313 = arith.constant 15 : i32
    %dma_wait3A_314 = arith.constant 1920 : i32
    %dma_wait3A_315 = arith.constant 0 : i32
    %dma_wait3A_316 = tpu.memref_slice %arg6[%dma_wait3A_314, %dma_wait3A_315] : memref<2048x16xf32, #tpu.memory_space<vmem>> -> memref<128x16xf32, #tpu.memory_space<vmem>>
    %dma_wait3A_317 = arith.constant 0 : i32
    %dma_wait3A_318 = tpu.memref_slice %arg5[%dma_wait3A_313, %dma_wait3A_317] : memref<16x128xi32, #tpu.memory_space<vmem>> -> memref<1x128xi32, #tpu.memory_space<vmem>>
    %dma_wait3A_319 = tpu.memref_squeeze %dma_wait3A_318 : memref<1x128xi32, #tpu.memory_space<vmem>> -> memref<128xi32, #tpu.memory_space<vmem>>
    %dma_wait3A_320 = arith.constant 0 : i32
    %dma_wait3A_321 = arith.constant 0 : i32
    %dma_wait3A_322 = tpu.memref_slice %arg2[%dma_wait3A_320, %dma_wait3A_321] : memref<8192x16xf32, #tpu.memory_space<hbm>> -> memref<8192x16xf32, #tpu.memory_space<hbm>>
    tpu.wait_indirect_dma semaphore(%arg7 : memref<!tpu.dma_semaphore, #tpu.memory_space<semaphore_mem>>) src(%dma_wait3A_322 : memref<8192x16xf32, #tpu.memory_space<hbm>>) dst(%dma_wait3A_316 : memref<128x16xf32, #tpu.memory_space<vmem>>)
    "tpu.region"() ({
      %run_scoped3A = tpu.sem_alloc : memref<!tpu.dma_semaphore, #tpu.memory_space<semaphore_mem>>
      %dma_start3A_323 = arith.constant 0 : i32
      %dma_start3A_324 = tpu.memref_slice %arg4[%mul3A_2, %dma_start3A_323] : memref<65536x16xf32, #tpu.memory_space<hbm>> -> memref<2048x16xf32, #tpu.memory_space<hbm>>
      %dma_start3A_325 = arith.constant 0 : i32
      %dma_start3A_326 = tpu.memref_slice %arg4[%mul3A_2, %dma_start3A_325] : memref<65536x16xf32, #tpu.memory_space<hbm>> -> memref<2048x16xf32, #tpu.memory_space<hbm>>
      tpu.enqueue_dma source(%arg6 : memref<2048x16xf32, #tpu.memory_space<vmem>>) target(%dma_start3A_326 : memref<2048x16xf32, #tpu.memory_space<hbm>>) target_semaphore(%run_scoped3A : memref<!tpu.dma_semaphore, #tpu.memory_space<semaphore_mem>>)
      %dma_wait3A_327 = arith.constant 0 : i32
      %dma_wait3A_328 = tpu.memref_slice %arg4[%mul3A_2, %dma_wait3A_327] : memref<65536x16xf32, #tpu.memory_space<hbm>> -> memref<2048x16xf32, #tpu.memory_space<hbm>>
      %dma_wait3A_329 = arith.constant 0 : i32
      %dma_wait3A_330 = tpu.memref_slice %arg4[%mul3A_2, %dma_wait3A_329] : memref<65536x16xf32, #tpu.memory_space<hbm>> -> memref<2048x16xf32, #tpu.memory_space<hbm>>
      tpu.wait_dma2 semaphore(%run_scoped3A : memref<!tpu.dma_semaphore, #tpu.memory_space<semaphore_mem>>) src(%arg6 : memref<2048x16xf32, #tpu.memory_space<vmem>>) dst(%dma_wait3A_330 : memref<2048x16xf32, #tpu.memory_space<hbm>>)
      tpu.yield
    }) : () -> ()
    return
  }
}

#map = affine_map<(d0, d1) -> (0, 0)>
module attributes {stable_mosaic.version = 14 : i64} {
  func.func @gat(%arg0: i32, %arg1: i32, %arg2: memref<2048x144xf32, #tpu.memory_space<hbm>>, %arg3: memref<128x128xi32, #tpu.memory_space<hbm>>, %arg4: memref<16384x144xf32, #tpu.memory_space<hbm>>, %arg5: memref<4x128xi32, #tpu.memory_space<vmem>>, %arg6: memref<512x144xf32, #tpu.memory_space<vmem>>, %arg7: memref<!tpu.dma_semaphore, #tpu.memory_space<semaphore_mem>>) attributes {dimension_semantics = [#tpu.dimension_semantics<core_parallel>, #tpu.dimension_semantics<subcore_parallel>], iteration_bounds = array<i64: 2, 16>, scalar_prefetch = 0 : i64, scratch_operands = 3 : i64, tpu.core_type = #tpu.core_type<sc_vector_subcore>, window_params = [{transform_indices = #map}, {transform_indices = #map}, {transform_indices = #map}]} {
    %mul3A = arith.constant 2 : i32
    %mul3A_0 = arith.muli %arg1, %mul3A : i32
    %add3A = arith.addi %mul3A_0, %arg0 : i32
    %mul3A_1 = arith.constant 512 : i32
    %mul3A_2 = arith.muli %add3A, %mul3A_1 : i32
    %mul3A_3 = arith.constant 4 : i32
    %mul3A_4 = arith.muli %add3A, %mul3A_3 : i32
    "tpu.region"() ({
      %run_scoped3A = tpu.sem_alloc : memref<!tpu.dma_semaphore, #tpu.memory_space<semaphore_mem>>
      %dma_start3A_83 = arith.constant 0 : i32
      %dma_start3A_84 = tpu.memref_slice %arg3[%mul3A_4, %dma_start3A_83] : memref<128x128xi32, #tpu.memory_space<hbm>> -> memref<4x128xi32, #tpu.memory_space<hbm>>
      %dma_start3A_85 = arith.constant 0 : i32
      %dma_start3A_86 = tpu.memref_slice %arg3[%mul3A_4, %dma_start3A_85] : memref<128x128xi32, #tpu.memory_space<hbm>> -> memref<4x128xi32, #tpu.memory_space<hbm>>
      tpu.enqueue_dma source(%dma_start3A_86 : memref<4x128xi32, #tpu.memory_space<hbm>>) target(%arg5 : memref<4x128xi32, #tpu.memory_space<vmem>>) target_semaphore(%run_scoped3A : memref<!tpu.dma_semaphore, #tpu.memory_space<semaphore_mem>>)
      %dma_wait3A_87 = arith.constant 0 : i32
      %dma_wait3A_88 = tpu.memref_slice %arg3[%mul3A_4, %dma_wait3A_87] : memref<128x128xi32, #tpu.memory_space<hbm>> -> memref<4x128xi32, #tpu.memory_space<hbm>>
      %dma_wait3A_89 = arith.constant 0 : i32
      %dma_wait3A_90 = tpu.memref_slice %arg3[%mul3A_4, %dma_wait3A_89] : memref<128x128xi32, #tpu.memory_space<hbm>> -> memref<4x128xi32, #tpu.memory_space<hbm>>
      tpu.wait_dma2 semaphore(%run_scoped3A : memref<!tpu.dma_semaphore, #tpu.memory_space<semaphore_mem>>) src(%dma_wait3A_90 : memref<4x128xi32, #tpu.memory_space<hbm>>) dst(%arg5 : memref<4x128xi32, #tpu.memory_space<vmem>>)
      tpu.yield
    }) : () -> ()
    %dma_start3A = arith.constant 0 : i32
    %dma_start3A_5 = arith.constant 0 : i32
    %dma_start3A_6 = arith.constant 0 : i32
    %dma_start3A_7 = tpu.memref_slice %arg6[%dma_start3A_5, %dma_start3A_6] : memref<512x144xf32, #tpu.memory_space<vmem>> -> memref<128x144xf32, #tpu.memory_space<vmem>>
    %dma_start3A_8 = arith.constant 0 : i32
    %dma_start3A_9 = tpu.memref_slice %arg5[%dma_start3A, %dma_start3A_8] : memref<4x128xi32, #tpu.memory_space<vmem>> -> memref<1x128xi32, #tpu.memory_space<vmem>>
    %dma_start3A_10 = tpu.memref_squeeze %dma_start3A_9 : memref<1x128xi32, #tpu.memory_space<vmem>> -> memref<128xi32, #tpu.memory_space<vmem>>
    %dma_start3A_11 = arith.constant 0 : i32
    %dma_start3A_12 = arith.constant 0 : i32
    %dma_start3A_13 = tpu.memref_slice %arg2[%dma_start3A_11, %dma_start3A_12] : memref<2048x144xf32, #tpu.memory_space<hbm>> -> memref<2048x144xf32, #tpu.memory_space<hbm>>
    tpu.enqueue_indirect_dma source(%dma_start3A_13 : memref<2048x144xf32, #tpu.memory_space<hbm>>) target(%dma_start3A_7 : memref<128x144xf32, #tpu.memory_space<vmem>>) offsets(%dma_start3A_10 : memref<128xi32, #tpu.memory_space<vmem>>) semaphore(%arg7 : memref<!tpu.dma_semaphore, #tpu.memory_space<semaphore_mem>>)
    %dma_start3A_14 = arith.constant 1 : i32
    %dma_start3A_15 = arith.constant 128 : i32
    %dma_start3A_16 = arith.constant 0 : i32
    %dma_start3A_17 = tpu.memref_slice %arg6[%dma_start3A_15, %dma_start3A_16] : memref<512x144xf32, #tpu.memory_space<vmem>> -> memref<128x144xf32, #tpu.memory_space<vmem>>
    %dma_start3A_18 = arith.constant 0 : i32
    %dma_start3A_19 = tpu.memref_slice %arg5[%dma_start3A_14, %dma_start3A_18] : memref<4x128xi32, #tpu.memory_space<vmem>> -> memref<1x128xi32, #tpu.memory_space<vmem>>
    %dma_start3A_20 = tpu.memref_squeeze %dma_start3A_19 : memref<1x128xi32, #tpu.memory_space<vmem>> -> memref<128xi32, #tpu.memory_space<vmem>>
    %dma_start3A_21 = arith.constant 0 : i32
    %dma_start3A_22 = arith.constant 0 : i32
    %dma_start3A_23 = tpu.memref_slice %arg2[%dma_start3A_21, %dma_start3A_22] : memref<2048x144xf32, #tpu.memory_space<hbm>> -> memref<2048x144xf32, #tpu.memory_space<hbm>>
    tpu.enqueue_indirect_dma source(%dma_start3A_23 : memref<2048x144xf32, #tpu.memory_space<hbm>>) target(%dma_start3A_17 : memref<128x144xf32, #tpu.memory_space<vmem>>) offsets(%dma_start3A_20 : memref<128xi32, #tpu.memory_space<vmem>>) semaphore(%arg7 : memref<!tpu.dma_semaphore, #tpu.memory_space<semaphore_mem>>)
    %dma_start3A_24 = arith.constant 2 : i32
    %dma_start3A_25 = arith.constant 256 : i32
    %dma_start3A_26 = arith.constant 0 : i32
    %dma_start3A_27 = tpu.memref_slice %arg6[%dma_start3A_25, %dma_start3A_26] : memref<512x144xf32, #tpu.memory_space<vmem>> -> memref<128x144xf32, #tpu.memory_space<vmem>>
    %dma_start3A_28 = arith.constant 0 : i32
    %dma_start3A_29 = tpu.memref_slice %arg5[%dma_start3A_24, %dma_start3A_28] : memref<4x128xi32, #tpu.memory_space<vmem>> -> memref<1x128xi32, #tpu.memory_space<vmem>>
    %dma_start3A_30 = tpu.memref_squeeze %dma_start3A_29 : memref<1x128xi32, #tpu.memory_space<vmem>> -> memref<128xi32, #tpu.memory_space<vmem>>
    %dma_start3A_31 = arith.constant 0 : i32
    %dma_start3A_32 = arith.constant 0 : i32
    %dma_start3A_33 = tpu.memref_slice %arg2[%dma_start3A_31, %dma_start3A_32] : memref<2048x144xf32, #tpu.memory_space<hbm>> -> memref<2048x144xf32, #tpu.memory_space<hbm>>
    tpu.enqueue_indirect_dma source(%dma_start3A_33 : memref<2048x144xf32, #tpu.memory_space<hbm>>) target(%dma_start3A_27 : memref<128x144xf32, #tpu.memory_space<vmem>>) offsets(%dma_start3A_30 : memref<128xi32, #tpu.memory_space<vmem>>) semaphore(%arg7 : memref<!tpu.dma_semaphore, #tpu.memory_space<semaphore_mem>>)
    %dma_start3A_34 = arith.constant 3 : i32
    %dma_start3A_35 = arith.constant 384 : i32
    %dma_start3A_36 = arith.constant 0 : i32
    %dma_start3A_37 = tpu.memref_slice %arg6[%dma_start3A_35, %dma_start3A_36] : memref<512x144xf32, #tpu.memory_space<vmem>> -> memref<128x144xf32, #tpu.memory_space<vmem>>
    %dma_start3A_38 = arith.constant 0 : i32
    %dma_start3A_39 = tpu.memref_slice %arg5[%dma_start3A_34, %dma_start3A_38] : memref<4x128xi32, #tpu.memory_space<vmem>> -> memref<1x128xi32, #tpu.memory_space<vmem>>
    %dma_start3A_40 = tpu.memref_squeeze %dma_start3A_39 : memref<1x128xi32, #tpu.memory_space<vmem>> -> memref<128xi32, #tpu.memory_space<vmem>>
    %dma_start3A_41 = arith.constant 0 : i32
    %dma_start3A_42 = arith.constant 0 : i32
    %dma_start3A_43 = tpu.memref_slice %arg2[%dma_start3A_41, %dma_start3A_42] : memref<2048x144xf32, #tpu.memory_space<hbm>> -> memref<2048x144xf32, #tpu.memory_space<hbm>>
    tpu.enqueue_indirect_dma source(%dma_start3A_43 : memref<2048x144xf32, #tpu.memory_space<hbm>>) target(%dma_start3A_37 : memref<128x144xf32, #tpu.memory_space<vmem>>) offsets(%dma_start3A_40 : memref<128xi32, #tpu.memory_space<vmem>>) semaphore(%arg7 : memref<!tpu.dma_semaphore, #tpu.memory_space<semaphore_mem>>)
    %dma_wait3A = arith.constant 0 : i32
    %dma_wait3A_44 = arith.constant 0 : i32
    %dma_wait3A_45 = arith.constant 0 : i32
    %dma_wait3A_46 = tpu.memref_slice %arg6[%dma_wait3A_44, %dma_wait3A_45] : memref<512x144xf32, #tpu.memory_space<vmem>> -> memref<128x144xf32, #tpu.memory_space<vmem>>
    %dma_wait3A_47 = arith.constant 0 : i32
    %dma_wait3A_48 = tpu.memref_slice %arg5[%dma_wait3A, %dma_wait3A_47] : memref<4x128xi32, #tpu.memory_space<vmem>> -> memref<1x128xi32, #tpu.memory_space<vmem>>
    %dma_wait3A_49 = tpu.memref_squeeze %dma_wait3A_48 : memref<1x128xi32, #tpu.memory_space<vmem>> -> memref<128xi32, #tpu.memory_space<vmem>>
    %dma_wait3A_50 = arith.constant 0 : i32
    %dma_wait3A_51 = arith.constant 0 : i32
    %dma_wait3A_52 = tpu.memref_slice %arg2[%dma_wait3A_50, %dma_wait3A_51] : memref<2048x144xf32, #tpu.memory_space<hbm>> -> memref<2048x144xf32, #tpu.memory_space<hbm>>
    tpu.wait_indirect_dma semaphore(%arg7 : memref<!tpu.dma_semaphore, #tpu.memory_space<semaphore_mem>>) src(%dma_wait3A_52 : memref<2048x144xf32, #tpu.memory_space<hbm>>) dst(%dma_wait3A_46 : memref<128x144xf32, #tpu.memory_space<vmem>>)
    %dma_wait3A_53 = arith.constant 1 : i32
    %dma_wait3A_54 = arith.constant 128 : i32
    %dma_wait3A_55 = arith.constant 0 : i32
    %dma_wait3A_56 = tpu.memref_slice %arg6[%dma_wait3A_54, %dma_wait3A_55] : memref<512x144xf32, #tpu.memory_space<vmem>> -> memref<128x144xf32, #tpu.memory_space<vmem>>
    %dma_wait3A_57 = arith.constant 0 : i32
    %dma_wait3A_58 = tpu.memref_slice %arg5[%dma_wait3A_53, %dma_wait3A_57] : memref<4x128xi32, #tpu.memory_space<vmem>> -> memref<1x128xi32, #tpu.memory_space<vmem>>
    %dma_wait3A_59 = tpu.memref_squeeze %dma_wait3A_58 : memref<1x128xi32, #tpu.memory_space<vmem>> -> memref<128xi32, #tpu.memory_space<vmem>>
    %dma_wait3A_60 = arith.constant 0 : i32
    %dma_wait3A_61 = arith.constant 0 : i32
    %dma_wait3A_62 = tpu.memref_slice %arg2[%dma_wait3A_60, %dma_wait3A_61] : memref<2048x144xf32, #tpu.memory_space<hbm>> -> memref<2048x144xf32, #tpu.memory_space<hbm>>
    tpu.wait_indirect_dma semaphore(%arg7 : memref<!tpu.dma_semaphore, #tpu.memory_space<semaphore_mem>>) src(%dma_wait3A_62 : memref<2048x144xf32, #tpu.memory_space<hbm>>) dst(%dma_wait3A_56 : memref<128x144xf32, #tpu.memory_space<vmem>>)
    %dma_wait3A_63 = arith.constant 2 : i32
    %dma_wait3A_64 = arith.constant 256 : i32
    %dma_wait3A_65 = arith.constant 0 : i32
    %dma_wait3A_66 = tpu.memref_slice %arg6[%dma_wait3A_64, %dma_wait3A_65] : memref<512x144xf32, #tpu.memory_space<vmem>> -> memref<128x144xf32, #tpu.memory_space<vmem>>
    %dma_wait3A_67 = arith.constant 0 : i32
    %dma_wait3A_68 = tpu.memref_slice %arg5[%dma_wait3A_63, %dma_wait3A_67] : memref<4x128xi32, #tpu.memory_space<vmem>> -> memref<1x128xi32, #tpu.memory_space<vmem>>
    %dma_wait3A_69 = tpu.memref_squeeze %dma_wait3A_68 : memref<1x128xi32, #tpu.memory_space<vmem>> -> memref<128xi32, #tpu.memory_space<vmem>>
    %dma_wait3A_70 = arith.constant 0 : i32
    %dma_wait3A_71 = arith.constant 0 : i32
    %dma_wait3A_72 = tpu.memref_slice %arg2[%dma_wait3A_70, %dma_wait3A_71] : memref<2048x144xf32, #tpu.memory_space<hbm>> -> memref<2048x144xf32, #tpu.memory_space<hbm>>
    tpu.wait_indirect_dma semaphore(%arg7 : memref<!tpu.dma_semaphore, #tpu.memory_space<semaphore_mem>>) src(%dma_wait3A_72 : memref<2048x144xf32, #tpu.memory_space<hbm>>) dst(%dma_wait3A_66 : memref<128x144xf32, #tpu.memory_space<vmem>>)
    %dma_wait3A_73 = arith.constant 3 : i32
    %dma_wait3A_74 = arith.constant 384 : i32
    %dma_wait3A_75 = arith.constant 0 : i32
    %dma_wait3A_76 = tpu.memref_slice %arg6[%dma_wait3A_74, %dma_wait3A_75] : memref<512x144xf32, #tpu.memory_space<vmem>> -> memref<128x144xf32, #tpu.memory_space<vmem>>
    %dma_wait3A_77 = arith.constant 0 : i32
    %dma_wait3A_78 = tpu.memref_slice %arg5[%dma_wait3A_73, %dma_wait3A_77] : memref<4x128xi32, #tpu.memory_space<vmem>> -> memref<1x128xi32, #tpu.memory_space<vmem>>
    %dma_wait3A_79 = tpu.memref_squeeze %dma_wait3A_78 : memref<1x128xi32, #tpu.memory_space<vmem>> -> memref<128xi32, #tpu.memory_space<vmem>>
    %dma_wait3A_80 = arith.constant 0 : i32
    %dma_wait3A_81 = arith.constant 0 : i32
    %dma_wait3A_82 = tpu.memref_slice %arg2[%dma_wait3A_80, %dma_wait3A_81] : memref<2048x144xf32, #tpu.memory_space<hbm>> -> memref<2048x144xf32, #tpu.memory_space<hbm>>
    tpu.wait_indirect_dma semaphore(%arg7 : memref<!tpu.dma_semaphore, #tpu.memory_space<semaphore_mem>>) src(%dma_wait3A_82 : memref<2048x144xf32, #tpu.memory_space<hbm>>) dst(%dma_wait3A_76 : memref<128x144xf32, #tpu.memory_space<vmem>>)
    "tpu.region"() ({
      %run_scoped3A = tpu.sem_alloc : memref<!tpu.dma_semaphore, #tpu.memory_space<semaphore_mem>>
      %dma_start3A_83 = arith.constant 0 : i32
      %dma_start3A_84 = tpu.memref_slice %arg4[%mul3A_2, %dma_start3A_83] : memref<16384x144xf32, #tpu.memory_space<hbm>> -> memref<512x144xf32, #tpu.memory_space<hbm>>
      %dma_start3A_85 = arith.constant 0 : i32
      %dma_start3A_86 = tpu.memref_slice %arg4[%mul3A_2, %dma_start3A_85] : memref<16384x144xf32, #tpu.memory_space<hbm>> -> memref<512x144xf32, #tpu.memory_space<hbm>>
      tpu.enqueue_dma source(%arg6 : memref<512x144xf32, #tpu.memory_space<vmem>>) target(%dma_start3A_86 : memref<512x144xf32, #tpu.memory_space<hbm>>) target_semaphore(%run_scoped3A : memref<!tpu.dma_semaphore, #tpu.memory_space<semaphore_mem>>)
      %dma_wait3A_87 = arith.constant 0 : i32
      %dma_wait3A_88 = tpu.memref_slice %arg4[%mul3A_2, %dma_wait3A_87] : memref<16384x144xf32, #tpu.memory_space<hbm>> -> memref<512x144xf32, #tpu.memory_space<hbm>>
      %dma_wait3A_89 = arith.constant 0 : i32
      %dma_wait3A_90 = tpu.memref_slice %arg4[%mul3A_2, %dma_wait3A_89] : memref<16384x144xf32, #tpu.memory_space<hbm>> -> memref<512x144xf32, #tpu.memory_space<hbm>>
      tpu.wait_dma2 semaphore(%run_scoped3A : memref<!tpu.dma_semaphore, #tpu.memory_space<semaphore_mem>>) src(%arg6 : memref<512x144xf32, #tpu.memory_space<vmem>>) dst(%dma_wait3A_90 : memref<512x144xf32, #tpu.memory_space<hbm>>)
      tpu.yield
    }) : () -> ()
    return
  }
}

module attributes {stable_mosaic.version = 14 : i64} {
  func.func @_knn_body(%arg0: i32, %arg1: memref<8x8192xf32, #tpu.memory_space<vmem>>, %arg2: memref<256x8xf32, #tpu.memory_space<vmem>>, %arg3: memref<256x16xi32, #tpu.memory_space<vmem>>) attributes {dimension_semantics = [#tpu.dimension_semantics<parallel>], iteration_bounds = array<i64: 16>, scalar_prefetch = 0 : i64, scratch_operands = 0 : i64, tpu.core_type = #tpu.core_type<tc>, window_params = [{pipeline_mode = #tpu.pipeline_mode<synchronous>, transform_indices = @transform_0, window_bounds = array<i64: 8, 8192>}, {transform_indices = @transform_1, window_bounds = array<i64: 256, 8>}, {transform_indices = @transform_2, window_bounds = array<i64: 256, 16>}]} {
    %get3A = arith.constant 0 : index
    %get3A_0 = arith.constant 0 : index
    %get3A_1 = vector.load %arg1[%get3A, %get3A_0] : memref<8x8192xf32, #tpu.memory_space<vmem>>, vector<8x8192xf32>
    %get3A_2 = arith.constant 0 : index
    %get3A_3 = arith.constant 0 : index
    %get3A_4 = vector.load %arg2[%get3A_2, %get3A_3] : memref<256x8xf32, #tpu.memory_space<vmem>>, vector<256x8xf32>
    %mul3A = arith.mulf %get3A_1, %get3A_1 : vector<8x8192xf32>
    %reduce_sum3A = arith.constant dense<0.000000e+00> : vector<8192xf32>
    %reduce_sum3A_5 = vector.multi_reduction <add>, %mul3A, %reduce_sum3A [0] : vector<8x8192xf32> to vector<8192xf32>
    %broadcast_in_dim3A = vector.shape_cast %reduce_sum3A_5 : vector<8192xf32> to vector<1x8192xf32>
    %mul3A_6 = arith.mulf %get3A_4, %get3A_4 : vector<256x8xf32>
    %reduce_sum3A_7 = arith.constant dense<0.000000e+00> : vector<256xf32>
    %reduce_sum3A_8 = vector.multi_reduction <add>, %mul3A_6, %reduce_sum3A_7 [1] : vector<256x8xf32> to vector<256xf32>
    %broadcast_in_dim3A_9 = vector.shape_cast %reduce_sum3A_8 : vector<256xf32> to vector<256x1xf32>
    %mul3A_10 = arith.constant -2.000000e+00 : f32
    %mul3A_11 = vector.broadcast %mul3A_10 : f32 to vector<256x8xf32>
    %mul3A_12 = arith.mulf %get3A_4, %mul3A_11 : vector<256x8xf32>
    %dot_general3A = arith.constant dense<0.000000e+00> : vector<256x8192xf32>
    %dot_general3A_13 = tpu.matmul %mul3A_12, %get3A_1, %dot_general3A {dimension_numbers = #tpu.dot_dimension_numbers<[1], [0], [0], [1], [0, 0, 1, 1], [], []>, transpose_lhs_hint = false} : vector<256x8xf32>, vector<8x8192xf32>, vector<256x8192xf32> -> vector<256x8192xf32>
    %add3A = vector.broadcast %broadcast_in_dim3A_9 : vector<256x1xf32> to vector<256x8192xf32>
    %add3A_14 = arith.addf %add3A, %dot_general3A_13 : vector<256x8192xf32>
    %add3A_15 = vector.broadcast %broadcast_in_dim3A : vector<1x8192xf32> to vector<256x8192xf32>
    %add3A_16 = arith.addf %add3A_14, %add3A_15 : vector<256x8192xf32>
    %iota3A = tpu.iota {dimensions = array<i32: 1>} : vector<256x8192xi32>
    %reduce_min3A = arith.constant dense<0x7F800000> : vector<256xf32>
    %reduce_min3A_17 = vector.multi_reduction <minimumf>, %add3A_16, %reduce_min3A [1] : vector<256x8192xf32> to vector<256xf32>
    %broadcast_in_dim3A_18 = vector.shape_cast %reduce_min3A_17 : vector<256xf32> to vector<256x1xf32>
    %eq3A = vector.broadcast %broadcast_in_dim3A_18 : vector<256x1xf32> to vector<256x8192xf32>
    %eq3A_19 = arith.cmpf oeq, %add3A_16, %eq3A : vector<256x8192xf32>
    %jit3A = arith.constant 8192 : i32
    %broadcast_in_dim3A_20 = vector.broadcast %jit3A : i32 to vector<256x8192xi32>
    %select_n3A = arith.select %eq3A_19, %iota3A, %broadcast_in_dim3A_20 : vector<256x8192xi1>, vector<256x8192xi32>
    %reduce_min3A_21 = arith.constant dense<2147483647> : vector<256xi32>
    %reduce_min3A_22 = vector.multi_reduction <minsi>, %select_n3A, %reduce_min3A_21 [1] : vector<256x8192xi32> to vector<256xi32>
    %broadcast_in_dim3A_23 = vector.shape_cast %reduce_min3A_22 : vector<256xi32> to vector<256x1xi32>
    %jit3A_24 = arith.constant 0x7F800000 : f32
    %broadcast_in_dim3A_25 = vector.broadcast %jit3A_24 : f32 to vector<256x8192xf32>
    %select_n3A_26 = arith.select %eq3A_19, %broadcast_in_dim3A_25, %add3A_16 : vector<256x8192xi1>, vector<256x8192xf32>
    %reduce_min3A_27 = arith.constant dense<0x7F800000> : vector<256xf32>
    %reduce_min3A_28 = vector.multi_reduction <minimumf>, %select_n3A_26, %reduce_min3A_27 [1] : vector<256x8192xf32> to vector<256xf32>
    %broadcast_in_dim3A_29 = vector.shape_cast %reduce_min3A_28 : vector<256xf32> to vector<256x1xf32>
    %eq3A_30 = vector.broadcast %broadcast_in_dim3A_29 : vector<256x1xf32> to vector<256x8192xf32>
    %eq3A_31 = arith.cmpf oeq, %select_n3A_26, %eq3A_30 : vector<256x8192xf32>
    %jit3A_32 = arith.constant 8192 : i32
    %broadcast_in_dim3A_33 = vector.broadcast %jit3A_32 : i32 to vector<256x8192xi32>
    %select_n3A_34 = arith.select %eq3A_31, %iota3A, %broadcast_in_dim3A_33 : vector<256x8192xi1>, vector<256x8192xi32>
    %reduce_min3A_35 = arith.constant dense<2147483647> : vector<256xi32>
    %reduce_min3A_36 = vector.multi_reduction <minsi>, %select_n3A_34, %reduce_min3A_35 [1] : vector<256x8192xi32> to vector<256xi32>
    %broadcast_in_dim3A_37 = vector.shape_cast %reduce_min3A_36 : vector<256xi32> to vector<256x1xi32>
    %jit3A_38 = arith.constant 0x7F800000 : f32
    %broadcast_in_dim3A_39 = vector.broadcast %jit3A_38 : f32 to vector<256x8192xf32>
    %select_n3A_40 = arith.select %eq3A_31, %broadcast_in_dim3A_39, %select_n3A_26 : vector<256x8192xi1>, vector<256x8192xf32>
    %reduce_min3A_41 = arith.constant dense<0x7F800000> : vector<256xf32>
    %reduce_min3A_42 = vector.multi_reduction <minimumf>, %select_n3A_40, %reduce_min3A_41 [1] : vector<256x8192xf32> to vector<256xf32>
    %broadcast_in_dim3A_43 = vector.shape_cast %reduce_min3A_42 : vector<256xf32> to vector<256x1xf32>
    %eq3A_44 = vector.broadcast %broadcast_in_dim3A_43 : vector<256x1xf32> to vector<256x8192xf32>
    %eq3A_45 = arith.cmpf oeq, %select_n3A_40, %eq3A_44 : vector<256x8192xf32>
    %jit3A_46 = arith.constant 8192 : i32
    %broadcast_in_dim3A_47 = vector.broadcast %jit3A_46 : i32 to vector<256x8192xi32>
    %select_n3A_48 = arith.select %eq3A_45, %iota3A, %broadcast_in_dim3A_47 : vector<256x8192xi1>, vector<256x8192xi32>
    %reduce_min3A_49 = arith.constant dense<2147483647> : vector<256xi32>
    %reduce_min3A_50 = vector.multi_reduction <minsi>, %select_n3A_48, %reduce_min3A_49 [1] : vector<256x8192xi32> to vector<256xi32>
    %broadcast_in_dim3A_51 = vector.shape_cast %reduce_min3A_50 : vector<256xi32> to vector<256x1xi32>
    %jit3A_52 = arith.constant 0x7F800000 : f32
    %broadcast_in_dim3A_53 = vector.broadcast %jit3A_52 : f32 to vector<256x8192xf32>
    %select_n3A_54 = arith.select %eq3A_45, %broadcast_in_dim3A_53, %select_n3A_40 : vector<256x8192xi1>, vector<256x8192xf32>
    %reduce_min3A_55 = arith.constant dense<0x7F800000> : vector<256xf32>
    %reduce_min3A_56 = vector.multi_reduction <minimumf>, %select_n3A_54, %reduce_min3A_55 [1] : vector<256x8192xf32> to vector<256xf32>
    %broadcast_in_dim3A_57 = vector.shape_cast %reduce_min3A_56 : vector<256xf32> to vector<256x1xf32>
    %eq3A_58 = vector.broadcast %broadcast_in_dim3A_57 : vector<256x1xf32> to vector<256x8192xf32>
    %eq3A_59 = arith.cmpf oeq, %select_n3A_54, %eq3A_58 : vector<256x8192xf32>
    %jit3A_60 = arith.constant 8192 : i32
    %broadcast_in_dim3A_61 = vector.broadcast %jit3A_60 : i32 to vector<256x8192xi32>
    %select_n3A_62 = arith.select %eq3A_59, %iota3A, %broadcast_in_dim3A_61 : vector<256x8192xi1>, vector<256x8192xi32>
    %reduce_min3A_63 = arith.constant dense<2147483647> : vector<256xi32>
    %reduce_min3A_64 = vector.multi_reduction <minsi>, %select_n3A_62, %reduce_min3A_63 [1] : vector<256x8192xi32> to vector<256xi32>
    %broadcast_in_dim3A_65 = vector.shape_cast %reduce_min3A_64 : vector<256xi32> to vector<256x1xi32>
    %jit3A_66 = arith.constant 0x7F800000 : f32
    %broadcast_in_dim3A_67 = vector.broadcast %jit3A_66 : f32 to vector<256x8192xf32>
    %select_n3A_68 = arith.select %eq3A_59, %broadcast_in_dim3A_67, %select_n3A_54 : vector<256x8192xi1>, vector<256x8192xf32>
    %reduce_min3A_69 = arith.constant dense<0x7F800000> : vector<256xf32>
    %reduce_min3A_70 = vector.multi_reduction <minimumf>, %select_n3A_68, %reduce_min3A_69 [1] : vector<256x8192xf32> to vector<256xf32>
    %broadcast_in_dim3A_71 = vector.shape_cast %reduce_min3A_70 : vector<256xf32> to vector<256x1xf32>
    %eq3A_72 = vector.broadcast %broadcast_in_dim3A_71 : vector<256x1xf32> to vector<256x8192xf32>
    %eq3A_73 = arith.cmpf oeq, %select_n3A_68, %eq3A_72 : vector<256x8192xf32>
    %jit3A_74 = arith.constant 8192 : i32
    %broadcast_in_dim3A_75 = vector.broadcast %jit3A_74 : i32 to vector<256x8192xi32>
    %select_n3A_76 = arith.select %eq3A_73, %iota3A, %broadcast_in_dim3A_75 : vector<256x8192xi1>, vector<256x8192xi32>
    %reduce_min3A_77 = arith.constant dense<2147483647> : vector<256xi32>
    %reduce_min3A_78 = vector.multi_reduction <minsi>, %select_n3A_76, %reduce_min3A_77 [1] : vector<256x8192xi32> to vector<256xi32>
    %broadcast_in_dim3A_79 = vector.shape_cast %reduce_min3A_78 : vector<256xi32> to vector<256x1xi32>
    %jit3A_80 = arith.constant 0x7F800000 : f32
    %broadcast_in_dim3A_81 = vector.broadcast %jit3A_80 : f32 to vector<256x8192xf32>
    %select_n3A_82 = arith.select %eq3A_73, %broadcast_in_dim3A_81, %select_n3A_68 : vector<256x8192xi1>, vector<256x8192xf32>
    %reduce_min3A_83 = arith.constant dense<0x7F800000> : vector<256xf32>
    %reduce_min3A_84 = vector.multi_reduction <minimumf>, %select_n3A_82, %reduce_min3A_83 [1] : vector<256x8192xf32> to vector<256xf32>
    %broadcast_in_dim3A_85 = vector.shape_cast %reduce_min3A_84 : vector<256xf32> to vector<256x1xf32>
    %eq3A_86 = vector.broadcast %broadcast_in_dim3A_85 : vector<256x1xf32> to vector<256x8192xf32>
    %eq3A_87 = arith.cmpf oeq, %select_n3A_82, %eq3A_86 : vector<256x8192xf32>
    %jit3A_88 = arith.constant 8192 : i32
    %broadcast_in_dim3A_89 = vector.broadcast %jit3A_88 : i32 to vector<256x8192xi32>
    %select_n3A_90 = arith.select %eq3A_87, %iota3A, %broadcast_in_dim3A_89 : vector<256x8192xi1>, vector<256x8192xi32>
    %reduce_min3A_91 = arith.constant dense<2147483647> : vector<256xi32>
    %reduce_min3A_92 = vector.multi_reduction <minsi>, %select_n3A_90, %reduce_min3A_91 [1] : vector<256x8192xi32> to vector<256xi32>
    %broadcast_in_dim3A_93 = vector.shape_cast %reduce_min3A_92 : vector<256xi32> to vector<256x1xi32>
    %jit3A_94 = arith.constant 0x7F800000 : f32
    %broadcast_in_dim3A_95 = vector.broadcast %jit3A_94 : f32 to vector<256x8192xf32>
    %select_n3A_96 = arith.select %eq3A_87, %broadcast_in_dim3A_95, %select_n3A_82 : vector<256x8192xi1>, vector<256x8192xf32>
    %reduce_min3A_97 = arith.constant dense<0x7F800000> : vector<256xf32>
    %reduce_min3A_98 = vector.multi_reduction <minimumf>, %select_n3A_96, %reduce_min3A_97 [1] : vector<256x8192xf32> to vector<256xf32>
    %broadcast_in_dim3A_99 = vector.shape_cast %reduce_min3A_98 : vector<256xf32> to vector<256x1xf32>
    %eq3A_100 = vector.broadcast %broadcast_in_dim3A_99 : vector<256x1xf32> to vector<256x8192xf32>
    %eq3A_101 = arith.cmpf oeq, %select_n3A_96, %eq3A_100 : vector<256x8192xf32>
    %jit3A_102 = arith.constant 8192 : i32
    %broadcast_in_dim3A_103 = vector.broadcast %jit3A_102 : i32 to vector<256x8192xi32>
    %select_n3A_104 = arith.select %eq3A_101, %iota3A, %broadcast_in_dim3A_103 : vector<256x8192xi1>, vector<256x8192xi32>
    %reduce_min3A_105 = arith.constant dense<2147483647> : vector<256xi32>
    %reduce_min3A_106 = vector.multi_reduction <minsi>, %select_n3A_104, %reduce_min3A_105 [1] : vector<256x8192xi32> to vector<256xi32>
    %broadcast_in_dim3A_107 = vector.shape_cast %reduce_min3A_106 : vector<256xi32> to vector<256x1xi32>
    %jit3A_108 = arith.constant 0x7F800000 : f32
    %broadcast_in_dim3A_109 = vector.broadcast %jit3A_108 : f32 to vector<256x8192xf32>
    %select_n3A_110 = arith.select %eq3A_101, %broadcast_in_dim3A_109, %select_n3A_96 : vector<256x8192xi1>, vector<256x8192xf32>
    %reduce_min3A_111 = arith.constant dense<0x7F800000> : vector<256xf32>
    %reduce_min3A_112 = vector.multi_reduction <minimumf>, %select_n3A_110, %reduce_min3A_111 [1] : vector<256x8192xf32> to vector<256xf32>
    %broadcast_in_dim3A_113 = vector.shape_cast %reduce_min3A_112 : vector<256xf32> to vector<256x1xf32>
    %eq3A_114 = vector.broadcast %broadcast_in_dim3A_113 : vector<256x1xf32> to vector<256x8192xf32>
    %eq3A_115 = arith.cmpf oeq, %select_n3A_110, %eq3A_114 : vector<256x8192xf32>
    %jit3A_116 = arith.constant 8192 : i32
    %broadcast_in_dim3A_117 = vector.broadcast %jit3A_116 : i32 to vector<256x8192xi32>
    %select_n3A_118 = arith.select %eq3A_115, %iota3A, %broadcast_in_dim3A_117 : vector<256x8192xi1>, vector<256x8192xi32>
    %reduce_min3A_119 = arith.constant dense<2147483647> : vector<256xi32>
    %reduce_min3A_120 = vector.multi_reduction <minsi>, %select_n3A_118, %reduce_min3A_119 [1] : vector<256x8192xi32> to vector<256xi32>
    %broadcast_in_dim3A_121 = vector.shape_cast %reduce_min3A_120 : vector<256xi32> to vector<256x1xi32>
    %jit3A_122 = arith.constant 0x7F800000 : f32
    %broadcast_in_dim3A_123 = vector.broadcast %jit3A_122 : f32 to vector<256x8192xf32>
    %select_n3A_124 = arith.select %eq3A_115, %broadcast_in_dim3A_123, %select_n3A_110 : vector<256x8192xi1>, vector<256x8192xf32>
    %reduce_min3A_125 = arith.constant dense<0x7F800000> : vector<256xf32>
    %reduce_min3A_126 = vector.multi_reduction <minimumf>, %select_n3A_124, %reduce_min3A_125 [1] : vector<256x8192xf32> to vector<256xf32>
    %broadcast_in_dim3A_127 = vector.shape_cast %reduce_min3A_126 : vector<256xf32> to vector<256x1xf32>
    %eq3A_128 = vector.broadcast %broadcast_in_dim3A_127 : vector<256x1xf32> to vector<256x8192xf32>
    %eq3A_129 = arith.cmpf oeq, %select_n3A_124, %eq3A_128 : vector<256x8192xf32>
    %jit3A_130 = arith.constant 8192 : i32
    %broadcast_in_dim3A_131 = vector.broadcast %jit3A_130 : i32 to vector<256x8192xi32>
    %select_n3A_132 = arith.select %eq3A_129, %iota3A, %broadcast_in_dim3A_131 : vector<256x8192xi1>, vector<256x8192xi32>
    %reduce_min3A_133 = arith.constant dense<2147483647> : vector<256xi32>
    %reduce_min3A_134 = vector.multi_reduction <minsi>, %select_n3A_132, %reduce_min3A_133 [1] : vector<256x8192xi32> to vector<256xi32>
    %broadcast_in_dim3A_135 = vector.shape_cast %reduce_min3A_134 : vector<256xi32> to vector<256x1xi32>
    %jit3A_136 = arith.constant 0x7F800000 : f32
    %broadcast_in_dim3A_137 = vector.broadcast %jit3A_136 : f32 to vector<256x8192xf32>
    %select_n3A_138 = arith.select %eq3A_129, %broadcast_in_dim3A_137, %select_n3A_124 : vector<256x8192xi1>, vector<256x8192xf32>
    %reduce_min3A_139 = arith.constant dense<0x7F800000> : vector<256xf32>
    %reduce_min3A_140 = vector.multi_reduction <minimumf>, %select_n3A_138, %reduce_min3A_139 [1] : vector<256x8192xf32> to vector<256xf32>
    %broadcast_in_dim3A_141 = vector.shape_cast %reduce_min3A_140 : vector<256xf32> to vector<256x1xf32>
    %eq3A_142 = vector.broadcast %broadcast_in_dim3A_141 : vector<256x1xf32> to vector<256x8192xf32>
    %eq3A_143 = arith.cmpf oeq, %select_n3A_138, %eq3A_142 : vector<256x8192xf32>
    %jit3A_144 = arith.constant 8192 : i32
    %broadcast_in_dim3A_145 = vector.broadcast %jit3A_144 : i32 to vector<256x8192xi32>
    %select_n3A_146 = arith.select %eq3A_143, %iota3A, %broadcast_in_dim3A_145 : vector<256x8192xi1>, vector<256x8192xi32>
    %reduce_min3A_147 = arith.constant dense<2147483647> : vector<256xi32>
    %reduce_min3A_148 = vector.multi_reduction <minsi>, %select_n3A_146, %reduce_min3A_147 [1] : vector<256x8192xi32> to vector<256xi32>
    %broadcast_in_dim3A_149 = vector.shape_cast %reduce_min3A_148 : vector<256xi32> to vector<256x1xi32>
    %jit3A_150 = arith.constant 0x7F800000 : f32
    %broadcast_in_dim3A_151 = vector.broadcast %jit3A_150 : f32 to vector<256x8192xf32>
    %select_n3A_152 = arith.select %eq3A_143, %broadcast_in_dim3A_151, %select_n3A_138 : vector<256x8192xi1>, vector<256x8192xf32>
    %reduce_min3A_153 = arith.constant dense<0x7F800000> : vector<256xf32>
    %reduce_min3A_154 = vector.multi_reduction <minimumf>, %select_n3A_152, %reduce_min3A_153 [1] : vector<256x8192xf32> to vector<256xf32>
    %broadcast_in_dim3A_155 = vector.shape_cast %reduce_min3A_154 : vector<256xf32> to vector<256x1xf32>
    %eq3A_156 = vector.broadcast %broadcast_in_dim3A_155 : vector<256x1xf32> to vector<256x8192xf32>
    %eq3A_157 = arith.cmpf oeq, %select_n3A_152, %eq3A_156 : vector<256x8192xf32>
    %jit3A_158 = arith.constant 8192 : i32
    %broadcast_in_dim3A_159 = vector.broadcast %jit3A_158 : i32 to vector<256x8192xi32>
    %select_n3A_160 = arith.select %eq3A_157, %iota3A, %broadcast_in_dim3A_159 : vector<256x8192xi1>, vector<256x8192xi32>
    %reduce_min3A_161 = arith.constant dense<2147483647> : vector<256xi32>
    %reduce_min3A_162 = vector.multi_reduction <minsi>, %select_n3A_160, %reduce_min3A_161 [1] : vector<256x8192xi32> to vector<256xi32>
    %broadcast_in_dim3A_163 = vector.shape_cast %reduce_min3A_162 : vector<256xi32> to vector<256x1xi32>
    %jit3A_164 = arith.constant 0x7F800000 : f32
    %broadcast_in_dim3A_165 = vector.broadcast %jit3A_164 : f32 to vector<256x8192xf32>
    %select_n3A_166 = arith.select %eq3A_157, %broadcast_in_dim3A_165, %select_n3A_152 : vector<256x8192xi1>, vector<256x8192xf32>
    %reduce_min3A_167 = arith.constant dense<0x7F800000> : vector<256xf32>
    %reduce_min3A_168 = vector.multi_reduction <minimumf>, %select_n3A_166, %reduce_min3A_167 [1] : vector<256x8192xf32> to vector<256xf32>
    %broadcast_in_dim3A_169 = vector.shape_cast %reduce_min3A_168 : vector<256xf32> to vector<256x1xf32>
    %eq3A_170 = vector.broadcast %broadcast_in_dim3A_169 : vector<256x1xf32> to vector<256x8192xf32>
    %eq3A_171 = arith.cmpf oeq, %select_n3A_166, %eq3A_170 : vector<256x8192xf32>
    %jit3A_172 = arith.constant 8192 : i32
    %broadcast_in_dim3A_173 = vector.broadcast %jit3A_172 : i32 to vector<256x8192xi32>
    %select_n3A_174 = arith.select %eq3A_171, %iota3A, %broadcast_in_dim3A_173 : vector<256x8192xi1>, vector<256x8192xi32>
    %reduce_min3A_175 = arith.constant dense<2147483647> : vector<256xi32>
    %reduce_min3A_176 = vector.multi_reduction <minsi>, %select_n3A_174, %reduce_min3A_175 [1] : vector<256x8192xi32> to vector<256xi32>
    %broadcast_in_dim3A_177 = vector.shape_cast %reduce_min3A_176 : vector<256xi32> to vector<256x1xi32>
    %jit3A_178 = arith.constant 0x7F800000 : f32
    %broadcast_in_dim3A_179 = vector.broadcast %jit3A_178 : f32 to vector<256x8192xf32>
    %select_n3A_180 = arith.select %eq3A_171, %broadcast_in_dim3A_179, %select_n3A_166 : vector<256x8192xi1>, vector<256x8192xf32>
    %reduce_min3A_181 = arith.constant dense<0x7F800000> : vector<256xf32>
    %reduce_min3A_182 = vector.multi_reduction <minimumf>, %select_n3A_180, %reduce_min3A_181 [1] : vector<256x8192xf32> to vector<256xf32>
    %broadcast_in_dim3A_183 = vector.shape_cast %reduce_min3A_182 : vector<256xf32> to vector<256x1xf32>
    %eq3A_184 = vector.broadcast %broadcast_in_dim3A_183 : vector<256x1xf32> to vector<256x8192xf32>
    %eq3A_185 = arith.cmpf oeq, %select_n3A_180, %eq3A_184 : vector<256x8192xf32>
    %jit3A_186 = arith.constant 8192 : i32
    %broadcast_in_dim3A_187 = vector.broadcast %jit3A_186 : i32 to vector<256x8192xi32>
    %select_n3A_188 = arith.select %eq3A_185, %iota3A, %broadcast_in_dim3A_187 : vector<256x8192xi1>, vector<256x8192xi32>
    %reduce_min3A_189 = arith.constant dense<2147483647> : vector<256xi32>
    %reduce_min3A_190 = vector.multi_reduction <minsi>, %select_n3A_188, %reduce_min3A_189 [1] : vector<256x8192xi32> to vector<256xi32>
    %broadcast_in_dim3A_191 = vector.shape_cast %reduce_min3A_190 : vector<256xi32> to vector<256x1xi32>
    %jit3A_192 = arith.constant 0x7F800000 : f32
    %broadcast_in_dim3A_193 = vector.broadcast %jit3A_192 : f32 to vector<256x8192xf32>
    %select_n3A_194 = arith.select %eq3A_185, %broadcast_in_dim3A_193, %select_n3A_180 : vector<256x8192xi1>, vector<256x8192xf32>
    %reduce_min3A_195 = arith.constant dense<0x7F800000> : vector<256xf32>
    %reduce_min3A_196 = vector.multi_reduction <minimumf>, %select_n3A_194, %reduce_min3A_195 [1] : vector<256x8192xf32> to vector<256xf32>
    %broadcast_in_dim3A_197 = vector.shape_cast %reduce_min3A_196 : vector<256xf32> to vector<256x1xf32>
    %eq3A_198 = vector.broadcast %broadcast_in_dim3A_197 : vector<256x1xf32> to vector<256x8192xf32>
    %eq3A_199 = arith.cmpf oeq, %select_n3A_194, %eq3A_198 : vector<256x8192xf32>
    %jit3A_200 = arith.constant 8192 : i32
    %broadcast_in_dim3A_201 = vector.broadcast %jit3A_200 : i32 to vector<256x8192xi32>
    %select_n3A_202 = arith.select %eq3A_199, %iota3A, %broadcast_in_dim3A_201 : vector<256x8192xi1>, vector<256x8192xi32>
    %reduce_min3A_203 = arith.constant dense<2147483647> : vector<256xi32>
    %reduce_min3A_204 = vector.multi_reduction <minsi>, %select_n3A_202, %reduce_min3A_203 [1] : vector<256x8192xi32> to vector<256xi32>
    %broadcast_in_dim3A_205 = vector.shape_cast %reduce_min3A_204 : vector<256xi32> to vector<256x1xi32>
    %jit3A_206 = arith.constant 0x7F800000 : f32
    %broadcast_in_dim3A_207 = vector.broadcast %jit3A_206 : f32 to vector<256x8192xf32>
    %select_n3A_208 = arith.select %eq3A_199, %broadcast_in_dim3A_207, %select_n3A_194 : vector<256x8192xi1>, vector<256x8192xf32>
    %reduce_min3A_209 = arith.constant dense<0x7F800000> : vector<256xf32>
    %reduce_min3A_210 = vector.multi_reduction <minimumf>, %select_n3A_208, %reduce_min3A_209 [1] : vector<256x8192xf32> to vector<256xf32>
    %broadcast_in_dim3A_211 = vector.shape_cast %reduce_min3A_210 : vector<256xf32> to vector<256x1xf32>
    %eq3A_212 = vector.broadcast %broadcast_in_dim3A_211 : vector<256x1xf32> to vector<256x8192xf32>
    %eq3A_213 = arith.cmpf oeq, %select_n3A_208, %eq3A_212 : vector<256x8192xf32>
    %jit3A_214 = arith.constant 8192 : i32
    %broadcast_in_dim3A_215 = vector.broadcast %jit3A_214 : i32 to vector<256x8192xi32>
    %select_n3A_216 = arith.select %eq3A_213, %iota3A, %broadcast_in_dim3A_215 : vector<256x8192xi1>, vector<256x8192xi32>
    %reduce_min3A_217 = arith.constant dense<2147483647> : vector<256xi32>
    %reduce_min3A_218 = vector.multi_reduction <minsi>, %select_n3A_216, %reduce_min3A_217 [1] : vector<256x8192xi32> to vector<256xi32>
    %broadcast_in_dim3A_219 = vector.shape_cast %reduce_min3A_218 : vector<256xi32> to vector<256x1xi32>
    %jit3A_220 = arith.constant 0x7F800000 : f32
    %broadcast_in_dim3A_221 = vector.broadcast %jit3A_220 : f32 to vector<256x8192xf32>
    %select_n3A_222 = arith.select %eq3A_213, %broadcast_in_dim3A_221, %select_n3A_208 : vector<256x8192xi1>, vector<256x8192xf32>
    %reduce_min3A_223 = arith.constant dense<0x7F800000> : vector<256xf32>
    %reduce_min3A_224 = vector.multi_reduction <minimumf>, %select_n3A_222, %reduce_min3A_223 [1] : vector<256x8192xf32> to vector<256xf32>
    %broadcast_in_dim3A_225 = vector.shape_cast %reduce_min3A_224 : vector<256xf32> to vector<256x1xf32>
    %eq3A_226 = vector.broadcast %broadcast_in_dim3A_225 : vector<256x1xf32> to vector<256x8192xf32>
    %eq3A_227 = arith.cmpf oeq, %select_n3A_222, %eq3A_226 : vector<256x8192xf32>
    %jit3A_228 = arith.constant 8192 : i32
    %broadcast_in_dim3A_229 = vector.broadcast %jit3A_228 : i32 to vector<256x8192xi32>
    %select_n3A_230 = arith.select %eq3A_227, %iota3A, %broadcast_in_dim3A_229 : vector<256x8192xi1>, vector<256x8192xi32>
    %reduce_min3A_231 = arith.constant dense<2147483647> : vector<256xi32>
    %reduce_min3A_232 = vector.multi_reduction <minsi>, %select_n3A_230, %reduce_min3A_231 [1] : vector<256x8192xi32> to vector<256xi32>
    %broadcast_in_dim3A_233 = vector.shape_cast %reduce_min3A_232 : vector<256xi32> to vector<256x1xi32>
    %concatenate3A = tpu.concatenate %broadcast_in_dim3A_23, %broadcast_in_dim3A_37, %broadcast_in_dim3A_51, %broadcast_in_dim3A_65, %broadcast_in_dim3A_79, %broadcast_in_dim3A_93, %broadcast_in_dim3A_107, %broadcast_in_dim3A_121, %broadcast_in_dim3A_135, %broadcast_in_dim3A_149, %broadcast_in_dim3A_163, %broadcast_in_dim3A_177, %broadcast_in_dim3A_191, %broadcast_in_dim3A_205, %broadcast_in_dim3A_219, %broadcast_in_dim3A_233 in 1 : vector<256x1xi32>, vector<256x1xi32>, vector<256x1xi32>, vector<256x1xi32>, vector<256x1xi32>, vector<256x1xi32>, vector<256x1xi32>, vector<256x1xi32>, vector<256x1xi32>, vector<256x1xi32>, vector<256x1xi32>, vector<256x1xi32>, vector<256x1xi32>, vector<256x1xi32>, vector<256x1xi32>, vector<256x1xi32> -> vector<256x16xi32>
    %swap3A = arith.constant 0 : index
    %swap3A_234 = arith.constant 0 : index
    %swap3A_235 = vector.load %arg3[%swap3A, %swap3A_234] : memref<256x16xi32, #tpu.memory_space<vmem>>, vector<256x16xi32>
    tpu.vector_store %arg3[%swap3A, %swap3A_234], %concatenate3A {strides = array<i32>} : memref<256x16xi32, #tpu.memory_space<vmem>>, vector<256x16xi32>,
    return
  }
  func.func @transform_0(%arg0: i32) -> (i32, i32) {
    %c0_i32 = arith.constant 0 : i32
    %c0_i32_0 = arith.constant 0 : i32
    %c0_i32_1 = arith.constant 0 : i32
    return %c0_i32, %c0_i32_0 : i32, i32
  }
  func.func @transform_1(%arg0: i32) -> (i32, i32) {
    %c0_i32 = arith.constant 0 : i32
    %c0_i32_0 = arith.constant 0 : i32
    return %arg0, %c0_i32 : i32, i32
  }
  func.func @transform_2(%arg0: i32) -> (i32, i32) {
    %c0_i32 = arith.constant 0 : i32
    %c0_i32_0 = arith.constant 0 : i32
    return %arg0, %c0_i32 : i32, i32
  }
}

module attributes {stable_mosaic.version = 14 : i64} {
  func.func @_knn_body(%arg0: i32, %arg1: memref<8x4096xf32, #tpu.memory_space<vmem>>, %arg2: memref<256x8xf32, #tpu.memory_space<vmem>>, %arg3: memref<256x16xi32, #tpu.memory_space<vmem>>) attributes {dimension_semantics = [#tpu.dimension_semantics<parallel>], iteration_bounds = array<i64: 8>, scalar_prefetch = 0 : i64, scratch_operands = 0 : i64, tpu.core_type = #tpu.core_type<tc>, window_params = [{pipeline_mode = #tpu.pipeline_mode<synchronous>, transform_indices = @transform_0, window_bounds = array<i64: 8, 4096>}, {transform_indices = @transform_1, window_bounds = array<i64: 256, 8>}, {transform_indices = @transform_2, window_bounds = array<i64: 256, 16>}]} {
    %get3A = arith.constant 0 : index
    %get3A_0 = arith.constant 0 : index
    %get3A_1 = vector.load %arg1[%get3A, %get3A_0] : memref<8x4096xf32, #tpu.memory_space<vmem>>, vector<8x4096xf32>
    %get3A_2 = arith.constant 0 : index
    %get3A_3 = arith.constant 0 : index
    %get3A_4 = vector.load %arg2[%get3A_2, %get3A_3] : memref<256x8xf32, #tpu.memory_space<vmem>>, vector<256x8xf32>
    %mul3A = arith.mulf %get3A_1, %get3A_1 : vector<8x4096xf32>
    %reduce_sum3A = arith.constant dense<0.000000e+00> : vector<4096xf32>
    %reduce_sum3A_5 = vector.multi_reduction <add>, %mul3A, %reduce_sum3A [0] : vector<8x4096xf32> to vector<4096xf32>
    %broadcast_in_dim3A = vector.shape_cast %reduce_sum3A_5 : vector<4096xf32> to vector<1x4096xf32>
    %mul3A_6 = arith.mulf %get3A_4, %get3A_4 : vector<256x8xf32>
    %reduce_sum3A_7 = arith.constant dense<0.000000e+00> : vector<256xf32>
    %reduce_sum3A_8 = vector.multi_reduction <add>, %mul3A_6, %reduce_sum3A_7 [1] : vector<256x8xf32> to vector<256xf32>
    %broadcast_in_dim3A_9 = vector.shape_cast %reduce_sum3A_8 : vector<256xf32> to vector<256x1xf32>
    %mul3A_10 = arith.constant -2.000000e+00 : f32
    %mul3A_11 = vector.broadcast %mul3A_10 : f32 to vector<256x8xf32>
    %mul3A_12 = arith.mulf %get3A_4, %mul3A_11 : vector<256x8xf32>
    %dot_general3A = arith.constant dense<0.000000e+00> : vector<256x4096xf32>
    %dot_general3A_13 = tpu.matmul %mul3A_12, %get3A_1, %dot_general3A {dimension_numbers = #tpu.dot_dimension_numbers<[1], [0], [0], [1], [0, 0, 1, 1], [], []>, transpose_lhs_hint = false} : vector<256x8xf32>, vector<8x4096xf32>, vector<256x4096xf32> -> vector<256x4096xf32>
    %add3A = vector.broadcast %broadcast_in_dim3A_9 : vector<256x1xf32> to vector<256x4096xf32>
    %add3A_14 = arith.addf %add3A, %dot_general3A_13 : vector<256x4096xf32>
    %add3A_15 = vector.broadcast %broadcast_in_dim3A : vector<1x4096xf32> to vector<256x4096xf32>
    %add3A_16 = arith.addf %add3A_14, %add3A_15 : vector<256x4096xf32>
    %iota3A = tpu.iota {dimensions = array<i32: 1>} : vector<256x4096xi32>
    %reduce_min3A = arith.constant dense<0x7F800000> : vector<256xf32>
    %reduce_min3A_17 = vector.multi_reduction <minimumf>, %add3A_16, %reduce_min3A [1] : vector<256x4096xf32> to vector<256xf32>
    %broadcast_in_dim3A_18 = vector.shape_cast %reduce_min3A_17 : vector<256xf32> to vector<256x1xf32>
    %eq3A = vector.broadcast %broadcast_in_dim3A_18 : vector<256x1xf32> to vector<256x4096xf32>
    %eq3A_19 = arith.cmpf oeq, %add3A_16, %eq3A : vector<256x4096xf32>
    %jit3A = arith.constant 4096 : i32
    %broadcast_in_dim3A_20 = vector.broadcast %jit3A : i32 to vector<256x4096xi32>
    %select_n3A = arith.select %eq3A_19, %iota3A, %broadcast_in_dim3A_20 : vector<256x4096xi1>, vector<256x4096xi32>
    %reduce_min3A_21 = arith.constant dense<2147483647> : vector<256xi32>
    %reduce_min3A_22 = vector.multi_reduction <minsi>, %select_n3A, %reduce_min3A_21 [1] : vector<256x4096xi32> to vector<256xi32>
    %broadcast_in_dim3A_23 = vector.shape_cast %reduce_min3A_22 : vector<256xi32> to vector<256x1xi32>
    %jit3A_24 = arith.constant 0x7F800000 : f32
    %broadcast_in_dim3A_25 = vector.broadcast %jit3A_24 : f32 to vector<256x4096xf32>
    %select_n3A_26 = arith.select %eq3A_19, %broadcast_in_dim3A_25, %add3A_16 : vector<256x4096xi1>, vector<256x4096xf32>
    %reduce_min3A_27 = arith.constant dense<0x7F800000> : vector<256xf32>
    %reduce_min3A_28 = vector.multi_reduction <minimumf>, %select_n3A_26, %reduce_min3A_27 [1] : vector<256x4096xf32> to vector<256xf32>
    %broadcast_in_dim3A_29 = vector.shape_cast %reduce_min3A_28 : vector<256xf32> to vector<256x1xf32>
    %eq3A_30 = vector.broadcast %broadcast_in_dim3A_29 : vector<256x1xf32> to vector<256x4096xf32>
    %eq3A_31 = arith.cmpf oeq, %select_n3A_26, %eq3A_30 : vector<256x4096xf32>
    %jit3A_32 = arith.constant 4096 : i32
    %broadcast_in_dim3A_33 = vector.broadcast %jit3A_32 : i32 to vector<256x4096xi32>
    %select_n3A_34 = arith.select %eq3A_31, %iota3A, %broadcast_in_dim3A_33 : vector<256x4096xi1>, vector<256x4096xi32>
    %reduce_min3A_35 = arith.constant dense<2147483647> : vector<256xi32>
    %reduce_min3A_36 = vector.multi_reduction <minsi>, %select_n3A_34, %reduce_min3A_35 [1] : vector<256x4096xi32> to vector<256xi32>
    %broadcast_in_dim3A_37 = vector.shape_cast %reduce_min3A_36 : vector<256xi32> to vector<256x1xi32>
    %jit3A_38 = arith.constant 0x7F800000 : f32
    %broadcast_in_dim3A_39 = vector.broadcast %jit3A_38 : f32 to vector<256x4096xf32>
    %select_n3A_40 = arith.select %eq3A_31, %broadcast_in_dim3A_39, %select_n3A_26 : vector<256x4096xi1>, vector<256x4096xf32>
    %reduce_min3A_41 = arith.constant dense<0x7F800000> : vector<256xf32>
    %reduce_min3A_42 = vector.multi_reduction <minimumf>, %select_n3A_40, %reduce_min3A_41 [1] : vector<256x4096xf32> to vector<256xf32>
    %broadcast_in_dim3A_43 = vector.shape_cast %reduce_min3A_42 : vector<256xf32> to vector<256x1xf32>
    %eq3A_44 = vector.broadcast %broadcast_in_dim3A_43 : vector<256x1xf32> to vector<256x4096xf32>
    %eq3A_45 = arith.cmpf oeq, %select_n3A_40, %eq3A_44 : vector<256x4096xf32>
    %jit3A_46 = arith.constant 4096 : i32
    %broadcast_in_dim3A_47 = vector.broadcast %jit3A_46 : i32 to vector<256x4096xi32>
    %select_n3A_48 = arith.select %eq3A_45, %iota3A, %broadcast_in_dim3A_47 : vector<256x4096xi1>, vector<256x4096xi32>
    %reduce_min3A_49 = arith.constant dense<2147483647> : vector<256xi32>
    %reduce_min3A_50 = vector.multi_reduction <minsi>, %select_n3A_48, %reduce_min3A_49 [1] : vector<256x4096xi32> to vector<256xi32>
    %broadcast_in_dim3A_51 = vector.shape_cast %reduce_min3A_50 : vector<256xi32> to vector<256x1xi32>
    %jit3A_52 = arith.constant 0x7F800000 : f32
    %broadcast_in_dim3A_53 = vector.broadcast %jit3A_52 : f32 to vector<256x4096xf32>
    %select_n3A_54 = arith.select %eq3A_45, %broadcast_in_dim3A_53, %select_n3A_40 : vector<256x4096xi1>, vector<256x4096xf32>
    %reduce_min3A_55 = arith.constant dense<0x7F800000> : vector<256xf32>
    %reduce_min3A_56 = vector.multi_reduction <minimumf>, %select_n3A_54, %reduce_min3A_55 [1] : vector<256x4096xf32> to vector<256xf32>
    %broadcast_in_dim3A_57 = vector.shape_cast %reduce_min3A_56 : vector<256xf32> to vector<256x1xf32>
    %eq3A_58 = vector.broadcast %broadcast_in_dim3A_57 : vector<256x1xf32> to vector<256x4096xf32>
    %eq3A_59 = arith.cmpf oeq, %select_n3A_54, %eq3A_58 : vector<256x4096xf32>
    %jit3A_60 = arith.constant 4096 : i32
    %broadcast_in_dim3A_61 = vector.broadcast %jit3A_60 : i32 to vector<256x4096xi32>
    %select_n3A_62 = arith.select %eq3A_59, %iota3A, %broadcast_in_dim3A_61 : vector<256x4096xi1>, vector<256x4096xi32>
    %reduce_min3A_63 = arith.constant dense<2147483647> : vector<256xi32>
    %reduce_min3A_64 = vector.multi_reduction <minsi>, %select_n3A_62, %reduce_min3A_63 [1] : vector<256x4096xi32> to vector<256xi32>
    %broadcast_in_dim3A_65 = vector.shape_cast %reduce_min3A_64 : vector<256xi32> to vector<256x1xi32>
    %jit3A_66 = arith.constant 0x7F800000 : f32
    %broadcast_in_dim3A_67 = vector.broadcast %jit3A_66 : f32 to vector<256x4096xf32>
    %select_n3A_68 = arith.select %eq3A_59, %broadcast_in_dim3A_67, %select_n3A_54 : vector<256x4096xi1>, vector<256x4096xf32>
    %reduce_min3A_69 = arith.constant dense<0x7F800000> : vector<256xf32>
    %reduce_min3A_70 = vector.multi_reduction <minimumf>, %select_n3A_68, %reduce_min3A_69 [1] : vector<256x4096xf32> to vector<256xf32>
    %broadcast_in_dim3A_71 = vector.shape_cast %reduce_min3A_70 : vector<256xf32> to vector<256x1xf32>
    %eq3A_72 = vector.broadcast %broadcast_in_dim3A_71 : vector<256x1xf32> to vector<256x4096xf32>
    %eq3A_73 = arith.cmpf oeq, %select_n3A_68, %eq3A_72 : vector<256x4096xf32>
    %jit3A_74 = arith.constant 4096 : i32
    %broadcast_in_dim3A_75 = vector.broadcast %jit3A_74 : i32 to vector<256x4096xi32>
    %select_n3A_76 = arith.select %eq3A_73, %iota3A, %broadcast_in_dim3A_75 : vector<256x4096xi1>, vector<256x4096xi32>
    %reduce_min3A_77 = arith.constant dense<2147483647> : vector<256xi32>
    %reduce_min3A_78 = vector.multi_reduction <minsi>, %select_n3A_76, %reduce_min3A_77 [1] : vector<256x4096xi32> to vector<256xi32>
    %broadcast_in_dim3A_79 = vector.shape_cast %reduce_min3A_78 : vector<256xi32> to vector<256x1xi32>
    %jit3A_80 = arith.constant 0x7F800000 : f32
    %broadcast_in_dim3A_81 = vector.broadcast %jit3A_80 : f32 to vector<256x4096xf32>
    %select_n3A_82 = arith.select %eq3A_73, %broadcast_in_dim3A_81, %select_n3A_68 : vector<256x4096xi1>, vector<256x4096xf32>
    %reduce_min3A_83 = arith.constant dense<0x7F800000> : vector<256xf32>
    %reduce_min3A_84 = vector.multi_reduction <minimumf>, %select_n3A_82, %reduce_min3A_83 [1] : vector<256x4096xf32> to vector<256xf32>
    %broadcast_in_dim3A_85 = vector.shape_cast %reduce_min3A_84 : vector<256xf32> to vector<256x1xf32>
    %eq3A_86 = vector.broadcast %broadcast_in_dim3A_85 : vector<256x1xf32> to vector<256x4096xf32>
    %eq3A_87 = arith.cmpf oeq, %select_n3A_82, %eq3A_86 : vector<256x4096xf32>
    %jit3A_88 = arith.constant 4096 : i32
    %broadcast_in_dim3A_89 = vector.broadcast %jit3A_88 : i32 to vector<256x4096xi32>
    %select_n3A_90 = arith.select %eq3A_87, %iota3A, %broadcast_in_dim3A_89 : vector<256x4096xi1>, vector<256x4096xi32>
    %reduce_min3A_91 = arith.constant dense<2147483647> : vector<256xi32>
    %reduce_min3A_92 = vector.multi_reduction <minsi>, %select_n3A_90, %reduce_min3A_91 [1] : vector<256x4096xi32> to vector<256xi32>
    %broadcast_in_dim3A_93 = vector.shape_cast %reduce_min3A_92 : vector<256xi32> to vector<256x1xi32>
    %jit3A_94 = arith.constant 0x7F800000 : f32
    %broadcast_in_dim3A_95 = vector.broadcast %jit3A_94 : f32 to vector<256x4096xf32>
    %select_n3A_96 = arith.select %eq3A_87, %broadcast_in_dim3A_95, %select_n3A_82 : vector<256x4096xi1>, vector<256x4096xf32>
    %reduce_min3A_97 = arith.constant dense<0x7F800000> : vector<256xf32>
    %reduce_min3A_98 = vector.multi_reduction <minimumf>, %select_n3A_96, %reduce_min3A_97 [1] : vector<256x4096xf32> to vector<256xf32>
    %broadcast_in_dim3A_99 = vector.shape_cast %reduce_min3A_98 : vector<256xf32> to vector<256x1xf32>
    %eq3A_100 = vector.broadcast %broadcast_in_dim3A_99 : vector<256x1xf32> to vector<256x4096xf32>
    %eq3A_101 = arith.cmpf oeq, %select_n3A_96, %eq3A_100 : vector<256x4096xf32>
    %jit3A_102 = arith.constant 4096 : i32
    %broadcast_in_dim3A_103 = vector.broadcast %jit3A_102 : i32 to vector<256x4096xi32>
    %select_n3A_104 = arith.select %eq3A_101, %iota3A, %broadcast_in_dim3A_103 : vector<256x4096xi1>, vector<256x4096xi32>
    %reduce_min3A_105 = arith.constant dense<2147483647> : vector<256xi32>
    %reduce_min3A_106 = vector.multi_reduction <minsi>, %select_n3A_104, %reduce_min3A_105 [1] : vector<256x4096xi32> to vector<256xi32>
    %broadcast_in_dim3A_107 = vector.shape_cast %reduce_min3A_106 : vector<256xi32> to vector<256x1xi32>
    %jit3A_108 = arith.constant 0x7F800000 : f32
    %broadcast_in_dim3A_109 = vector.broadcast %jit3A_108 : f32 to vector<256x4096xf32>
    %select_n3A_110 = arith.select %eq3A_101, %broadcast_in_dim3A_109, %select_n3A_96 : vector<256x4096xi1>, vector<256x4096xf32>
    %reduce_min3A_111 = arith.constant dense<0x7F800000> : vector<256xf32>
    %reduce_min3A_112 = vector.multi_reduction <minimumf>, %select_n3A_110, %reduce_min3A_111 [1] : vector<256x4096xf32> to vector<256xf32>
    %broadcast_in_dim3A_113 = vector.shape_cast %reduce_min3A_112 : vector<256xf32> to vector<256x1xf32>
    %eq3A_114 = vector.broadcast %broadcast_in_dim3A_113 : vector<256x1xf32> to vector<256x4096xf32>
    %eq3A_115 = arith.cmpf oeq, %select_n3A_110, %eq3A_114 : vector<256x4096xf32>
    %jit3A_116 = arith.constant 4096 : i32
    %broadcast_in_dim3A_117 = vector.broadcast %jit3A_116 : i32 to vector<256x4096xi32>
    %select_n3A_118 = arith.select %eq3A_115, %iota3A, %broadcast_in_dim3A_117 : vector<256x4096xi1>, vector<256x4096xi32>
    %reduce_min3A_119 = arith.constant dense<2147483647> : vector<256xi32>
    %reduce_min3A_120 = vector.multi_reduction <minsi>, %select_n3A_118, %reduce_min3A_119 [1] : vector<256x4096xi32> to vector<256xi32>
    %broadcast_in_dim3A_121 = vector.shape_cast %reduce_min3A_120 : vector<256xi32> to vector<256x1xi32>
    %jit3A_122 = arith.constant 0x7F800000 : f32
    %broadcast_in_dim3A_123 = vector.broadcast %jit3A_122 : f32 to vector<256x4096xf32>
    %select_n3A_124 = arith.select %eq3A_115, %broadcast_in_dim3A_123, %select_n3A_110 : vector<256x4096xi1>, vector<256x4096xf32>
    %reduce_min3A_125 = arith.constant dense<0x7F800000> : vector<256xf32>
    %reduce_min3A_126 = vector.multi_reduction <minimumf>, %select_n3A_124, %reduce_min3A_125 [1] : vector<256x4096xf32> to vector<256xf32>
    %broadcast_in_dim3A_127 = vector.shape_cast %reduce_min3A_126 : vector<256xf32> to vector<256x1xf32>
    %eq3A_128 = vector.broadcast %broadcast_in_dim3A_127 : vector<256x1xf32> to vector<256x4096xf32>
    %eq3A_129 = arith.cmpf oeq, %select_n3A_124, %eq3A_128 : vector<256x4096xf32>
    %jit3A_130 = arith.constant 4096 : i32
    %broadcast_in_dim3A_131 = vector.broadcast %jit3A_130 : i32 to vector<256x4096xi32>
    %select_n3A_132 = arith.select %eq3A_129, %iota3A, %broadcast_in_dim3A_131 : vector<256x4096xi1>, vector<256x4096xi32>
    %reduce_min3A_133 = arith.constant dense<2147483647> : vector<256xi32>
    %reduce_min3A_134 = vector.multi_reduction <minsi>, %select_n3A_132, %reduce_min3A_133 [1] : vector<256x4096xi32> to vector<256xi32>
    %broadcast_in_dim3A_135 = vector.shape_cast %reduce_min3A_134 : vector<256xi32> to vector<256x1xi32>
    %jit3A_136 = arith.constant 0x7F800000 : f32
    %broadcast_in_dim3A_137 = vector.broadcast %jit3A_136 : f32 to vector<256x4096xf32>
    %select_n3A_138 = arith.select %eq3A_129, %broadcast_in_dim3A_137, %select_n3A_124 : vector<256x4096xi1>, vector<256x4096xf32>
    %reduce_min3A_139 = arith.constant dense<0x7F800000> : vector<256xf32>
    %reduce_min3A_140 = vector.multi_reduction <minimumf>, %select_n3A_138, %reduce_min3A_139 [1] : vector<256x4096xf32> to vector<256xf32>
    %broadcast_in_dim3A_141 = vector.shape_cast %reduce_min3A_140 : vector<256xf32> to vector<256x1xf32>
    %eq3A_142 = vector.broadcast %broadcast_in_dim3A_141 : vector<256x1xf32> to vector<256x4096xf32>
    %eq3A_143 = arith.cmpf oeq, %select_n3A_138, %eq3A_142 : vector<256x4096xf32>
    %jit3A_144 = arith.constant 4096 : i32
    %broadcast_in_dim3A_145 = vector.broadcast %jit3A_144 : i32 to vector<256x4096xi32>
    %select_n3A_146 = arith.select %eq3A_143, %iota3A, %broadcast_in_dim3A_145 : vector<256x4096xi1>, vector<256x4096xi32>
    %reduce_min3A_147 = arith.constant dense<2147483647> : vector<256xi32>
    %reduce_min3A_148 = vector.multi_reduction <minsi>, %select_n3A_146, %reduce_min3A_147 [1] : vector<256x4096xi32> to vector<256xi32>
    %broadcast_in_dim3A_149 = vector.shape_cast %reduce_min3A_148 : vector<256xi32> to vector<256x1xi32>
    %jit3A_150 = arith.constant 0x7F800000 : f32
    %broadcast_in_dim3A_151 = vector.broadcast %jit3A_150 : f32 to vector<256x4096xf32>
    %select_n3A_152 = arith.select %eq3A_143, %broadcast_in_dim3A_151, %select_n3A_138 : vector<256x4096xi1>, vector<256x4096xf32>
    %reduce_min3A_153 = arith.constant dense<0x7F800000> : vector<256xf32>
    %reduce_min3A_154 = vector.multi_reduction <minimumf>, %select_n3A_152, %reduce_min3A_153 [1] : vector<256x4096xf32> to vector<256xf32>
    %broadcast_in_dim3A_155 = vector.shape_cast %reduce_min3A_154 : vector<256xf32> to vector<256x1xf32>
    %eq3A_156 = vector.broadcast %broadcast_in_dim3A_155 : vector<256x1xf32> to vector<256x4096xf32>
    %eq3A_157 = arith.cmpf oeq, %select_n3A_152, %eq3A_156 : vector<256x4096xf32>
    %jit3A_158 = arith.constant 4096 : i32
    %broadcast_in_dim3A_159 = vector.broadcast %jit3A_158 : i32 to vector<256x4096xi32>
    %select_n3A_160 = arith.select %eq3A_157, %iota3A, %broadcast_in_dim3A_159 : vector<256x4096xi1>, vector<256x4096xi32>
    %reduce_min3A_161 = arith.constant dense<2147483647> : vector<256xi32>
    %reduce_min3A_162 = vector.multi_reduction <minsi>, %select_n3A_160, %reduce_min3A_161 [1] : vector<256x4096xi32> to vector<256xi32>
    %broadcast_in_dim3A_163 = vector.shape_cast %reduce_min3A_162 : vector<256xi32> to vector<256x1xi32>
    %jit3A_164 = arith.constant 0x7F800000 : f32
    %broadcast_in_dim3A_165 = vector.broadcast %jit3A_164 : f32 to vector<256x4096xf32>
    %select_n3A_166 = arith.select %eq3A_157, %broadcast_in_dim3A_165, %select_n3A_152 : vector<256x4096xi1>, vector<256x4096xf32>
    %reduce_min3A_167 = arith.constant dense<0x7F800000> : vector<256xf32>
    %reduce_min3A_168 = vector.multi_reduction <minimumf>, %select_n3A_166, %reduce_min3A_167 [1] : vector<256x4096xf32> to vector<256xf32>
    %broadcast_in_dim3A_169 = vector.shape_cast %reduce_min3A_168 : vector<256xf32> to vector<256x1xf32>
    %eq3A_170 = vector.broadcast %broadcast_in_dim3A_169 : vector<256x1xf32> to vector<256x4096xf32>
    %eq3A_171 = arith.cmpf oeq, %select_n3A_166, %eq3A_170 : vector<256x4096xf32>
    %jit3A_172 = arith.constant 4096 : i32
    %broadcast_in_dim3A_173 = vector.broadcast %jit3A_172 : i32 to vector<256x4096xi32>
    %select_n3A_174 = arith.select %eq3A_171, %iota3A, %broadcast_in_dim3A_173 : vector<256x4096xi1>, vector<256x4096xi32>
    %reduce_min3A_175 = arith.constant dense<2147483647> : vector<256xi32>
    %reduce_min3A_176 = vector.multi_reduction <minsi>, %select_n3A_174, %reduce_min3A_175 [1] : vector<256x4096xi32> to vector<256xi32>
    %broadcast_in_dim3A_177 = vector.shape_cast %reduce_min3A_176 : vector<256xi32> to vector<256x1xi32>
    %jit3A_178 = arith.constant 0x7F800000 : f32
    %broadcast_in_dim3A_179 = vector.broadcast %jit3A_178 : f32 to vector<256x4096xf32>
    %select_n3A_180 = arith.select %eq3A_171, %broadcast_in_dim3A_179, %select_n3A_166 : vector<256x4096xi1>, vector<256x4096xf32>
    %reduce_min3A_181 = arith.constant dense<0x7F800000> : vector<256xf32>
    %reduce_min3A_182 = vector.multi_reduction <minimumf>, %select_n3A_180, %reduce_min3A_181 [1] : vector<256x4096xf32> to vector<256xf32>
    %broadcast_in_dim3A_183 = vector.shape_cast %reduce_min3A_182 : vector<256xf32> to vector<256x1xf32>
    %eq3A_184 = vector.broadcast %broadcast_in_dim3A_183 : vector<256x1xf32> to vector<256x4096xf32>
    %eq3A_185 = arith.cmpf oeq, %select_n3A_180, %eq3A_184 : vector<256x4096xf32>
    %jit3A_186 = arith.constant 4096 : i32
    %broadcast_in_dim3A_187 = vector.broadcast %jit3A_186 : i32 to vector<256x4096xi32>
    %select_n3A_188 = arith.select %eq3A_185, %iota3A, %broadcast_in_dim3A_187 : vector<256x4096xi1>, vector<256x4096xi32>
    %reduce_min3A_189 = arith.constant dense<2147483647> : vector<256xi32>
    %reduce_min3A_190 = vector.multi_reduction <minsi>, %select_n3A_188, %reduce_min3A_189 [1] : vector<256x4096xi32> to vector<256xi32>
    %broadcast_in_dim3A_191 = vector.shape_cast %reduce_min3A_190 : vector<256xi32> to vector<256x1xi32>
    %jit3A_192 = arith.constant 0x7F800000 : f32
    %broadcast_in_dim3A_193 = vector.broadcast %jit3A_192 : f32 to vector<256x4096xf32>
    %select_n3A_194 = arith.select %eq3A_185, %broadcast_in_dim3A_193, %select_n3A_180 : vector<256x4096xi1>, vector<256x4096xf32>
    %reduce_min3A_195 = arith.constant dense<0x7F800000> : vector<256xf32>
    %reduce_min3A_196 = vector.multi_reduction <minimumf>, %select_n3A_194, %reduce_min3A_195 [1] : vector<256x4096xf32> to vector<256xf32>
    %broadcast_in_dim3A_197 = vector.shape_cast %reduce_min3A_196 : vector<256xf32> to vector<256x1xf32>
    %eq3A_198 = vector.broadcast %broadcast_in_dim3A_197 : vector<256x1xf32> to vector<256x4096xf32>
    %eq3A_199 = arith.cmpf oeq, %select_n3A_194, %eq3A_198 : vector<256x4096xf32>
    %jit3A_200 = arith.constant 4096 : i32
    %broadcast_in_dim3A_201 = vector.broadcast %jit3A_200 : i32 to vector<256x4096xi32>
    %select_n3A_202 = arith.select %eq3A_199, %iota3A, %broadcast_in_dim3A_201 : vector<256x4096xi1>, vector<256x4096xi32>
    %reduce_min3A_203 = arith.constant dense<2147483647> : vector<256xi32>
    %reduce_min3A_204 = vector.multi_reduction <minsi>, %select_n3A_202, %reduce_min3A_203 [1] : vector<256x4096xi32> to vector<256xi32>
    %broadcast_in_dim3A_205 = vector.shape_cast %reduce_min3A_204 : vector<256xi32> to vector<256x1xi32>
    %jit3A_206 = arith.constant 0x7F800000 : f32
    %broadcast_in_dim3A_207 = vector.broadcast %jit3A_206 : f32 to vector<256x4096xf32>
    %select_n3A_208 = arith.select %eq3A_199, %broadcast_in_dim3A_207, %select_n3A_194 : vector<256x4096xi1>, vector<256x4096xf32>
    %reduce_min3A_209 = arith.constant dense<0x7F800000> : vector<256xf32>
    %reduce_min3A_210 = vector.multi_reduction <minimumf>, %select_n3A_208, %reduce_min3A_209 [1] : vector<256x4096xf32> to vector<256xf32>
    %broadcast_in_dim3A_211 = vector.shape_cast %reduce_min3A_210 : vector<256xf32> to vector<256x1xf32>
    %eq3A_212 = vector.broadcast %broadcast_in_dim3A_211 : vector<256x1xf32> to vector<256x4096xf32>
    %eq3A_213 = arith.cmpf oeq, %select_n3A_208, %eq3A_212 : vector<256x4096xf32>
    %jit3A_214 = arith.constant 4096 : i32
    %broadcast_in_dim3A_215 = vector.broadcast %jit3A_214 : i32 to vector<256x4096xi32>
    %select_n3A_216 = arith.select %eq3A_213, %iota3A, %broadcast_in_dim3A_215 : vector<256x4096xi1>, vector<256x4096xi32>
    %reduce_min3A_217 = arith.constant dense<2147483647> : vector<256xi32>
    %reduce_min3A_218 = vector.multi_reduction <minsi>, %select_n3A_216, %reduce_min3A_217 [1] : vector<256x4096xi32> to vector<256xi32>
    %broadcast_in_dim3A_219 = vector.shape_cast %reduce_min3A_218 : vector<256xi32> to vector<256x1xi32>
    %jit3A_220 = arith.constant 0x7F800000 : f32
    %broadcast_in_dim3A_221 = vector.broadcast %jit3A_220 : f32 to vector<256x4096xf32>
    %select_n3A_222 = arith.select %eq3A_213, %broadcast_in_dim3A_221, %select_n3A_208 : vector<256x4096xi1>, vector<256x4096xf32>
    %reduce_min3A_223 = arith.constant dense<0x7F800000> : vector<256xf32>
    %reduce_min3A_224 = vector.multi_reduction <minimumf>, %select_n3A_222, %reduce_min3A_223 [1] : vector<256x4096xf32> to vector<256xf32>
    %broadcast_in_dim3A_225 = vector.shape_cast %reduce_min3A_224 : vector<256xf32> to vector<256x1xf32>
    %eq3A_226 = vector.broadcast %broadcast_in_dim3A_225 : vector<256x1xf32> to vector<256x4096xf32>
    %eq3A_227 = arith.cmpf oeq, %select_n3A_222, %eq3A_226 : vector<256x4096xf32>
    %jit3A_228 = arith.constant 4096 : i32
    %broadcast_in_dim3A_229 = vector.broadcast %jit3A_228 : i32 to vector<256x4096xi32>
    %select_n3A_230 = arith.select %eq3A_227, %iota3A, %broadcast_in_dim3A_229 : vector<256x4096xi1>, vector<256x4096xi32>
    %reduce_min3A_231 = arith.constant dense<2147483647> : vector<256xi32>
    %reduce_min3A_232 = vector.multi_reduction <minsi>, %select_n3A_230, %reduce_min3A_231 [1] : vector<256x4096xi32> to vector<256xi32>
    %broadcast_in_dim3A_233 = vector.shape_cast %reduce_min3A_232 : vector<256xi32> to vector<256x1xi32>
    %concatenate3A = tpu.concatenate %broadcast_in_dim3A_23, %broadcast_in_dim3A_37, %broadcast_in_dim3A_51, %broadcast_in_dim3A_65, %broadcast_in_dim3A_79, %broadcast_in_dim3A_93, %broadcast_in_dim3A_107, %broadcast_in_dim3A_121, %broadcast_in_dim3A_135, %broadcast_in_dim3A_149, %broadcast_in_dim3A_163, %broadcast_in_dim3A_177, %broadcast_in_dim3A_191, %broadcast_in_dim3A_205, %broadcast_in_dim3A_219, %broadcast_in_dim3A_233 in 1 : vector<256x1xi32>, vector<256x1xi32>, vector<256x1xi32>, vector<256x1xi32>, vector<256x1xi32>, vector<256x1xi32>, vector<256x1xi32>, vector<256x1xi32>, vector<256x1xi32>, vector<256x1xi32>, vector<256x1xi32>, vector<256x1xi32>, vector<256x1xi32>, vector<256x1xi32>, vector<256x1xi32>, vector<256x1xi32> -> vector<256x16xi32>
    %swap3A = arith.constant 0 : index
    %swap3A_234 = arith.constant 0 : index
    %swap3A_235 = vector.load %arg3[%swap3A, %swap3A_234] : memref<256x16xi32, #tpu.memory_space<vmem>>, vector<256x16xi32>
    tpu.vector_store %arg3[%swap3A, %swap3A_234], %concatenate3A {strides = array<i32>} : memref<256x16xi32, #tpu.memory_space<vmem>>, vector<256x16xi32>,
    return
  }
  func.func @transform_0(%arg0: i32) -> (i32, i32) {
    %c0_i32 = arith.constant 0 : i32
    %c0_i32_0 = arith.constant 0 : i32
    %c0_i32_1 = arith.constant 0 : i32
    return %c0_i32, %c0_i32_0 : i32, i32
  }
  func.func @transform_1(%arg0: i32) -> (i32, i32) {
    %c0_i32 = arith.constant 0 : i32
    %c0_i32_0 = arith.constant 0 : i32
    return %arg0, %c0_i32 : i32, i32
  }
  func.func @transform_2(%arg0: i32) -> (i32, i32) {
    %c0_i32 = arith.constant 0 : i32
    %c0_i32_0 = arith.constant 0 : i32
    return %arg0, %c0_i32 : i32, i32
  }
}

module attributes {stable_mosaic.version = 14 : i64} {
  func.func @_consts_body(%arg0: memref<1x32xf32, #tpu.memory_space<vmem>>, %arg1: memref<32x32xf32, #tpu.memory_space<vmem>>, %arg2: memref<1x32xf32, #tpu.memory_space<vmem>>, %arg3: memref<32x32xf32, #tpu.memory_space<vmem>>, %arg4: memref<1x32xf32, #tpu.memory_space<vmem>>, %arg5: memref<32x64xf32, #tpu.memory_space<vmem>>, %arg6: memref<1x64xf32, #tpu.memory_space<vmem>>, %arg7: memref<64x64xf32, #tpu.memory_space<vmem>>, %arg8: memref<1x64xf32, #tpu.memory_space<vmem>>, %arg9: memref<1x32xf32, #tpu.memory_space<vmem>>, %arg10: memref<1x64xf32, #tpu.memory_space<vmem>>) attributes {dimension_semantics = [], scalar_prefetch = 0 : i64, scratch_operands = 0 : i64, tpu.core_type = #tpu.core_type<tc>} {
    %get3A = arith.constant 0 : index
    %get3A_0 = arith.constant 0 : index
    %get3A_1 = vector.load %arg0[%get3A, %get3A_0] : memref<1x32xf32, #tpu.memory_space<vmem>>, vector<1x32xf32>
    %max3A = arith.constant 0.000000e+00 : f32
    %max3A_2 = vector.broadcast %max3A : f32 to vector<1x32xf32>
    %max3A_3 = arith.maximumf %get3A_1, %max3A_2 : vector<1x32xf32>
    %get3A_4 = arith.constant 0 : index
    %get3A_5 = arith.constant 0 : index
    %get3A_6 = vector.load %arg1[%get3A_4, %get3A_5] : memref<32x32xf32, #tpu.memory_space<vmem>>, vector<32x32xf32>
    %dot_general3A = arith.constant dense<0.000000e+00> : vector<1x32xf32>
    %dot_general3A_7 = tpu.matmul %max3A_3, %get3A_6, %dot_general3A {dimension_numbers = #tpu.dot_dimension_numbers<[1], [0], [0], [1], [0, 0, 1, 1], [], []>, transpose_lhs_hint = false} : vector<1x32xf32>, vector<32x32xf32>, vector<1x32xf32> -> vector<1x32xf32>
    %get3A_8 = arith.constant 0 : index
    %get3A_9 = arith.constant 0 : index
    %get3A_10 = vector.load %arg2[%get3A_8, %get3A_9] : memref<1x32xf32, #tpu.memory_space<vmem>>, vector<1x32xf32>
    %add3A = arith.addf %dot_general3A_7, %get3A_10 : vector<1x32xf32>
    %max3A_11 = arith.constant 0.000000e+00 : f32
    %max3A_12 = vector.broadcast %max3A_11 : f32 to vector<1x32xf32>
    %max3A_13 = arith.maximumf %add3A, %max3A_12 : vector<1x32xf32>
    %get3A_14 = arith.constant 0 : index
    %get3A_15 = arith.constant 0 : index
    %get3A_16 = vector.load %arg3[%get3A_14, %get3A_15] : memref<32x32xf32, #tpu.memory_space<vmem>>, vector<32x32xf32>
    %dot_general3A_17 = arith.constant dense<0.000000e+00> : vector<1x32xf32>
    %dot_general3A_18 = tpu.matmul %max3A_13, %get3A_16, %dot_general3A_17 {dimension_numbers = #tpu.dot_dimension_numbers<[1], [0], [0], [1], [0, 0, 1, 1], [], []>, transpose_lhs_hint = false} : vector<1x32xf32>, vector<32x32xf32>, vector<1x32xf32> -> vector<1x32xf32>
    %get3A_19 = arith.constant 0 : index
    %get3A_20 = arith.constant 0 : index
    %get3A_21 = vector.load %arg4[%get3A_19, %get3A_20] : memref<1x32xf32, #tpu.memory_space<vmem>>, vector<1x32xf32>
    %add3A_22 = arith.addf %dot_general3A_18, %get3A_21 : vector<1x32xf32>
    %max3A_23 = arith.constant 0.000000e+00 : f32
    %max3A_24 = vector.broadcast %max3A_23 : f32 to vector<1x32xf32>
    %max3A_25 = arith.maximumf %add3A_22, %max3A_24 : vector<1x32xf32>
    %get3A_26 = arith.constant 0 : index
    %get3A_27 = arith.constant 0 : index
    %get3A_28 = vector.load %arg5[%get3A_26, %get3A_27] : memref<32x64xf32, #tpu.memory_space<vmem>>, vector<32x64xf32>
    %dot_general3A_29 = arith.constant dense<0.000000e+00> : vector<1x64xf32>
    %dot_general3A_30 = tpu.matmul %max3A_25, %get3A_28, %dot_general3A_29 {dimension_numbers = #tpu.dot_dimension_numbers<[1], [0], [0], [1], [0, 0, 1, 1], [], []>, transpose_lhs_hint = false} : vector<1x32xf32>, vector<32x64xf32>, vector<1x64xf32> -> vector<1x64xf32>
    %get3A_31 = arith.constant 0 : index
    %get3A_32 = arith.constant 0 : index
    %get3A_33 = vector.load %arg6[%get3A_31, %get3A_32] : memref<1x64xf32, #tpu.memory_space<vmem>>, vector<1x64xf32>
    %add3A_34 = arith.addf %dot_general3A_30, %get3A_33 : vector<1x64xf32>
    %max3A_35 = arith.constant 0.000000e+00 : f32
    %max3A_36 = vector.broadcast %max3A_35 : f32 to vector<1x64xf32>
    %max3A_37 = arith.maximumf %add3A_34, %max3A_36 : vector<1x64xf32>
    %swap3A = arith.constant 0 : index
    %swap3A_38 = arith.constant 0 : index
    %swap3A_39 = vector.load %arg9[%swap3A, %swap3A_38] : memref<1x32xf32, #tpu.memory_space<vmem>>, vector<1x32xf32>
    tpu.vector_store %arg9[%swap3A, %swap3A_38], %max3A_13 {strides = array<i32>} : memref<1x32xf32, #tpu.memory_space<vmem>>, vector<1x32xf32>,
    %get3A_40 = arith.constant 0 : index
    %get3A_41 = arith.constant 0 : index
    %get3A_42 = vector.load %arg7[%get3A_40, %get3A_41] : memref<64x64xf32, #tpu.memory_space<vmem>>, vector<64x64xf32>
    %dot_general3A_43 = arith.constant dense<0.000000e+00> : vector<1x64xf32>
    %dot_general3A_44 = tpu.matmul %max3A_37, %get3A_42, %dot_general3A_43 {dimension_numbers = #tpu.dot_dimension_numbers<[1], [0], [0], [1], [0, 0, 1, 1], [], []>, transpose_lhs_hint = false} : vector<1x64xf32>, vector<64x64xf32>, vector<1x64xf32> -> vector<1x64xf32>
    %get3A_45 = arith.constant 0 : index
    %get3A_46 = arith.constant 0 : index
    %get3A_47 = vector.load %arg8[%get3A_45, %get3A_46] : memref<1x64xf32, #tpu.memory_space<vmem>>, vector<1x64xf32>
    %add3A_48 = arith.addf %dot_general3A_44, %get3A_47 : vector<1x64xf32>
    %swap3A_49 = arith.constant 0 : index
    %swap3A_50 = arith.constant 0 : index
    %swap3A_51 = vector.load %arg10[%swap3A_49, %swap3A_50] : memref<1x64xf32, #tpu.memory_space<vmem>>, vector<1x64xf32>
    tpu.vector_store %arg10[%swap3A_49, %swap3A_50], %add3A_48 {strides = array<i32>} : memref<1x64xf32, #tpu.memory_space<vmem>>, vector<1x64xf32>,
    return
  }
}

module attributes {stable_mosaic.version = 14 : i64} {
  func.func @_conv_body(%arg0: i32, %arg1: memref<4096x16xf32, #tpu.memory_space<vmem>>, %arg2: memref<256x8xf32, #tpu.memory_space<vmem>>, %arg3: memref<16x64xf32, #tpu.memory_space<vmem>>, %arg4: memref<8x64xf32, #tpu.memory_space<vmem>>, %arg5: memref<8x64xf32, #tpu.memory_space<vmem>>, %arg6: memref<256x64xf32, #tpu.memory_space<vmem>>) attributes {dimension_semantics = [#tpu.dimension_semantics<parallel>], iteration_bounds = array<i64: 16>, scalar_prefetch = 0 : i64, scratch_operands = 0 : i64, tpu.core_type = #tpu.core_type<tc>, window_params = [{transform_indices = @transform_0, window_bounds = array<i64: 4096, 16>}, {transform_indices = @transform_1, window_bounds = array<i64: 256, 8>}, {pipeline_mode = #tpu.pipeline_mode<synchronous>, transform_indices = @transform_2, window_bounds = array<i64: 16, 64>}, {pipeline_mode = #tpu.pipeline_mode<synchronous>, transform_indices = @transform_3, window_bounds = array<i64: 8, 64>}, {pipeline_mode = #tpu.pipeline_mode<synchronous>, transform_indices = @transform_4, window_bounds = array<i64: 8, 64>}, {transform_indices = @transform_5, window_bounds = array<i64: 256, 64>}]} {
    %get3A = arith.constant 0 : index
    %get3A_0 = arith.constant 0 : index
    %get3A_1 = vector.load %arg1[%get3A, %get3A_0] : memref<4096x16xf32, #tpu.memory_space<vmem>>, vector<4096x16xf32>
    %get3A_2 = arith.constant 0 : index
    %get3A_3 = arith.constant 0 : index
    %get3A_4 = vector.load %arg3[%get3A_2, %get3A_3] : memref<16x64xf32, #tpu.memory_space<vmem>>, vector<16x64xf32>
    %dot_general3A = arith.constant dense<0.000000e+00> : vector<4096x64xf32>
    %dot_general3A_5 = tpu.matmul %get3A_1, %get3A_4, %dot_general3A {dimension_numbers = #tpu.dot_dimension_numbers<[1], [0], [0], [1], [0, 0, 1, 1], [], []>, transpose_lhs_hint = false} : vector<4096x16xf32>, vector<16x64xf32>, vector<4096x64xf32> -> vector<4096x64xf32>
    %get3A_6 = arith.constant 0 : index
    %get3A_7 = arith.constant 0 : index
    %get3A_8 = vector.load %arg2[%get3A_6, %get3A_7] : memref<256x8xf32, #tpu.memory_space<vmem>>, vector<256x8xf32>
    %get3A_9 = arith.constant 0 : index
    %get3A_10 = arith.constant 0 : index
    %get3A_11 = vector.load %arg4[%get3A_9, %get3A_10] : memref<8x64xf32, #tpu.memory_space<vmem>>, vector<8x64xf32>
    %dot_general3A_12 = arith.constant dense<0.000000e+00> : vector<256x64xf32>
    %dot_general3A_13 = tpu.matmul %get3A_8, %get3A_11, %dot_general3A_12 {dimension_numbers = #tpu.dot_dimension_numbers<[1], [0], [0], [1], [0, 0, 1, 1], [], []>, transpose_lhs_hint = false} : vector<256x8xf32>, vector<8x64xf32>, vector<256x64xf32> -> vector<256x64xf32>
    %reshape3A = vector.shape_cast %dot_general3A_5 : vector<4096x64xf32> to vector<256x16x64xf32>
    %broadcast_in_dim3A = vector.shape_cast %dot_general3A_13 : vector<256x64xf32> to vector<256x1x64xf32>
    %sub3A = vector.broadcast %broadcast_in_dim3A : vector<256x1x64xf32> to vector<256x16x64xf32>
    %sub3A_14 = arith.subf %reshape3A, %sub3A : vector<256x16x64xf32>
    %get3A_15 = arith.constant 0 : index
    %get3A_16 = arith.constant 0 : index
    %get3A_17 = vector.load %arg5[%get3A_15, %get3A_16] : memref<8x64xf32, #tpu.memory_space<vmem>>, vector<1x64xf32>
    %broadcast_in_dim3A_18 = vector.shape_cast %get3A_17 : vector<1x64xf32> to vector<1x1x64xf32>
    %add3A = vector.broadcast %broadcast_in_dim3A_18 : vector<1x1x64xf32> to vector<256x16x64xf32>
    %add3A_19 = arith.addf %sub3A_14, %add3A : vector<256x16x64xf32>
    %max3A = arith.constant 0.000000e+00 : f32
    %max3A_20 = vector.broadcast %max3A : f32 to vector<256x16x64xf32>
    %max3A_21 = arith.maximumf %add3A_19, %max3A_20 : vector<256x16x64xf32>
    %reduce_max3A = arith.constant dense<0xFF800000> : vector<256x64xf32>
    %reduce_max3A_22 = vector.multi_reduction <maximumf>, %max3A_21, %reduce_max3A [1] : vector<256x16x64xf32> to vector<256x64xf32>
    %swap3A = arith.constant 0 : index
    %swap3A_23 = arith.constant 0 : index
    %swap3A_24 = vector.load %arg6[%swap3A, %swap3A_23] : memref<256x64xf32, #tpu.memory_space<vmem>>, vector<256x64xf32>
    tpu.vector_store %arg6[%swap3A, %swap3A_23], %reduce_max3A_22 {strides = array<i32>} : memref<256x64xf32, #tpu.memory_space<vmem>>, vector<256x64xf32>,
    return
  }
  func.func @transform_0(%arg0: i32) -> (i32, i32) {
    %c0_i32 = arith.constant 0 : i32
    %c0_i32_0 = arith.constant 0 : i32
    return %arg0, %c0_i32 : i32, i32
  }
  func.func @transform_1(%arg0: i32) -> (i32, i32) {
    %c0_i32 = arith.constant 0 : i32
    %c0_i32_0 = arith.constant 0 : i32
    return %arg0, %c0_i32 : i32, i32
  }
  func.func @transform_2(%arg0: i32) -> (i32, i32) {
    %c0_i32 = arith.constant 0 : i32
    %c0_i32_0 = arith.constant 0 : i32
    %c0_i32_1 = arith.constant 0 : i32
    return %c0_i32, %c0_i32_0 : i32, i32
  }
  func.func @transform_3(%arg0: i32) -> (i32, i32) {
    %c0_i32 = arith.constant 0 : i32
    %c0_i32_0 = arith.constant 0 : i32
    %c0_i32_1 = arith.constant 0 : i32
    return %c0_i32, %c0_i32_0 : i32, i32
  }
  func.func @transform_4(%arg0: i32) -> (i32, i32) {
    %c0_i32 = arith.constant 0 : i32
    %c0_i32_0 = arith.constant 0 : i32
    %c0_i32_1 = arith.constant 0 : i32
    return %c0_i32, %c0_i32_0 : i32, i32
  }
  func.func @transform_5(%arg0: i32) -> (i32, i32) {
    %c0_i32 = arith.constant 0 : i32
    %c0_i32_0 = arith.constant 0 : i32
    return %arg0, %c0_i32 : i32, i32
  }
}

module attributes {stable_mosaic.version = 14 : i64} {
  func.func @_mlp_body(%arg0: memref<4096x64xf32, #tpu.memory_space<vmem>>, %arg1: memref<64x64xf32, #tpu.memory_space<vmem>>, %arg2: memref<1x64xf32, #tpu.memory_space<vmem>>, %arg3: memref<64x96xf32, #tpu.memory_space<vmem>>, %arg4: memref<1x96xf32, #tpu.memory_space<vmem>>, %arg5: memref<4096x96xf32, #tpu.memory_space<vmem>>) attributes {dimension_semantics = [], scalar_prefetch = 0 : i64, scratch_operands = 0 : i64, tpu.core_type = #tpu.core_type<tc>} {
    %get3A = arith.constant 0 : index
    %get3A_0 = arith.constant 0 : index
    %get3A_1 = vector.load %arg0[%get3A, %get3A_0] : memref<4096x64xf32, #tpu.memory_space<vmem>>, vector<4096x64xf32>
    %get3A_2 = arith.constant 0 : index
    %get3A_3 = arith.constant 0 : index
    %get3A_4 = vector.load %arg1[%get3A_2, %get3A_3] : memref<64x64xf32, #tpu.memory_space<vmem>>, vector<64x64xf32>
    %dot_general3A = arith.constant dense<0.000000e+00> : vector<4096x64xf32>
    %dot_general3A_5 = tpu.matmul %get3A_1, %get3A_4, %dot_general3A {dimension_numbers = #tpu.dot_dimension_numbers<[1], [0], [0], [1], [0, 0, 1, 1], [], []>, transpose_lhs_hint = false} : vector<4096x64xf32>, vector<64x64xf32>, vector<4096x64xf32> -> vector<4096x64xf32>
    %get3A_6 = arith.constant 0 : index
    %get3A_7 = arith.constant 0 : index
    %get3A_8 = vector.load %arg2[%get3A_6, %get3A_7] : memref<1x64xf32, #tpu.memory_space<vmem>>, vector<1x64xf32>
    %add3A = vector.broadcast %get3A_8 : vector<1x64xf32> to vector<4096x64xf32>
    %add3A_9 = arith.addf %dot_general3A_5, %add3A : vector<4096x64xf32>
    %max3A = arith.constant 0.000000e+00 : f32
    %max3A_10 = vector.broadcast %max3A : f32 to vector<4096x64xf32>
    %max3A_11 = arith.maximumf %add3A_9, %max3A_10 : vector<4096x64xf32>
    %get3A_12 = arith.constant 0 : index
    %get3A_13 = arith.constant 0 : index
    %get3A_14 = vector.load %arg3[%get3A_12, %get3A_13] : memref<64x96xf32, #tpu.memory_space<vmem>>, vector<64x96xf32>
    %dot_general3A_15 = arith.constant dense<0.000000e+00> : vector<4096x96xf32>
    %dot_general3A_16 = tpu.matmul %max3A_11, %get3A_14, %dot_general3A_15 {dimension_numbers = #tpu.dot_dimension_numbers<[1], [0], [0], [1], [0, 0, 1, 1], [], []>, transpose_lhs_hint = false} : vector<4096x64xf32>, vector<64x96xf32>, vector<4096x96xf32> -> vector<4096x96xf32>
    %get3A_17 = arith.constant 0 : index
    %get3A_18 = arith.constant 0 : index
    %get3A_19 = vector.load %arg4[%get3A_17, %get3A_18] : memref<1x96xf32, #tpu.memory_space<vmem>>, vector<1x96xf32>
    %add3A_20 = vector.broadcast %get3A_19 : vector<1x96xf32> to vector<4096x96xf32>
    %add3A_21 = arith.addf %dot_general3A_16, %add3A_20 : vector<4096x96xf32>
    %max3A_22 = arith.constant 0.000000e+00 : f32
    %max3A_23 = vector.broadcast %max3A_22 : f32 to vector<4096x96xf32>
    %max3A_24 = arith.maximumf %add3A_21, %max3A_23 : vector<4096x96xf32>
    %swap3A = arith.constant 0 : index
    %swap3A_25 = arith.constant 0 : index
    %swap3A_26 = vector.load %arg5[%swap3A, %swap3A_25] : memref<4096x96xf32, #tpu.memory_space<vmem>>, vector<4096x96xf32>
    tpu.vector_store %arg5[%swap3A, %swap3A_25], %max3A_24 {strides = array<i32>} : memref<4096x96xf32, #tpu.memory_space<vmem>>, vector<4096x96xf32>,
    return
  }
}

module attributes {stable_mosaic.version = 14 : i64} {
  func.func @_knn_body(%arg0: i32, %arg1: memref<8x2048xf32, #tpu.memory_space<vmem>>, %arg2: memref<256x8xf32, #tpu.memory_space<vmem>>, %arg3: memref<256x16xi32, #tpu.memory_space<vmem>>) attributes {dimension_semantics = [#tpu.dimension_semantics<parallel>], iteration_bounds = array<i64: 4>, scalar_prefetch = 0 : i64, scratch_operands = 0 : i64, tpu.core_type = #tpu.core_type<tc>, window_params = [{pipeline_mode = #tpu.pipeline_mode<synchronous>, transform_indices = @transform_0, window_bounds = array<i64: 8, 2048>}, {transform_indices = @transform_1, window_bounds = array<i64: 256, 8>}, {transform_indices = @transform_2, window_bounds = array<i64: 256, 16>}]} {
    %get3A = arith.constant 0 : index
    %get3A_0 = arith.constant 0 : index
    %get3A_1 = vector.load %arg1[%get3A, %get3A_0] : memref<8x2048xf32, #tpu.memory_space<vmem>>, vector<8x2048xf32>
    %get3A_2 = arith.constant 0 : index
    %get3A_3 = arith.constant 0 : index
    %get3A_4 = vector.load %arg2[%get3A_2, %get3A_3] : memref<256x8xf32, #tpu.memory_space<vmem>>, vector<256x8xf32>
    %mul3A = arith.mulf %get3A_1, %get3A_1 : vector<8x2048xf32>
    %reduce_sum3A = arith.constant dense<0.000000e+00> : vector<2048xf32>
    %reduce_sum3A_5 = vector.multi_reduction <add>, %mul3A, %reduce_sum3A [0] : vector<8x2048xf32> to vector<2048xf32>
    %broadcast_in_dim3A = vector.shape_cast %reduce_sum3A_5 : vector<2048xf32> to vector<1x2048xf32>
    %mul3A_6 = arith.mulf %get3A_4, %get3A_4 : vector<256x8xf32>
    %reduce_sum3A_7 = arith.constant dense<0.000000e+00> : vector<256xf32>
    %reduce_sum3A_8 = vector.multi_reduction <add>, %mul3A_6, %reduce_sum3A_7 [1] : vector<256x8xf32> to vector<256xf32>
    %broadcast_in_dim3A_9 = vector.shape_cast %reduce_sum3A_8 : vector<256xf32> to vector<256x1xf32>
    %mul3A_10 = arith.constant -2.000000e+00 : f32
    %mul3A_11 = vector.broadcast %mul3A_10 : f32 to vector<256x8xf32>
    %mul3A_12 = arith.mulf %get3A_4, %mul3A_11 : vector<256x8xf32>
    %dot_general3A = arith.constant dense<0.000000e+00> : vector<256x2048xf32>
    %dot_general3A_13 = tpu.matmul %mul3A_12, %get3A_1, %dot_general3A {dimension_numbers = #tpu.dot_dimension_numbers<[1], [0], [0], [1], [0, 0, 1, 1], [], []>, transpose_lhs_hint = false} : vector<256x8xf32>, vector<8x2048xf32>, vector<256x2048xf32> -> vector<256x2048xf32>
    %add3A = vector.broadcast %broadcast_in_dim3A_9 : vector<256x1xf32> to vector<256x2048xf32>
    %add3A_14 = arith.addf %add3A, %dot_general3A_13 : vector<256x2048xf32>
    %add3A_15 = vector.broadcast %broadcast_in_dim3A : vector<1x2048xf32> to vector<256x2048xf32>
    %add3A_16 = arith.addf %add3A_14, %add3A_15 : vector<256x2048xf32>
    %iota3A = tpu.iota {dimensions = array<i32: 1>} : vector<256x2048xi32>
    %reduce_min3A = arith.constant dense<0x7F800000> : vector<256xf32>
    %reduce_min3A_17 = vector.multi_reduction <minimumf>, %add3A_16, %reduce_min3A [1] : vector<256x2048xf32> to vector<256xf32>
    %broadcast_in_dim3A_18 = vector.shape_cast %reduce_min3A_17 : vector<256xf32> to vector<256x1xf32>
    %eq3A = vector.broadcast %broadcast_in_dim3A_18 : vector<256x1xf32> to vector<256x2048xf32>
    %eq3A_19 = arith.cmpf oeq, %add3A_16, %eq3A : vector<256x2048xf32>
    %jit3A = arith.constant 2048 : i32
    %broadcast_in_dim3A_20 = vector.broadcast %jit3A : i32 to vector<256x2048xi32>
    %select_n3A = arith.select %eq3A_19, %iota3A, %broadcast_in_dim3A_20 : vector<256x2048xi1>, vector<256x2048xi32>
    %reduce_min3A_21 = arith.constant dense<2147483647> : vector<256xi32>
    %reduce_min3A_22 = vector.multi_reduction <minsi>, %select_n3A, %reduce_min3A_21 [1] : vector<256x2048xi32> to vector<256xi32>
    %broadcast_in_dim3A_23 = vector.shape_cast %reduce_min3A_22 : vector<256xi32> to vector<256x1xi32>
    %jit3A_24 = arith.constant 0x7F800000 : f32
    %broadcast_in_dim3A_25 = vector.broadcast %jit3A_24 : f32 to vector<256x2048xf32>
    %select_n3A_26 = arith.select %eq3A_19, %broadcast_in_dim3A_25, %add3A_16 : vector<256x2048xi1>, vector<256x2048xf32>
    %reduce_min3A_27 = arith.constant dense<0x7F800000> : vector<256xf32>
    %reduce_min3A_28 = vector.multi_reduction <minimumf>, %select_n3A_26, %reduce_min3A_27 [1] : vector<256x2048xf32> to vector<256xf32>
    %broadcast_in_dim3A_29 = vector.shape_cast %reduce_min3A_28 : vector<256xf32> to vector<256x1xf32>
    %eq3A_30 = vector.broadcast %broadcast_in_dim3A_29 : vector<256x1xf32> to vector<256x2048xf32>
    %eq3A_31 = arith.cmpf oeq, %select_n3A_26, %eq3A_30 : vector<256x2048xf32>
    %jit3A_32 = arith.constant 2048 : i32
    %broadcast_in_dim3A_33 = vector.broadcast %jit3A_32 : i32 to vector<256x2048xi32>
    %select_n3A_34 = arith.select %eq3A_31, %iota3A, %broadcast_in_dim3A_33 : vector<256x2048xi1>, vector<256x2048xi32>
    %reduce_min3A_35 = arith.constant dense<2147483647> : vector<256xi32>
    %reduce_min3A_36 = vector.multi_reduction <minsi>, %select_n3A_34, %reduce_min3A_35 [1] : vector<256x2048xi32> to vector<256xi32>
    %broadcast_in_dim3A_37 = vector.shape_cast %reduce_min3A_36 : vector<256xi32> to vector<256x1xi32>
    %jit3A_38 = arith.constant 0x7F800000 : f32
    %broadcast_in_dim3A_39 = vector.broadcast %jit3A_38 : f32 to vector<256x2048xf32>
    %select_n3A_40 = arith.select %eq3A_31, %broadcast_in_dim3A_39, %select_n3A_26 : vector<256x2048xi1>, vector<256x2048xf32>
    %reduce_min3A_41 = arith.constant dense<0x7F800000> : vector<256xf32>
    %reduce_min3A_42 = vector.multi_reduction <minimumf>, %select_n3A_40, %reduce_min3A_41 [1] : vector<256x2048xf32> to vector<256xf32>
    %broadcast_in_dim3A_43 = vector.shape_cast %reduce_min3A_42 : vector<256xf32> to vector<256x1xf32>
    %eq3A_44 = vector.broadcast %broadcast_in_dim3A_43 : vector<256x1xf32> to vector<256x2048xf32>
    %eq3A_45 = arith.cmpf oeq, %select_n3A_40, %eq3A_44 : vector<256x2048xf32>
    %jit3A_46 = arith.constant 2048 : i32
    %broadcast_in_dim3A_47 = vector.broadcast %jit3A_46 : i32 to vector<256x2048xi32>
    %select_n3A_48 = arith.select %eq3A_45, %iota3A, %broadcast_in_dim3A_47 : vector<256x2048xi1>, vector<256x2048xi32>
    %reduce_min3A_49 = arith.constant dense<2147483647> : vector<256xi32>
    %reduce_min3A_50 = vector.multi_reduction <minsi>, %select_n3A_48, %reduce_min3A_49 [1] : vector<256x2048xi32> to vector<256xi32>
    %broadcast_in_dim3A_51 = vector.shape_cast %reduce_min3A_50 : vector<256xi32> to vector<256x1xi32>
    %jit3A_52 = arith.constant 0x7F800000 : f32
    %broadcast_in_dim3A_53 = vector.broadcast %jit3A_52 : f32 to vector<256x2048xf32>
    %select_n3A_54 = arith.select %eq3A_45, %broadcast_in_dim3A_53, %select_n3A_40 : vector<256x2048xi1>, vector<256x2048xf32>
    %reduce_min3A_55 = arith.constant dense<0x7F800000> : vector<256xf32>
    %reduce_min3A_56 = vector.multi_reduction <minimumf>, %select_n3A_54, %reduce_min3A_55 [1] : vector<256x2048xf32> to vector<256xf32>
    %broadcast_in_dim3A_57 = vector.shape_cast %reduce_min3A_56 : vector<256xf32> to vector<256x1xf32>
    %eq3A_58 = vector.broadcast %broadcast_in_dim3A_57 : vector<256x1xf32> to vector<256x2048xf32>
    %eq3A_59 = arith.cmpf oeq, %select_n3A_54, %eq3A_58 : vector<256x2048xf32>
    %jit3A_60 = arith.constant 2048 : i32
    %broadcast_in_dim3A_61 = vector.broadcast %jit3A_60 : i32 to vector<256x2048xi32>
    %select_n3A_62 = arith.select %eq3A_59, %iota3A, %broadcast_in_dim3A_61 : vector<256x2048xi1>, vector<256x2048xi32>
    %reduce_min3A_63 = arith.constant dense<2147483647> : vector<256xi32>
    %reduce_min3A_64 = vector.multi_reduction <minsi>, %select_n3A_62, %reduce_min3A_63 [1] : vector<256x2048xi32> to vector<256xi32>
    %broadcast_in_dim3A_65 = vector.shape_cast %reduce_min3A_64 : vector<256xi32> to vector<256x1xi32>
    %jit3A_66 = arith.constant 0x7F800000 : f32
    %broadcast_in_dim3A_67 = vector.broadcast %jit3A_66 : f32 to vector<256x2048xf32>
    %select_n3A_68 = arith.select %eq3A_59, %broadcast_in_dim3A_67, %select_n3A_54 : vector<256x2048xi1>, vector<256x2048xf32>
    %reduce_min3A_69 = arith.constant dense<0x7F800000> : vector<256xf32>
    %reduce_min3A_70 = vector.multi_reduction <minimumf>, %select_n3A_68, %reduce_min3A_69 [1] : vector<256x2048xf32> to vector<256xf32>
    %broadcast_in_dim3A_71 = vector.shape_cast %reduce_min3A_70 : vector<256xf32> to vector<256x1xf32>
    %eq3A_72 = vector.broadcast %broadcast_in_dim3A_71 : vector<256x1xf32> to vector<256x2048xf32>
    %eq3A_73 = arith.cmpf oeq, %select_n3A_68, %eq3A_72 : vector<256x2048xf32>
    %jit3A_74 = arith.constant 2048 : i32
    %broadcast_in_dim3A_75 = vector.broadcast %jit3A_74 : i32 to vector<256x2048xi32>
    %select_n3A_76 = arith.select %eq3A_73, %iota3A, %broadcast_in_dim3A_75 : vector<256x2048xi1>, vector<256x2048xi32>
    %reduce_min3A_77 = arith.constant dense<2147483647> : vector<256xi32>
    %reduce_min3A_78 = vector.multi_reduction <minsi>, %select_n3A_76, %reduce_min3A_77 [1] : vector<256x2048xi32> to vector<256xi32>
    %broadcast_in_dim3A_79 = vector.shape_cast %reduce_min3A_78 : vector<256xi32> to vector<256x1xi32>
    %jit3A_80 = arith.constant 0x7F800000 : f32
    %broadcast_in_dim3A_81 = vector.broadcast %jit3A_80 : f32 to vector<256x2048xf32>
    %select_n3A_82 = arith.select %eq3A_73, %broadcast_in_dim3A_81, %select_n3A_68 : vector<256x2048xi1>, vector<256x2048xf32>
    %reduce_min3A_83 = arith.constant dense<0x7F800000> : vector<256xf32>
    %reduce_min3A_84 = vector.multi_reduction <minimumf>, %select_n3A_82, %reduce_min3A_83 [1] : vector<256x2048xf32> to vector<256xf32>
    %broadcast_in_dim3A_85 = vector.shape_cast %reduce_min3A_84 : vector<256xf32> to vector<256x1xf32>
    %eq3A_86 = vector.broadcast %broadcast_in_dim3A_85 : vector<256x1xf32> to vector<256x2048xf32>
    %eq3A_87 = arith.cmpf oeq, %select_n3A_82, %eq3A_86 : vector<256x2048xf32>
    %jit3A_88 = arith.constant 2048 : i32
    %broadcast_in_dim3A_89 = vector.broadcast %jit3A_88 : i32 to vector<256x2048xi32>
    %select_n3A_90 = arith.select %eq3A_87, %iota3A, %broadcast_in_dim3A_89 : vector<256x2048xi1>, vector<256x2048xi32>
    %reduce_min3A_91 = arith.constant dense<2147483647> : vector<256xi32>
    %reduce_min3A_92 = vector.multi_reduction <minsi>, %select_n3A_90, %reduce_min3A_91 [1] : vector<256x2048xi32> to vector<256xi32>
    %broadcast_in_dim3A_93 = vector.shape_cast %reduce_min3A_92 : vector<256xi32> to vector<256x1xi32>
    %jit3A_94 = arith.constant 0x7F800000 : f32
    %broadcast_in_dim3A_95 = vector.broadcast %jit3A_94 : f32 to vector<256x2048xf32>
    %select_n3A_96 = arith.select %eq3A_87, %broadcast_in_dim3A_95, %select_n3A_82 : vector<256x2048xi1>, vector<256x2048xf32>
    %reduce_min3A_97 = arith.constant dense<0x7F800000> : vector<256xf32>
    %reduce_min3A_98 = vector.multi_reduction <minimumf>, %select_n3A_96, %reduce_min3A_97 [1] : vector<256x2048xf32> to vector<256xf32>
    %broadcast_in_dim3A_99 = vector.shape_cast %reduce_min3A_98 : vector<256xf32> to vector<256x1xf32>
    %eq3A_100 = vector.broadcast %broadcast_in_dim3A_99 : vector<256x1xf32> to vector<256x2048xf32>
    %eq3A_101 = arith.cmpf oeq, %select_n3A_96, %eq3A_100 : vector<256x2048xf32>
    %jit3A_102 = arith.constant 2048 : i32
    %broadcast_in_dim3A_103 = vector.broadcast %jit3A_102 : i32 to vector<256x2048xi32>
    %select_n3A_104 = arith.select %eq3A_101, %iota3A, %broadcast_in_dim3A_103 : vector<256x2048xi1>, vector<256x2048xi32>
    %reduce_min3A_105 = arith.constant dense<2147483647> : vector<256xi32>
    %reduce_min3A_106 = vector.multi_reduction <minsi>, %select_n3A_104, %reduce_min3A_105 [1] : vector<256x2048xi32> to vector<256xi32>
    %broadcast_in_dim3A_107 = vector.shape_cast %reduce_min3A_106 : vector<256xi32> to vector<256x1xi32>
    %jit3A_108 = arith.constant 0x7F800000 : f32
    %broadcast_in_dim3A_109 = vector.broadcast %jit3A_108 : f32 to vector<256x2048xf32>
    %select_n3A_110 = arith.select %eq3A_101, %broadcast_in_dim3A_109, %select_n3A_96 : vector<256x2048xi1>, vector<256x2048xf32>
    %reduce_min3A_111 = arith.constant dense<0x7F800000> : vector<256xf32>
    %reduce_min3A_112 = vector.multi_reduction <minimumf>, %select_n3A_110, %reduce_min3A_111 [1] : vector<256x2048xf32> to vector<256xf32>
    %broadcast_in_dim3A_113 = vector.shape_cast %reduce_min3A_112 : vector<256xf32> to vector<256x1xf32>
    %eq3A_114 = vector.broadcast %broadcast_in_dim3A_113 : vector<256x1xf32> to vector<256x2048xf32>
    %eq3A_115 = arith.cmpf oeq, %select_n3A_110, %eq3A_114 : vector<256x2048xf32>
    %jit3A_116 = arith.constant 2048 : i32
    %broadcast_in_dim3A_117 = vector.broadcast %jit3A_116 : i32 to vector<256x2048xi32>
    %select_n3A_118 = arith.select %eq3A_115, %iota3A, %broadcast_in_dim3A_117 : vector<256x2048xi1>, vector<256x2048xi32>
    %reduce_min3A_119 = arith.constant dense<2147483647> : vector<256xi32>
    %reduce_min3A_120 = vector.multi_reduction <minsi>, %select_n3A_118, %reduce_min3A_119 [1] : vector<256x2048xi32> to vector<256xi32>
    %broadcast_in_dim3A_121 = vector.shape_cast %reduce_min3A_120 : vector<256xi32> to vector<256x1xi32>
    %jit3A_122 = arith.constant 0x7F800000 : f32
    %broadcast_in_dim3A_123 = vector.broadcast %jit3A_122 : f32 to vector<256x2048xf32>
    %select_n3A_124 = arith.select %eq3A_115, %broadcast_in_dim3A_123, %select_n3A_110 : vector<256x2048xi1>, vector<256x2048xf32>
    %reduce_min3A_125 = arith.constant dense<0x7F800000> : vector<256xf32>
    %reduce_min3A_126 = vector.multi_reduction <minimumf>, %select_n3A_124, %reduce_min3A_125 [1] : vector<256x2048xf32> to vector<256xf32>
    %broadcast_in_dim3A_127 = vector.shape_cast %reduce_min3A_126 : vector<256xf32> to vector<256x1xf32>
    %eq3A_128 = vector.broadcast %broadcast_in_dim3A_127 : vector<256x1xf32> to vector<256x2048xf32>
    %eq3A_129 = arith.cmpf oeq, %select_n3A_124, %eq3A_128 : vector<256x2048xf32>
    %jit3A_130 = arith.constant 2048 : i32
    %broadcast_in_dim3A_131 = vector.broadcast %jit3A_130 : i32 to vector<256x2048xi32>
    %select_n3A_132 = arith.select %eq3A_129, %iota3A, %broadcast_in_dim3A_131 : vector<256x2048xi1>, vector<256x2048xi32>
    %reduce_min3A_133 = arith.constant dense<2147483647> : vector<256xi32>
    %reduce_min3A_134 = vector.multi_reduction <minsi>, %select_n3A_132, %reduce_min3A_133 [1] : vector<256x2048xi32> to vector<256xi32>
    %broadcast_in_dim3A_135 = vector.shape_cast %reduce_min3A_134 : vector<256xi32> to vector<256x1xi32>
    %jit3A_136 = arith.constant 0x7F800000 : f32
    %broadcast_in_dim3A_137 = vector.broadcast %jit3A_136 : f32 to vector<256x2048xf32>
    %select_n3A_138 = arith.select %eq3A_129, %broadcast_in_dim3A_137, %select_n3A_124 : vector<256x2048xi1>, vector<256x2048xf32>
    %reduce_min3A_139 = arith.constant dense<0x7F800000> : vector<256xf32>
    %reduce_min3A_140 = vector.multi_reduction <minimumf>, %select_n3A_138, %reduce_min3A_139 [1] : vector<256x2048xf32> to vector<256xf32>
    %broadcast_in_dim3A_141 = vector.shape_cast %reduce_min3A_140 : vector<256xf32> to vector<256x1xf32>
    %eq3A_142 = vector.broadcast %broadcast_in_dim3A_141 : vector<256x1xf32> to vector<256x2048xf32>
    %eq3A_143 = arith.cmpf oeq, %select_n3A_138, %eq3A_142 : vector<256x2048xf32>
    %jit3A_144 = arith.constant 2048 : i32
    %broadcast_in_dim3A_145 = vector.broadcast %jit3A_144 : i32 to vector<256x2048xi32>
    %select_n3A_146 = arith.select %eq3A_143, %iota3A, %broadcast_in_dim3A_145 : vector<256x2048xi1>, vector<256x2048xi32>
    %reduce_min3A_147 = arith.constant dense<2147483647> : vector<256xi32>
    %reduce_min3A_148 = vector.multi_reduction <minsi>, %select_n3A_146, %reduce_min3A_147 [1] : vector<256x2048xi32> to vector<256xi32>
    %broadcast_in_dim3A_149 = vector.shape_cast %reduce_min3A_148 : vector<256xi32> to vector<256x1xi32>
    %jit3A_150 = arith.constant 0x7F800000 : f32
    %broadcast_in_dim3A_151 = vector.broadcast %jit3A_150 : f32 to vector<256x2048xf32>
    %select_n3A_152 = arith.select %eq3A_143, %broadcast_in_dim3A_151, %select_n3A_138 : vector<256x2048xi1>, vector<256x2048xf32>
    %reduce_min3A_153 = arith.constant dense<0x7F800000> : vector<256xf32>
    %reduce_min3A_154 = vector.multi_reduction <minimumf>, %select_n3A_152, %reduce_min3A_153 [1] : vector<256x2048xf32> to vector<256xf32>
    %broadcast_in_dim3A_155 = vector.shape_cast %reduce_min3A_154 : vector<256xf32> to vector<256x1xf32>
    %eq3A_156 = vector.broadcast %broadcast_in_dim3A_155 : vector<256x1xf32> to vector<256x2048xf32>
    %eq3A_157 = arith.cmpf oeq, %select_n3A_152, %eq3A_156 : vector<256x2048xf32>
    %jit3A_158 = arith.constant 2048 : i32
    %broadcast_in_dim3A_159 = vector.broadcast %jit3A_158 : i32 to vector<256x2048xi32>
    %select_n3A_160 = arith.select %eq3A_157, %iota3A, %broadcast_in_dim3A_159 : vector<256x2048xi1>, vector<256x2048xi32>
    %reduce_min3A_161 = arith.constant dense<2147483647> : vector<256xi32>
    %reduce_min3A_162 = vector.multi_reduction <minsi>, %select_n3A_160, %reduce_min3A_161 [1] : vector<256x2048xi32> to vector<256xi32>
    %broadcast_in_dim3A_163 = vector.shape_cast %reduce_min3A_162 : vector<256xi32> to vector<256x1xi32>
    %jit3A_164 = arith.constant 0x7F800000 : f32
    %broadcast_in_dim3A_165 = vector.broadcast %jit3A_164 : f32 to vector<256x2048xf32>
    %select_n3A_166 = arith.select %eq3A_157, %broadcast_in_dim3A_165, %select_n3A_152 : vector<256x2048xi1>, vector<256x2048xf32>
    %reduce_min3A_167 = arith.constant dense<0x7F800000> : vector<256xf32>
    %reduce_min3A_168 = vector.multi_reduction <minimumf>, %select_n3A_166, %reduce_min3A_167 [1] : vector<256x2048xf32> to vector<256xf32>
    %broadcast_in_dim3A_169 = vector.shape_cast %reduce_min3A_168 : vector<256xf32> to vector<256x1xf32>
    %eq3A_170 = vector.broadcast %broadcast_in_dim3A_169 : vector<256x1xf32> to vector<256x2048xf32>
    %eq3A_171 = arith.cmpf oeq, %select_n3A_166, %eq3A_170 : vector<256x2048xf32>
    %jit3A_172 = arith.constant 2048 : i32
    %broadcast_in_dim3A_173 = vector.broadcast %jit3A_172 : i32 to vector<256x2048xi32>
    %select_n3A_174 = arith.select %eq3A_171, %iota3A, %broadcast_in_dim3A_173 : vector<256x2048xi1>, vector<256x2048xi32>
    %reduce_min3A_175 = arith.constant dense<2147483647> : vector<256xi32>
    %reduce_min3A_176 = vector.multi_reduction <minsi>, %select_n3A_174, %reduce_min3A_175 [1] : vector<256x2048xi32> to vector<256xi32>
    %broadcast_in_dim3A_177 = vector.shape_cast %reduce_min3A_176 : vector<256xi32> to vector<256x1xi32>
    %jit3A_178 = arith.constant 0x7F800000 : f32
    %broadcast_in_dim3A_179 = vector.broadcast %jit3A_178 : f32 to vector<256x2048xf32>
    %select_n3A_180 = arith.select %eq3A_171, %broadcast_in_dim3A_179, %select_n3A_166 : vector<256x2048xi1>, vector<256x2048xf32>
    %reduce_min3A_181 = arith.constant dense<0x7F800000> : vector<256xf32>
    %reduce_min3A_182 = vector.multi_reduction <minimumf>, %select_n3A_180, %reduce_min3A_181 [1] : vector<256x2048xf32> to vector<256xf32>
    %broadcast_in_dim3A_183 = vector.shape_cast %reduce_min3A_182 : vector<256xf32> to vector<256x1xf32>
    %eq3A_184 = vector.broadcast %broadcast_in_dim3A_183 : vector<256x1xf32> to vector<256x2048xf32>
    %eq3A_185 = arith.cmpf oeq, %select_n3A_180, %eq3A_184 : vector<256x2048xf32>
    %jit3A_186 = arith.constant 2048 : i32
    %broadcast_in_dim3A_187 = vector.broadcast %jit3A_186 : i32 to vector<256x2048xi32>
    %select_n3A_188 = arith.select %eq3A_185, %iota3A, %broadcast_in_dim3A_187 : vector<256x2048xi1>, vector<256x2048xi32>
    %reduce_min3A_189 = arith.constant dense<2147483647> : vector<256xi32>
    %reduce_min3A_190 = vector.multi_reduction <minsi>, %select_n3A_188, %reduce_min3A_189 [1] : vector<256x2048xi32> to vector<256xi32>
    %broadcast_in_dim3A_191 = vector.shape_cast %reduce_min3A_190 : vector<256xi32> to vector<256x1xi32>
    %jit3A_192 = arith.constant 0x7F800000 : f32
    %broadcast_in_dim3A_193 = vector.broadcast %jit3A_192 : f32 to vector<256x2048xf32>
    %select_n3A_194 = arith.select %eq3A_185, %broadcast_in_dim3A_193, %select_n3A_180 : vector<256x2048xi1>, vector<256x2048xf32>
    %reduce_min3A_195 = arith.constant dense<0x7F800000> : vector<256xf32>
    %reduce_min3A_196 = vector.multi_reduction <minimumf>, %select_n3A_194, %reduce_min3A_195 [1] : vector<256x2048xf32> to vector<256xf32>
    %broadcast_in_dim3A_197 = vector.shape_cast %reduce_min3A_196 : vector<256xf32> to vector<256x1xf32>
    %eq3A_198 = vector.broadcast %broadcast_in_dim3A_197 : vector<256x1xf32> to vector<256x2048xf32>
    %eq3A_199 = arith.cmpf oeq, %select_n3A_194, %eq3A_198 : vector<256x2048xf32>
    %jit3A_200 = arith.constant 2048 : i32
    %broadcast_in_dim3A_201 = vector.broadcast %jit3A_200 : i32 to vector<256x2048xi32>
    %select_n3A_202 = arith.select %eq3A_199, %iota3A, %broadcast_in_dim3A_201 : vector<256x2048xi1>, vector<256x2048xi32>
    %reduce_min3A_203 = arith.constant dense<2147483647> : vector<256xi32>
    %reduce_min3A_204 = vector.multi_reduction <minsi>, %select_n3A_202, %reduce_min3A_203 [1] : vector<256x2048xi32> to vector<256xi32>
    %broadcast_in_dim3A_205 = vector.shape_cast %reduce_min3A_204 : vector<256xi32> to vector<256x1xi32>
    %jit3A_206 = arith.constant 0x7F800000 : f32
    %broadcast_in_dim3A_207 = vector.broadcast %jit3A_206 : f32 to vector<256x2048xf32>
    %select_n3A_208 = arith.select %eq3A_199, %broadcast_in_dim3A_207, %select_n3A_194 : vector<256x2048xi1>, vector<256x2048xf32>
    %reduce_min3A_209 = arith.constant dense<0x7F800000> : vector<256xf32>
    %reduce_min3A_210 = vector.multi_reduction <minimumf>, %select_n3A_208, %reduce_min3A_209 [1] : vector<256x2048xf32> to vector<256xf32>
    %broadcast_in_dim3A_211 = vector.shape_cast %reduce_min3A_210 : vector<256xf32> to vector<256x1xf32>
    %eq3A_212 = vector.broadcast %broadcast_in_dim3A_211 : vector<256x1xf32> to vector<256x2048xf32>
    %eq3A_213 = arith.cmpf oeq, %select_n3A_208, %eq3A_212 : vector<256x2048xf32>
    %jit3A_214 = arith.constant 2048 : i32
    %broadcast_in_dim3A_215 = vector.broadcast %jit3A_214 : i32 to vector<256x2048xi32>
    %select_n3A_216 = arith.select %eq3A_213, %iota3A, %broadcast_in_dim3A_215 : vector<256x2048xi1>, vector<256x2048xi32>
    %reduce_min3A_217 = arith.constant dense<2147483647> : vector<256xi32>
    %reduce_min3A_218 = vector.multi_reduction <minsi>, %select_n3A_216, %reduce_min3A_217 [1] : vector<256x2048xi32> to vector<256xi32>
    %broadcast_in_dim3A_219 = vector.shape_cast %reduce_min3A_218 : vector<256xi32> to vector<256x1xi32>
    %jit3A_220 = arith.constant 0x7F800000 : f32
    %broadcast_in_dim3A_221 = vector.broadcast %jit3A_220 : f32 to vector<256x2048xf32>
    %select_n3A_222 = arith.select %eq3A_213, %broadcast_in_dim3A_221, %select_n3A_208 : vector<256x2048xi1>, vector<256x2048xf32>
    %reduce_min3A_223 = arith.constant dense<0x7F800000> : vector<256xf32>
    %reduce_min3A_224 = vector.multi_reduction <minimumf>, %select_n3A_222, %reduce_min3A_223 [1] : vector<256x2048xf32> to vector<256xf32>
    %broadcast_in_dim3A_225 = vector.shape_cast %reduce_min3A_224 : vector<256xf32> to vector<256x1xf32>
    %eq3A_226 = vector.broadcast %broadcast_in_dim3A_225 : vector<256x1xf32> to vector<256x2048xf32>
    %eq3A_227 = arith.cmpf oeq, %select_n3A_222, %eq3A_226 : vector<256x2048xf32>
    %jit3A_228 = arith.constant 2048 : i32
    %broadcast_in_dim3A_229 = vector.broadcast %jit3A_228 : i32 to vector<256x2048xi32>
    %select_n3A_230 = arith.select %eq3A_227, %iota3A, %broadcast_in_dim3A_229 : vector<256x2048xi1>, vector<256x2048xi32>
    %reduce_min3A_231 = arith.constant dense<2147483647> : vector<256xi32>
    %reduce_min3A_232 = vector.multi_reduction <minsi>, %select_n3A_230, %reduce_min3A_231 [1] : vector<256x2048xi32> to vector<256xi32>
    %broadcast_in_dim3A_233 = vector.shape_cast %reduce_min3A_232 : vector<256xi32> to vector<256x1xi32>
    %concatenate3A = tpu.concatenate %broadcast_in_dim3A_23, %broadcast_in_dim3A_37, %broadcast_in_dim3A_51, %broadcast_in_dim3A_65, %broadcast_in_dim3A_79, %broadcast_in_dim3A_93, %broadcast_in_dim3A_107, %broadcast_in_dim3A_121, %broadcast_in_dim3A_135, %broadcast_in_dim3A_149, %broadcast_in_dim3A_163, %broadcast_in_dim3A_177, %broadcast_in_dim3A_191, %broadcast_in_dim3A_205, %broadcast_in_dim3A_219, %broadcast_in_dim3A_233 in 1 : vector<256x1xi32>, vector<256x1xi32>, vector<256x1xi32>, vector<256x1xi32>, vector<256x1xi32>, vector<256x1xi32>, vector<256x1xi32>, vector<256x1xi32>, vector<256x1xi32>, vector<256x1xi32>, vector<256x1xi32>, vector<256x1xi32>, vector<256x1xi32>, vector<256x1xi32>, vector<256x1xi32>, vector<256x1xi32> -> vector<256x16xi32>
    %swap3A = arith.constant 0 : index
    %swap3A_234 = arith.constant 0 : index
    %swap3A_235 = vector.load %arg3[%swap3A, %swap3A_234] : memref<256x16xi32, #tpu.memory_space<vmem>>, vector<256x16xi32>
    tpu.vector_store %arg3[%swap3A, %swap3A_234], %concatenate3A {strides = array<i32>} : memref<256x16xi32, #tpu.memory_space<vmem>>, vector<256x16xi32>,
    return
  }
  func.func @transform_0(%arg0: i32) -> (i32, i32) {
    %c0_i32 = arith.constant 0 : i32
    %c0_i32_0 = arith.constant 0 : i32
    %c0_i32_1 = arith.constant 0 : i32
    return %c0_i32, %c0_i32_0 : i32, i32
  }
  func.func @transform_1(%arg0: i32) -> (i32, i32) {
    %c0_i32 = arith.constant 0 : i32
    %c0_i32_0 = arith.constant 0 : i32
    return %arg0, %c0_i32 : i32, i32
  }
  func.func @transform_2(%arg0: i32) -> (i32, i32) {
    %c0_i32 = arith.constant 0 : i32
    %c0_i32_0 = arith.constant 0 : i32
    return %arg0, %c0_i32 : i32, i32
  }
}

module attributes {stable_mosaic.version = 14 : i64} {
  func.func @_conv_body(%arg0: i32, %arg1: memref<4096x112xf32, #tpu.memory_space<vmem>>, %arg2: memref<256x8xf32, #tpu.memory_space<vmem>>, %arg3: memref<112x96xf32, #tpu.memory_space<vmem>>, %arg4: memref<8x96xf32, #tpu.memory_space<vmem>>, %arg5: memref<8x96xf32, #tpu.memory_space<vmem>>, %arg6: memref<256x96xf32, #tpu.memory_space<vmem>>) attributes {dimension_semantics = [#tpu.dimension_semantics<parallel>], iteration_bounds = array<i64: 8>, scalar_prefetch = 0 : i64, scratch_operands = 0 : i64, tpu.core_type = #tpu.core_type<tc>, window_params = [{transform_indices = @transform_0, window_bounds = array<i64: 4096, 112>}, {transform_indices = @transform_1, window_bounds = array<i64: 256, 8>}, {pipeline_mode = #tpu.pipeline_mode<synchronous>, transform_indices = @transform_2, window_bounds = array<i64: 112, 96>}, {pipeline_mode = #tpu.pipeline_mode<synchronous>, transform_indices = @transform_3, window_bounds = array<i64: 8, 96>}, {pipeline_mode = #tpu.pipeline_mode<synchronous>, transform_indices = @transform_4, window_bounds = array<i64: 8, 96>}, {transform_indices = @transform_5, window_bounds = array<i64: 256, 96>}]} {
    %get3A = arith.constant 0 : index
    %get3A_0 = arith.constant 0 : index
    %get3A_1 = vector.load %arg1[%get3A, %get3A_0] : memref<4096x112xf32, #tpu.memory_space<vmem>>, vector<4096x112xf32>
    %get3A_2 = arith.constant 0 : index
    %get3A_3 = arith.constant 0 : index
    %get3A_4 = vector.load %arg3[%get3A_2, %get3A_3] : memref<112x96xf32, #tpu.memory_space<vmem>>, vector<112x96xf32>
    %dot_general3A = arith.constant dense<0.000000e+00> : vector<4096x96xf32>
    %dot_general3A_5 = tpu.matmul %get3A_1, %get3A_4, %dot_general3A {dimension_numbers = #tpu.dot_dimension_numbers<[1], [0], [0], [1], [0, 0, 1, 1], [], []>, transpose_lhs_hint = false} : vector<4096x112xf32>, vector<112x96xf32>, vector<4096x96xf32> -> vector<4096x96xf32>
    %get3A_6 = arith.constant 0 : index
    %get3A_7 = arith.constant 0 : index
    %get3A_8 = vector.load %arg2[%get3A_6, %get3A_7] : memref<256x8xf32, #tpu.memory_space<vmem>>, vector<256x8xf32>
    %get3A_9 = arith.constant 0 : index
    %get3A_10 = arith.constant 0 : index
    %get3A_11 = vector.load %arg4[%get3A_9, %get3A_10] : memref<8x96xf32, #tpu.memory_space<vmem>>, vector<8x96xf32>
    %dot_general3A_12 = arith.constant dense<0.000000e+00> : vector<256x96xf32>
    %dot_general3A_13 = tpu.matmul %get3A_8, %get3A_11, %dot_general3A_12 {dimension_numbers = #tpu.dot_dimension_numbers<[1], [0], [0], [1], [0, 0, 1, 1], [], []>, transpose_lhs_hint = false} : vector<256x8xf32>, vector<8x96xf32>, vector<256x96xf32> -> vector<256x96xf32>
    %reshape3A = vector.shape_cast %dot_general3A_5 : vector<4096x96xf32> to vector<256x16x96xf32>
    %broadcast_in_dim3A = vector.shape_cast %dot_general3A_13 : vector<256x96xf32> to vector<256x1x96xf32>
    %sub3A = vector.broadcast %broadcast_in_dim3A : vector<256x1x96xf32> to vector<256x16x96xf32>
    %sub3A_14 = arith.subf %reshape3A, %sub3A : vector<256x16x96xf32>
    %get3A_15 = arith.constant 0 : index
    %get3A_16 = arith.constant 0 : index
    %get3A_17 = vector.load %arg5[%get3A_15, %get3A_16] : memref<8x96xf32, #tpu.memory_space<vmem>>, vector<1x96xf32>
    %broadcast_in_dim3A_18 = vector.shape_cast %get3A_17 : vector<1x96xf32> to vector<1x1x96xf32>
    %add3A = vector.broadcast %broadcast_in_dim3A_18 : vector<1x1x96xf32> to vector<256x16x96xf32>
    %add3A_19 = arith.addf %sub3A_14, %add3A : vector<256x16x96xf32>
    %max3A = arith.constant 0.000000e+00 : f32
    %max3A_20 = vector.broadcast %max3A : f32 to vector<256x16x96xf32>
    %max3A_21 = arith.maximumf %add3A_19, %max3A_20 : vector<256x16x96xf32>
    %reduce_max3A = arith.constant dense<0xFF800000> : vector<256x96xf32>
    %reduce_max3A_22 = vector.multi_reduction <maximumf>, %max3A_21, %reduce_max3A [1] : vector<256x16x96xf32> to vector<256x96xf32>
    %swap3A = arith.constant 0 : index
    %swap3A_23 = arith.constant 0 : index
    %swap3A_24 = vector.load %arg6[%swap3A, %swap3A_23] : memref<256x96xf32, #tpu.memory_space<vmem>>, vector<256x96xf32>
    tpu.vector_store %arg6[%swap3A, %swap3A_23], %reduce_max3A_22 {strides = array<i32>} : memref<256x96xf32, #tpu.memory_space<vmem>>, vector<256x96xf32>,
    return
  }
  func.func @transform_0(%arg0: i32) -> (i32, i32) {
    %c0_i32 = arith.constant 0 : i32
    %c0_i32_0 = arith.constant 0 : i32
    return %arg0, %c0_i32 : i32, i32
  }
  func.func @transform_1(%arg0: i32) -> (i32, i32) {
    %c0_i32 = arith.constant 0 : i32
    %c0_i32_0 = arith.constant 0 : i32
    return %arg0, %c0_i32 : i32, i32
  }
  func.func @transform_2(%arg0: i32) -> (i32, i32) {
    %c0_i32 = arith.constant 0 : i32
    %c0_i32_0 = arith.constant 0 : i32
    %c0_i32_1 = arith.constant 0 : i32
    return %c0_i32, %c0_i32_0 : i32, i32
  }
  func.func @transform_3(%arg0: i32) -> (i32, i32) {
    %c0_i32 = arith.constant 0 : i32
    %c0_i32_0 = arith.constant 0 : i32
    %c0_i32_1 = arith.constant 0 : i32
    return %c0_i32, %c0_i32_0 : i32, i32
  }
  func.func @transform_4(%arg0: i32) -> (i32, i32) {
    %c0_i32 = arith.constant 0 : i32
    %c0_i32_0 = arith.constant 0 : i32
    %c0_i32_1 = arith.constant 0 : i32
    return %c0_i32, %c0_i32_0 : i32, i32
  }
  func.func @transform_5(%arg0: i32) -> (i32, i32) {
    %c0_i32 = arith.constant 0 : i32
    %c0_i32_0 = arith.constant 0 : i32
    return %arg0, %c0_i32 : i32, i32
  }
}

module attributes {stable_mosaic.version = 14 : i64} {
  func.func @_mlp_body(%arg0: memref<2048x96xf32, #tpu.memory_space<vmem>>, %arg1: memref<96x96xf32, #tpu.memory_space<vmem>>, %arg2: memref<1x96xf32, #tpu.memory_space<vmem>>, %arg3: memref<96x128xf32, #tpu.memory_space<vmem>>, %arg4: memref<1x128xf32, #tpu.memory_space<vmem>>, %arg5: memref<2048x128xf32, #tpu.memory_space<vmem>>) attributes {dimension_semantics = [], scalar_prefetch = 0 : i64, scratch_operands = 0 : i64, tpu.core_type = #tpu.core_type<tc>} {
    %get3A = arith.constant 0 : index
    %get3A_0 = arith.constant 0 : index
    %get3A_1 = vector.load %arg0[%get3A, %get3A_0] : memref<2048x96xf32, #tpu.memory_space<vmem>>, vector<2048x96xf32>
    %get3A_2 = arith.constant 0 : index
    %get3A_3 = arith.constant 0 : index
    %get3A_4 = vector.load %arg1[%get3A_2, %get3A_3] : memref<96x96xf32, #tpu.memory_space<vmem>>, vector<96x96xf32>
    %dot_general3A = arith.constant dense<0.000000e+00> : vector<2048x96xf32>
    %dot_general3A_5 = tpu.matmul %get3A_1, %get3A_4, %dot_general3A {dimension_numbers = #tpu.dot_dimension_numbers<[1], [0], [0], [1], [0, 0, 1, 1], [], []>, transpose_lhs_hint = false} : vector<2048x96xf32>, vector<96x96xf32>, vector<2048x96xf32> -> vector<2048x96xf32>
    %get3A_6 = arith.constant 0 : index
    %get3A_7 = arith.constant 0 : index
    %get3A_8 = vector.load %arg2[%get3A_6, %get3A_7] : memref<1x96xf32, #tpu.memory_space<vmem>>, vector<1x96xf32>
    %add3A = vector.broadcast %get3A_8 : vector<1x96xf32> to vector<2048x96xf32>
    %add3A_9 = arith.addf %dot_general3A_5, %add3A : vector<2048x96xf32>
    %max3A = arith.constant 0.000000e+00 : f32
    %max3A_10 = vector.broadcast %max3A : f32 to vector<2048x96xf32>
    %max3A_11 = arith.maximumf %add3A_9, %max3A_10 : vector<2048x96xf32>
    %get3A_12 = arith.constant 0 : index
    %get3A_13 = arith.constant 0 : index
    %get3A_14 = vector.load %arg3[%get3A_12, %get3A_13] : memref<96x128xf32, #tpu.memory_space<vmem>>, vector<96x128xf32>
    %dot_general3A_15 = arith.constant dense<0.000000e+00> : vector<2048x128xf32>
    %dot_general3A_16 = tpu.matmul %max3A_11, %get3A_14, %dot_general3A_15 {dimension_numbers = #tpu.dot_dimension_numbers<[1], [0], [0], [1], [0, 0, 1, 1], [], []>, transpose_lhs_hint = false} : vector<2048x96xf32>, vector<96x128xf32>, vector<2048x128xf32> -> vector<2048x128xf32>
    %get3A_17 = arith.constant 0 : index
    %get3A_18 = arith.constant 0 : index
    %get3A_19 = vector.load %arg4[%get3A_17, %get3A_18] : memref<1x128xf32, #tpu.memory_space<vmem>>, vector<1x128xf32>
    %add3A_20 = vector.broadcast %get3A_19 : vector<1x128xf32> to vector<2048x128xf32>
    %add3A_21 = arith.addf %dot_general3A_16, %add3A_20 : vector<2048x128xf32>
    %max3A_22 = arith.constant 0.000000e+00 : f32
    %max3A_23 = vector.broadcast %max3A_22 : f32 to vector<2048x128xf32>
    %max3A_24 = arith.maximumf %add3A_21, %max3A_23 : vector<2048x128xf32>
    %swap3A = arith.constant 0 : index
    %swap3A_25 = arith.constant 0 : index
    %swap3A_26 = vector.load %arg5[%swap3A, %swap3A_25] : memref<2048x128xf32, #tpu.memory_space<vmem>>, vector<2048x128xf32>
    tpu.vector_store %arg5[%swap3A, %swap3A_25], %max3A_24 {strides = array<i32>} : memref<2048x128xf32, #tpu.memory_space<vmem>>, vector<2048x128xf32>,
    return
  }
}

module attributes {stable_mosaic.version = 14 : i64} {
  func.func @_conv_body(%arg0: i32, %arg1: memref<4096x144xf32, #tpu.memory_space<vmem>>, %arg2: memref<256x8xf32, #tpu.memory_space<vmem>>, %arg3: memref<144x128xf32, #tpu.memory_space<vmem>>, %arg4: memref<8x128xf32, #tpu.memory_space<vmem>>, %arg5: memref<8x128xf32, #tpu.memory_space<vmem>>, %arg6: memref<256x128xf32, #tpu.memory_space<vmem>>) attributes {dimension_semantics = [#tpu.dimension_semantics<parallel>], iteration_bounds = array<i64: 4>, scalar_prefetch = 0 : i64, scratch_operands = 0 : i64, tpu.core_type = #tpu.core_type<tc>, window_params = [{transform_indices = @transform_0, window_bounds = array<i64: 4096, 144>}, {transform_indices = @transform_1, window_bounds = array<i64: 256, 8>}, {pipeline_mode = #tpu.pipeline_mode<synchronous>, transform_indices = @transform_2, window_bounds = array<i64: 144, 128>}, {pipeline_mode = #tpu.pipeline_mode<synchronous>, transform_indices = @transform_3, window_bounds = array<i64: 8, 128>}, {pipeline_mode = #tpu.pipeline_mode<synchronous>, transform_indices = @transform_4, window_bounds = array<i64: 8, 128>}, {transform_indices = @transform_5, window_bounds = array<i64: 256, 128>}]} {
    %get3A = arith.constant 0 : index
    %get3A_0 = arith.constant 0 : index
    %get3A_1 = vector.load %arg1[%get3A, %get3A_0] : memref<4096x144xf32, #tpu.memory_space<vmem>>, vector<4096x144xf32>
    %get3A_2 = arith.constant 0 : index
    %get3A_3 = arith.constant 0 : index
    %get3A_4 = vector.load %arg3[%get3A_2, %get3A_3] : memref<144x128xf32, #tpu.memory_space<vmem>>, vector<144x128xf32>
    %dot_general3A = arith.constant dense<0.000000e+00> : vector<4096x128xf32>
    %dot_general3A_5 = tpu.matmul %get3A_1, %get3A_4, %dot_general3A {dimension_numbers = #tpu.dot_dimension_numbers<[1], [0], [0], [1], [0, 0, 1, 1], [], []>, transpose_lhs_hint = false} : vector<4096x144xf32>, vector<144x128xf32>, vector<4096x128xf32> -> vector<4096x128xf32>
    %get3A_6 = arith.constant 0 : index
    %get3A_7 = arith.constant 0 : index
    %get3A_8 = vector.load %arg2[%get3A_6, %get3A_7] : memref<256x8xf32, #tpu.memory_space<vmem>>, vector<256x8xf32>
    %get3A_9 = arith.constant 0 : index
    %get3A_10 = arith.constant 0 : index
    %get3A_11 = vector.load %arg4[%get3A_9, %get3A_10] : memref<8x128xf32, #tpu.memory_space<vmem>>, vector<8x128xf32>
    %dot_general3A_12 = arith.constant dense<0.000000e+00> : vector<256x128xf32>
    %dot_general3A_13 = tpu.matmul %get3A_8, %get3A_11, %dot_general3A_12 {dimension_numbers = #tpu.dot_dimension_numbers<[1], [0], [0], [1], [0, 0, 1, 1], [], []>, transpose_lhs_hint = false} : vector<256x8xf32>, vector<8x128xf32>, vector<256x128xf32> -> vector<256x128xf32>
    %reshape3A = vector.shape_cast %dot_general3A_5 : vector<4096x128xf32> to vector<256x16x128xf32>
    %broadcast_in_dim3A = vector.shape_cast %dot_general3A_13 : vector<256x128xf32> to vector<256x1x128xf32>
    %sub3A = vector.broadcast %broadcast_in_dim3A : vector<256x1x128xf32> to vector<256x16x128xf32>
    %sub3A_14 = arith.subf %reshape3A, %sub3A : vector<256x16x128xf32>
    %get3A_15 = arith.constant 0 : index
    %get3A_16 = arith.constant 0 : index
    %get3A_17 = vector.load %arg5[%get3A_15, %get3A_16] : memref<8x128xf32, #tpu.memory_space<vmem>>, vector<1x128xf32>
    %broadcast_in_dim3A_18 = vector.shape_cast %get3A_17 : vector<1x128xf32> to vector<1x1x128xf32>
    %add3A = vector.broadcast %broadcast_in_dim3A_18 : vector<1x1x128xf32> to vector<256x16x128xf32>
    %add3A_19 = arith.addf %sub3A_14, %add3A : vector<256x16x128xf32>
    %max3A = arith.constant 0.000000e+00 : f32
    %max3A_20 = vector.broadcast %max3A : f32 to vector<256x16x128xf32>
    %max3A_21 = arith.maximumf %add3A_19, %max3A_20 : vector<256x16x128xf32>
    %reduce_max3A = arith.constant dense<0xFF800000> : vector<256x128xf32>
    %reduce_max3A_22 = vector.multi_reduction <maximumf>, %max3A_21, %reduce_max3A [1] : vector<256x16x128xf32> to vector<256x128xf32>
    %swap3A = arith.constant 0 : index
    %swap3A_23 = arith.constant 0 : index
    %swap3A_24 = vector.load %arg6[%swap3A, %swap3A_23] : memref<256x128xf32, #tpu.memory_space<vmem>>, vector<256x128xf32>
    tpu.vector_store %arg6[%swap3A, %swap3A_23], %reduce_max3A_22 {strides = array<i32>} : memref<256x128xf32, #tpu.memory_space<vmem>>, vector<256x128xf32>,
    return
  }
  func.func @transform_0(%arg0: i32) -> (i32, i32) {
    %c0_i32 = arith.constant 0 : i32
    %c0_i32_0 = arith.constant 0 : i32
    return %arg0, %c0_i32 : i32, i32
  }
  func.func @transform_1(%arg0: i32) -> (i32, i32) {
    %c0_i32 = arith.constant 0 : i32
    %c0_i32_0 = arith.constant 0 : i32
    return %arg0, %c0_i32 : i32, i32
  }
  func.func @transform_2(%arg0: i32) -> (i32, i32) {
    %c0_i32 = arith.constant 0 : i32
    %c0_i32_0 = arith.constant 0 : i32
    %c0_i32_1 = arith.constant 0 : i32
    return %c0_i32, %c0_i32_0 : i32, i32
  }
  func.func @transform_3(%arg0: i32) -> (i32, i32) {
    %c0_i32 = arith.constant 0 : i32
    %c0_i32_0 = arith.constant 0 : i32
    %c0_i32_1 = arith.constant 0 : i32
    return %c0_i32, %c0_i32_0 : i32, i32
  }
  func.func @transform_4(%arg0: i32) -> (i32, i32) {
    %c0_i32 = arith.constant 0 : i32
    %c0_i32_0 = arith.constant 0 : i32
    %c0_i32_1 = arith.constant 0 : i32
    return %c0_i32, %c0_i32_0 : i32, i32
  }
  func.func @transform_5(%arg0: i32) -> (i32, i32) {
    %c0_i32 = arith.constant 0 : i32
    %c0_i32_0 = arith.constant 0 : i32
    return %arg0, %c0_i32 : i32, i32
  }
}

</mosaic_0001>

<sc_bundles>
// kernel: kernel.14.cloned.1.call-start
scs
__scs_entry_jumppad:
0x0: {  	(pc) =	sbr.rel $0x88, $3  }
0x1: {  	(tag) =	ssettag $0x0;
	lr =	simm.s32 $0x1  }
0x2: {  	[smem:$0x3F88] =	sst lr;
	_ =	strace $0xD0000000  }
0x3: {  	_ = 	snop  }
0x4: {  	_ = 	snop  }
0x5: {  	_ = 	snop  }
0x6: {  	_ = 	snop  }
0x7: {  	_ = 	snop  }
__scs_overlays_trampoline_lowered:
0x8: {  	[smem:$0x3F97] =	sst s0  }
0x9: {  	[smem:$0x3F98] =	sst s1  }
0xa: {  	[smem:$0x3F99] =	sst s2  }
0xb: {  	[smem:$0x3F9A] =	sst s3  }
0xc: {  	[smem:$0x3F9B] =	sst s4  }
0xd: {  	[smem:$0x3F9C] =	sst s5  }
0xe: {  	[smem:$0x3F9D] =	sst s6  }
0xf: {  	[smem:$0x3F9E] =	sst s7  }
0x10: {  	[smem:$0x3F9F] =	sst s8  }
0x11: {  	[smem:$0x3FA0] =	sst s9;
	s0 =	simm.s32 @!p0 $0x0  }
0x12: {  	s1 =	sld [smem:$0x3F86];
	s0 =	simm.s32 @p0 $0x1  }
0x13: {  	[smem:$0x3FA1] =	sst s0;
	s0 =	simm.s32 @!p1 $0x0  }
0x14: {  	s2 =	sld [smem:$0x3F85];
	s0 =	simm.s32 @p1 $0x1  }
0x15: {  	[smem:$0x3FA2] =	sst s0;
	s0 =	simm.s32 @!p2 $0x0  }
0x16: {  	s3 =	sld [smem:$0x3FDB];
	s0 =	simm.s32 @p2 $0x1  }
0x17: {  	s4 =	simm.s32 $0x1BF5;
	[smem:$0x3FA4] =	sst s0  }
0x18: {  	s0 =	sld [smem:$0x3F87];
	_ =	swait.ge [sflag:s4], $0x0  }
0x19: {  	s7 =	sld [smem:$0x3F88]  }
0x1a: {  	s8 =	sadd.s32 $0xFFFFE003, lr  }
0x1b: {  	s9 =	sadd.s32 $0xFFFFFEF7, lr;
	s5 =	simm.s32 $0xFFFFFFFF;
	p2 =	slt.u32 s8, $0xFFFFF086  }
0x1c: {  	p1 =	slt.u32 s9, $0xF7A;
	s5 =	simm.s32 @!p2 $0x0  }
0x1d: {  	s5 =	simm.s32 @p1 $0x1;
	p0 =	seq.s32 s7, s2  }
0x1e: {  	s7 =	smul.u32 @!p0 $0xF7A, s2;
	p2 =	seq.s32 @!p0 s5, $0x0  }
0x1f: {  	s9 =	smul.u32 $0xF7A, s1;
	s8 =	simm.s32 @!p0 $0x1BF5;
	p2 =	por !p2, p0  }
0x20: {  	[sflag:s8] =	ssyncset.s32 @!p0 $0xFFFFF086;
	s6 =	sadd.s32 @!p0 s3, s7;
	s7 =	simm.s32 @!p0 $0x108  }
0x21: {  	s3 =	sadd.s32 s3, s9;
	s6 =	sadd.s32 @!p0 $0x88, s6;
	s7 =	simm.s32 @p2 $0x1082  }
0x22: {  	[simem:s7], [sflag:s8] =	dma.local @!p0 [hbm:s6], $0xF7A  }
0x23: {  	s9 =	sor.u32 $0xD0000000, s2;
	s6 =	simm.s32 $0x108;
	_ =	swait.ge @!p0 [sflag:s8], $0x0  }
0x24: {  	s3 =	sadd.s32 $0x88, s3;
	s6 =	simm.s32 @!p1 $0x1082;
	[sflag:s4] =	ssyncset.s32 $0xFFFFF086  }
0x25: {  	[simem:s6], [sflag:s4] =	dma.local [hbm:s3], $0xF7A  }
0x26: {  	[smem:$0x3F88] =	sst s1;
	(tag) =	ssettag s2;
	_ =	strace s9  }
0x27: {  	s1 =	sld [smem:$0x3F98]  }
0x28: {  	s2 =	sld [smem:$0x3F99]  }
0x29: {  	s4 =	sld [smem:$0x3F9B]  }
0x2a: {  	p0 =	seq.s32 s5, $0x0;
	s5 =	sld [smem:$0x3F9C]  }
0x2b: {  	s6 =	sld [smem:$0x3F9D]  }
0x2c: {  	s7 =	sld [smem:$0x3F9E]  }
0x2d: {  	s3 =	simm.s32 $0x108;
	s8 =	sld [smem:$0x3F9F]  }
0x2e: {  	s3 =	simm.s32 @!p0 $0x1082;
	s9 =	sld [smem:$0x3FA0]  }
0x2f: {  	lr =	sadd.s32 s0, s3;
	s0 =	sld [smem:$0x3F97]  }
0x30: {  	s3 =	sld [smem:$0x3F9A]  }
0x31: {  	[smem:$0x3FA3] =	sst s10  }
0x32: {  	s10 =	sld [smem:$0x3FA1];
	_ =	sdelay $0x3  }
0x33: {  	p0 =	seq.s32 s10, $0x1;
	s10 =	sld [smem:$0x3FA3];
	_ =	sdelay $0x3  }
0x34: {  	[smem:$0x3FA3] =	sst s10  }
0x35: {  	s10 =	sld [smem:$0x3FA2];
	_ =	sdelay $0x3  }
0x36: {  	p1 =	seq.s32 s10, $0x1;
	s10 =	sld [smem:$0x3FA3];
	_ =	sdelay $0x3  }
0x37: {  	[smem:$0x3FA3] =	sst s10  }
0x38: {  	s10 =	sld [smem:$0x3FA4]  }
0x39: {  	_ = 	snop;
	(pc) =	sbr.ind lr, $3  }
0x3a: {  	_ = 	snop  }
0x3b: {  	_ = 	snop  }
0x3c: {  	p2 =	seq.s32 s10, $0x1;
	s10 =	sld [smem:$0x3FA3]  }
0x3d: {  	_ =	shalt  }
0x3e: {  	_ =	shalt  }
0x3f: {  	_ =	shalt  }
0x40: {  	_ =	shalt  }
0x41: {  	_ =	shalt  }
0x42: {  	_ =	shalt  }
0x43: {  	_ =	shalt  }
0x44: {  	_ =	shalt  }
0x45: {  	_ =	shalt  }
0x46: {  	_ =	shalt  }
0x47: {  	_ =	shalt  }
0x48: {  	_ =	shalt  }
0x49: {  	_ =	shalt  }
0x4a: {  	_ =	shalt  }
0x4b: {  	_ =	shalt  }
0x4c: {  	_ =	shalt  }
0x4d: {  	_ =	shalt  }
0x4e: {  	_ =	shalt  }
0x4f: {  	_ =	shalt  }
0x50: {  	_ =	shalt  }
0x51: {  	_ =	shalt  }
0x52: {  	_ =	shalt  }
0x53: {  	_ =	shalt  }
0x54: {  	_ =	shalt  }
0x55: {  	_ =	shalt  }
0x56: {  	_ =	shalt  }
0x57: {  	_ =	shalt  }
0x58: {  	_ =	shalt  }
0x59: {  	_ =	shalt  }
0x5a: {  	_ =	shalt  }
0x5b: {  	_ =	shalt  }
0x5c: {  	_ =	shalt  }
0x5d: {  	_ =	shalt  }
0x5e: {  	_ =	shalt  }
0x5f: {  	_ =	shalt  }
0x60: {  	_ =	shalt  }
0x61: {  	_ =	shalt  }
0x62: {  	_ =	shalt  }
0x63: {  	_ =	shalt  }
0x64: {  	_ =	shalt  }
0x65: {  	_ =	shalt  }
0x66: {  	_ =	shalt  }
0x67: {  	_ =	shalt  }
0x68: {  	_ =	shalt  }
0x69: {  	_ =	shalt  }
0x6a: {  	_ =	shalt  }
0x6b: {  	_ =	shalt  }
0x6c: {  	_ =	shalt  }
0x6d: {  	_ =	shalt  }
0x6e: {  	_ =	shalt  }
0x6f: {  	_ =	shalt  }
0x70: {  	_ =	shalt  }
0x71: {  	_ =	shalt  }
0x72: {  	_ =	shalt  }
0x73: {  	_ =	shalt  }
0x74: {  	_ =	shalt  }
0x75: {  	_ =	shalt  }
0x76: {  	_ =	shalt  }
0x77: {  	_ =	shalt  }
0x78: {  	_ =	shalt  }
0x79: {  	_ =	shalt  }
0x7a: {  	_ =	shalt  }
0x7b: {  	_ =	shalt  }
0x7c: {  	_ =	shalt  }
0x7d: {  	_ =	shalt  }
0x7e: {  	_ =	shalt  }
0x7f: {  	_ =	shalt  }
0x80: {  	_ =	shalt  }
0x81: {  	_ =	shalt  }
0x82: {  	_ =	shalt  }
0x83: {  	_ =	shalt  }
0x84: {  	_ =	shalt  }
0x85: {  	_ =	shalt  }
0x86: {  	_ =	shalt  }
0x87: {  	_ =	shalt  }
.Lfunc_end0:
.L_simem_size_0:
called_computation_lowered:
.L_overlay_start_0:
0x88: {  	s2 =	sld [smem:$0x3FD9]  }
0x89: {  	s3 =	sld [smem:$0x3FFE];
	_ =	sdelay $0x1  }
0x8a: {  	s1 =	srdreg.scid  }
0x8b: {  	s0 =	sand.u32 $0x1, s1  }
0x8c: {  	s14 =	sshll.u32 s0, $0xA;
	s2 =	sadd.s32 s3, s2  }
0x8d: {  	s2 =	sadd.s32 s2, s14  }
0x8e: {  	[smem:$0x3FAF] =	sst s2  }
0x8f: {  	_ = 	snop  }
0x90: {  	s2 =	sld [smem:$0x3FD0];
	_ =	sdelay $0x2  }
0x91: {  	s15 =	simm.s32 $0xA;
	s4 =	simm.s32 $0x10  }
0x92: {  	[smem:s4], [sflag:s15] =	dma.local [hbm:s2], $0x1  }
0x93: {  	_ =	swait.eq [sflag:s15], $0x1  }
0x94: {  	[sflag:s15] =	ssyncset.done $0x0  }
0x95: {  	s16 =	sld [smem:$0x12];
	[sflag:s15] =	ssyncadd.s32 $0xFFFFFFFF  }
0x96: {  	s17 =	sld [smem:$0x13];
	(tm) =	ssettm $0x1  }
0x97: {  	s18 =	sld [smem:$0x3FFB];
	_ =	sdelay $0x3  }
0x98: {  	_ =	strace s18  }
0x99: {  	s4 =	sld [smem:$0x3FFC];
	_ =	sdelay $0x3  }
0x9a: {  	_ =	strace s4  }
0x9b: {  	s4 =	sld [smem:$0x3FFD];
	_ =	sdelay $0x3  }
0x9c: {  	_ =	strace s4  }
0x9d: {  	_ =	strace $0x8FFFFFFF  }
0x9e: {  	s19 =	sld [smem:$0x3FDB];
	_ =	sdelay $0x1  }
0x9f: {  	s5 =	simm.s32 $_scs_section_size  }
0xa0: {  	s6 =	simm.s32 $_size__tile_overlayer_lowered;
	s7 =	simm.s32 $_tile_overlayer_lowered  }
0xa1: {  	s22 =	simm.s32 $0x1BFF;
	s21 =	sshll.u32 s7, $0x1;
	s4 =	sadd.s32 s5, s19  }
0xa2: {  	s8 =	simm.s32 $0x0;
	s20 =	sshll.u32 s6, $0x1;
	s6 =	sadd.s32 s21, s4  }
0xa3: {  	[timem:s8], [sflag:s22] =	dma.local [hbm:s6], s20  }
0xa4: {  	_ =	swait.ge [sflag:s22], s20  }
0xa5: {  	s5 =	ssub.s32 $0x0, s20;
	[sflag:s22] =	ssyncset.done $0x0  }
0xa6: {  	[sflag:s22] =	ssyncadd.s32 s5;
	_ =	sdelay $0x1  }
0xa7: {  	s23 =	simm.s32 $0x1B8B  }
0xa8: {  	_ =	swait.ge [sflag:s23], $0x1  }
0xa9: {  	[sflag:s23] =	ssyncset.done $0x0  }
0xaa: {  	s25 =	simm.s32 $0x1B8E;
	s24 =	sld [smem:$0x3FFE];
	[sflag:s23] =	ssyncadd.s32 $0xFFFFFFFF  }
0xab: {  	s26 =	simm.s32 $execute0_lowered;
	[smem:$0x3FD2] =	sst s25  }
0xac: {  	s6 =	sshll.u32 s26, $0x1;
	_ =	strace $0x80000046;
	[dreg:$0x1] =	wrdreg $0xFFFFFFFF  }
0xad: {  	s28 =	simm.s32 $_size_execute0_lowered;
	s4 =	sadd.s32 s4, s6;
	[dreg:$0x0] =	wrdreg $0x0  }
0xae: {  	s6 =	sshll.u32 s28, $0x1;
	[dreg:$0x2] =	wrdreg s4  }
0xaf: {  	[dreg:$0x3] =	wrdreg s6  }
0xb0: {  	[dreg:$0x4] =	wrdreg $0xC0  }
0xb1: {  	_ =	task [dreg:s8], $0x5FFFF  }
0xb2: {  	[dreg:$0x1] =	wrdreg $0xFFFFFFFF  }
0xb3: {  	[dreg:$0x0] =	wrdreg $0x60  }
0xb4: {  	[dreg:$0x2] =	wrdreg s17  }
0xb5: {  	[dreg:$0x3] =	wrdreg s16  }
0xb6: {  	[dreg:$0x4] =	wrdreg s24  }
0xb7: {  	[dreg:$0x5] =	wrdreg $0x9  }
0xb8: {  	_ =	task.clear_ibuf [dreg:s8], $0x6FFFF;
	_ =	strace $0x90000046  }
0xb9: {  	s29 =	simm.s32 $0x9;
	_ =	strace $0x80000048  }
0xba: {  	_ =	swait.ge [sflag:s29], $0x1  }
0xbb: {  	[sflag:s29] =	ssyncadd.s32 $0xFFFFFFFF  }
0xbc: {  	_ =	strace $0x90000048  }
0xbd: {  	_ =	sfence  }
0xbe: {  	s30 =	sld [smem:$0x0];
	_ =	sdelay $0x2  }
0xbf: {  	s31 =	sshll.u32 s1, $0xD;
	s1 =	sshrl.u32 s1, $0x2  }
0xc0: {  	s3 =	sand.u32 $0x4000, s31;
	s1 =	sadd.s32 s1, s30  }
0xc1: {  	s0 =	sor.u32 s3, s0;
	s1 =	sshll.u32 s1, $0x11  }
0xc2: {  	s0 =	sor.u32 s1, s0  }
0xc3: {  	s0 =	sadd.s32 $0x8F2B, s0  }
0xc4: {  	[sflag:s0] =	ssyncadd.remote.s32 $0x1  }
0xc5: {  	_ =	sfence.sel $0xFFFF  }
0xc6: {  	[dreg:$0x0] =	wrdreg $0xFFFFFFFF;
	(pc) =	sbr.abs _section_cstart, $3  }
0xc7: {  	[dreg:$0x1] =	wrdreg $0xFFFFFFFF  }
0xc8: {  	_ =	task.clear_ibuf [dreg:s8], $0x2FFFF;
	_ =	strace $0x9FFFFFFF  }
0xc9: {  	(tm) =	ssettm $0x7FFFFFFF  }
tec
execute0_lowered:
.L_overlay_start_1:
0x0: {  	(tag) =	ssettag $0x1  }
0x1: {  	s5 =	rddreg [dreg:$0x0]  }
0x2: {  	s1 =	rddreg [dreg:$0x1];
	s2 =	srdreg.scid  }
0x3: {  	s0 =	stileid.u32;
	s3 =	rddreg [dreg:$0x2]  }
0x4: {  	s8 =	simm.s32 $0x1800;
	s9 =	simm.s32 $0x180;
	s25 =	simm.s32 $0x2000  }
0x5: {  	s26 =	simm.s32 $0x200;
	s11 =	simm.s32 $0x300;
	s12 =	simm.s32 $0x3800  }
0x6: {  	s13 =	simm.s32 $0x380;
	s14 =	simm.s32 $0x4000;
	s15 =	simm.s32 $0x400  }
0x7: {  	s16 =	simm.s32 $0x4800;
	s17 =	simm.s32 $0x480;
	s18 =	simm.s32 $0x5000  }
0x8: {  	s19 =	simm.s32 $0x500;
	s20 =	simm.s32 $0x5800;
	s21 =	simm.s32 $0x580  }
0x9: {  	s22 =	simm.s32 $0x6000;
	s4 =	sand.u32 $0x1, s2;
	s6 =	sshll.u32 s0, $0x1  }
0xa: {  	s23 =	simm.s32 $0x600;
	s2 =	simm.s32 $0x0;
	s6 =	sor.u32 s4, s6  }
0xb: {  	s24 =	simm.s32 $0x6800;
	[smem:$0x7FF] =	sst s2;
	s7 =	sshll.u32 s6, $0xC  }
0xc: {  	s6 =	sshll.u32 s6, $0x8;
	_ =	strace $0x80000047;
	[dreg:$0x8] =	wrdreg s8  }
0xd: {  	s3 =	sadd.s32 s7, s3;
	s1 =	sadd.s32 s1, s6;
	s6 =	ssub.s32 $0x2, s4  }
0xe: {  	s0 =	sadd.s32 $0x3E00, s3;
	s3 =	simm.s32 $0x1000;
	s4 =	sshrl.u32 s6, $0x1  }
0xf: {  	p0 =	por $0x0, $0x0;
	[dreg:$0x6] =	wrdreg s3;
	s3 =	ssub.s32 s6, s4  }
0x10: {  	s28 =	simm.s32 $0x700;
	[dreg:$0x9] =	wrdreg s9;
	s10 =	smax.u32 s3, $0x1  }
0x11: {  	s29 =	simm.s32 $0x7800;
	[dreg:$0xa] =	wrdreg s25;
	p1 =	sne.s32 s10, $0x1  }
.Ltmp0:
0x12: {  	s30 =	simm.s32 $0x780;
	[dreg:$0xb] =	wrdreg s26;
	(pc) =	sbr.rel @!p1 .LBB2_3-.Ltmp0, $4  }
0x13: {  	s31 =	simm.s32 $0x8000;
	s7 =	simm.s32 $0x100;
	[dreg:$0x4] =	wrdreg s1  }
0x14: {  	s25 =	simm.s32 $0x680;
	s26 =	simm.s32 $0x7000;
	[dreg:$0x7] =	wrdreg s7  }
0x15: {  	s7 =	simm.s32 $0x80;
	[dreg:$0x5] =	wrdreg s0;
	s4 =	simm.s32 $0x800  }
0x16: {  	s6 =	simm.s32 $0x1;
	s3 =	simm.s32 $0x2;
	s8 =	sadd.s32 $0xFFFFFFFF, s10  }
0x17: {  	s0 =	rddreg [dreg:$0x4]  }
0x18: {  	[tilespmem:s2], [sflag:$0x2] =	stream.linear.gather [hbm4b:s0+s2], $0x800, $0x38;
	[tilespmem:$0x8800] =	vst v63  }
0x19: {  	_ =	swait.ge [sflag:s3], $0x800  }
0x1a: {  	s10 =	rddreg [dreg:$0x7]  }
0x1b: {  	s1 =	rddreg [dreg:$0x6]  }
0x1c: {  	s0 =	rddreg [dreg:$0x8]  }
0x1d: {  	[sflag:s3] =	ssyncset.done $0x0;
	[dreg:$0xc] =	wrdreg s10  }
0x1e: {  	[sflag:s3] =	ssyncadd.s32 $0xFFFFF800;
	s10 =	rddreg [dreg:$0xa]  }
0x1f: {  	[tilespmem:s4], [sflag:$0x1] =	stream.indirect.gather [hbm4b:s5+s7], $0x10, s2, s7, $0xb8;
	[tilespmem:$0x8800] =	vst v63  }
0x20: {  	[dreg:$0xd] =	wrdreg s10  }
0x21: {  	s10 =	rddreg [dreg:$0xc]  }
0x22: {  	[tilespmem:s1], [sflag:$0x1] =	stream.indirect.gather [hbm4b:s5+s7], $0x10, s7, s7, $0xb8;
	[tilespmem:$0x8800] =	vst v63  }
0x23: {  	s1 =	rddreg [dreg:$0x9]  }
0x24: {  	[tilespmem:s0], [sflag:$0x1] =	stream.indirect.gather [hbm4b:s5+s7], $0x10, s10, s7, $0xb8;
	[tilespmem:$0x8800] =	vst v63  }
0x25: {  	s10 =	rddreg [dreg:$0xd]  }
0x26: {  	[tilespmem:s10], [sflag:$0x1] =	stream.indirect.gather [hbm4b:s5+s7], $0x10, s1, s7, $0xb8;
	[tilespmem:$0x8800] =	vst v63  }
0x27: {  	s9 =	simm.s32 $0x2800;
	s0 =	rddreg [dreg:$0xb]  }
0x28: {  	[tilespmem:s9], [sflag:$0x1] =	stream.indirect.gather [hbm4b:s5+s7], $0x10, s0, s7, $0xb8;
	[tilespmem:$0x8800] =	vst v63  }
0x29: {  	s1 =	simm.s32 $0x280;
	s9 =	simm.s32 $0x3000  }
0x2a: {  	[tilespmem:s9], [sflag:$0x1] =	stream.indirect.gather [hbm4b:s5+s7], $0x10, s1, s7, $0xb8;
	[tilespmem:$0x8800] =	vst v63  }
0x2b: {  	_ = 	snop  }
0x2c: {  	[tilespmem:s12], [sflag:$0x1] =	stream.indirect.gather [hbm4b:s5+s7], $0x10, s11, s7, $0xb8;
	[tilespmem:$0x8800] =	vst v63  }
0x2d: {  	_ = 	snop  }
0x2e: {  	[tilespmem:s14], [sflag:$0x1] =	stream.indirect.gather [hbm4b:s5+s7], $0x10, s13, s7, $0xb8;
	[tilespmem:$0x8800] =	vst v63  }
0x2f: {  	_ = 	snop  }
0x30: {  	[tilespmem:s16], [sflag:$0x1] =	stream.indirect.gather [hbm4b:s5+s7], $0x10, s15, s7, $0xb8;
	[tilespmem:$0x8800] =	vst v63  }
0x31: {  	_ = 	snop  }
0x32: {  	[tilespmem:s18], [sflag:$0x1] =	stream.indirect.gather [hbm4b:s5+s7], $0x10, s17, s7, $0xb8;
	[tilespmem:$0x8800] =	vst v63  }
0x33: {  	_ = 	snop  }
0x34: {  	[tilespmem:s20], [sflag:$0x1] =	stream.indirect.gather [hbm4b:s5+s7], $0x10, s19, s7, $0xb8;
	[tilespmem:$0x8800] =	vst v63  }
0x35: {  	_ = 	snop  }
0x36: {  	[tilespmem:s22], [sflag:$0x1] =	stream.indirect.gather [hbm4b:s5+s7], $0x10, s21, s7, $0xb8;
	[tilespmem:$0x8800] =	vst v63  }
0x37: {  	_ = 	snop  }
0x38: {  	[tilespmem:s24], [sflag:$0x1] =	stream.indirect.gather [hbm4b:s5+s7], $0x10, s23, s7, $0xb8;
	[tilespmem:$0x8800] =	vst v63  }
0x39: {  	_ = 	snop  }
0x3a: {  	[tilespmem:s26], [sflag:$0x1] =	stream.indirect.gather [hbm4b:s5+s7], $0x10, s25, s7, $0xb8;
	[tilespmem:$0x8800] =	vst v63  }
0x3b: {  	_ = 	snop  }
0x3c: {  	[tilespmem:s29], [sflag:$0x1] =	stream.indirect.gather [hbm4b:s5+s7], $0x10, s28, s7, $0xb8;
	[tilespmem:$0x8800] =	vst v63  }
0x3d: {  	_ = 	snop  }
0x3e: {  	[tilespmem:s31], [sflag:$0x1] =	stream.indirect.gather [hbm4b:s5+s7], $0x10, s30, s7, $0xb8;
	[tilespmem:$0x8800] =	vst v63  }
0x3f: {  	_ =	swait.ge [sflag:s6], $0x800  }
0x40: {  	[sflag:s6] =	ssyncset.done $0x0  }
0x41: {  	[sflag:s6] =	ssyncadd.s32 $0xFFFFF800  }
0x42: {  	_ =	swait.ge [sflag:s6], $0x800  }
0x43: {  	[sflag:s6] =	ssyncset.done $0x0  }
0x44: {  	[sflag:s6] =	ssyncadd.s32 $0xFFFFF800  }
0x45: {  	_ =	swait.ge [sflag:s6], $0x800  }
0x46: {  	[sflag:s6] =	ssyncset.done $0x0  }
0x47: {  	[sflag:s6] =	ssyncadd.s32 $0xFFFFF800  }
0x48: {  	_ =	swait.ge [sflag:s6], $0x800  }
0x49: {  	[sflag:s6] =	ssyncset.done $0x0  }
0x4a: {  	[sflag:s6] =	ssyncadd.s32 $0xFFFFF800  }
0x4b: {  	_ =	swait.ge [sflag:s6], $0x800  }
0x4c: {  	[sflag:s6] =	ssyncset.done $0x0  }
0x4d: {  	[sflag:s6] =	ssyncadd.s32 $0xFFFFF800  }
0x4e: {  	_ =	swait.ge [sflag:s6], $0x800  }
0x4f: {  	[sflag:s6] =	ssyncset.done $0x0  }
0x50: {  	[sflag:s6] =	ssyncadd.s32 $0xFFFFF800  }
0x51: {  	_ =	swait.ge [sflag:s6], $0x800  }
0x52: {  	[sflag:s6] =	ssyncset.done $0x0  }
0x53: {  	[sflag:s6] =	ssyncadd.s32 $0xFFFFF800  }
0x54: {  	_ =	swait.ge [sflag:s6], $0x800  }
0x55: {  	[sflag:s6] =	ssyncset.done $0x0  }
0x56: {  	[sflag:s6] =	ssyncadd.s32 $0xFFFFF800  }
0x57: {  	_ =	swait.ge [sflag:s6], $0x800  }
0x58: {  	[sflag:s6] =	ssyncset.done $0x0  }
0x59: {  	[sflag:s6] =	ssyncadd.s32 $0xFFFFF800  }
0x5a: {  	_ =	swait.ge [sflag:s6], $0x800  }
0x5b: {  	[sflag:s6] =	ssyncset.done $0x0  }
0x5c: {  	[sflag:s6] =	ssyncadd.s32 $0xFFFFF800  }
0x5d: {  	_ =	swait.ge [sflag:s6], $0x800  }
0x5e: {  	[sflag:s6] =	ssyncset.done $0x0  }
0x5f: {  	[sflag:s6] =	ssyncadd.s32 $0xFFFFF800  }
0x60: {  	_ =	swait.ge [sflag:s6], $0x800  }
0x61: {  	[sflag:s6] =	ssyncset.done $0x0  }
0x62: {  	[sflag:s6] =	ssyncadd.s32 $0xFFFFF800  }
0x63: {  	_ =	swait.ge [sflag:s6], $0x800  }
0x64: {  	[sflag:s6] =	ssyncset.done $0x0  }
0x65: {  	[sflag:s6] =	ssyncadd.s32 $0xFFFFF800  }
0x66: {  	_ =	swait.ge [sflag:s6], $0x800  }
0x67: {  	[sflag:s6] =	ssyncset.done $0x0  }
0x68: {  	[sflag:s6] =	ssyncadd.s32 $0xFFFFF800  }
0x69: {  	_ =	swait.ge [sflag:s6], $0x800  }
0x6a: {  	p1 =	sne.s32 s8, $0x1;
	[sflag:s6] =	ssyncset.done $0x0  }
.Ltmp1:
0x6b: {  	[sflag:s6] =	ssyncadd.s32 $0xFFFFF800;
	(pc) =	sbr.rel @!p1 .LBB2_3-.Ltmp1, $4  }
0x6c: {  	_ =	swait.ge [sflag:s6], $0x800  }
0x6d: {  	p0 =	por $0x1, $0x1;
	[sflag:s6] =	ssyncset.done $0x0  }
0x6e: {  	s1 =	sadd.s32 $0xFFFFFFFF, s8;
	s10 =	rddreg [dreg:$0x5];
	[sflag:s6] =	ssyncadd.s32 $0xFFFFF800  }
0x6f: {  	[hbm4b:s10+s2] =	stream.linear.scatter [tilespmem:s4], [sflag:$0x2], $0x8000, $0x38;
	[tilespmem:$0x8800] =	vst v63  }
.LBB2_2:
0x70: {  	_ =	swait.ge [sflag:s3], $0x8000  }
0x71: {  	[sflag:s3] =	ssyncset.done $0x0  }
0x72: {  	s0 =	rddreg [dreg:$0x4];
	[sflag:s3] =	ssyncadd.s32 $0xFFFF8000  }
0x73: {  	[tilespmem:s2], [sflag:$0x2] =	stream.linear.gather [hbm4b:s0+s2], $0x800, $0x38;
	[tilespmem:$0x8800] =	vst v63  }
0x74: {  	_ =	swait.ge [sflag:s3], $0x800  }
0x75: {  	s0 =	rddreg [dreg:$0x7];
	[sflag:s3] =	ssyncset.done $0x0  }
0x76: {  	s8 =	rddreg [dreg:$0x6];
	[sflag:s3] =	ssyncadd.s32 $0xFFFFF800  }
0x77: {  	[tilespmem:s4], [sflag:$0x1] =	stream.indirect.gather [hbm4b:s5+s7], $0x10, s2, s7, $0xb8;
	[tilespmem:$0x8800] =	vst v63  }
0x78: {  	s9 =	rddreg [dreg:$0x8]  }
0x79: {  	[tilespmem:s8], [sflag:$0x1] =	stream.indirect.gather [hbm4b:s5+s7], $0x10, s7, s7, $0xb8;
	[tilespmem:$0x8800] =	vst v63  }
0x7a: {  	s10 =	rddreg [dreg:$0xa]  }
0x7b: {  	[tilespmem:s9], [sflag:$0x1] =	stream.indirect.gather [hbm4b:s5+s7], $0x10, s0, s7, $0xb8;
	[tilespmem:$0x8800] =	vst v63  }
0x7c: {  	s8 =	rddreg [dreg:$0x9]  }
0x7d: {  	[tilespmem:s10], [sflag:$0x1] =	stream.indirect.gather [hbm4b:s5+s7], $0x10, s8, s7, $0xb8;
	[tilespmem:$0x8800] =	vst v63  }
0x7e: {  	s0 =	rddreg [dreg:$0xb];
	s8 =	simm.s32 $0x2800  }
0x7f: {  	[tilespmem:s8], [sflag:$0x1] =	stream.indirect.gather [hbm4b:s5+s7], $0x10, s0, s7, $0xb8;
	[tilespmem:$0x8800] =	vst v63  }
0x80: {  	s9 =	simm.s32 $0x280;
	s10 =	simm.s32 $0x3000  }
0x81: {  	[tilespmem:s10], [sflag:$0x1] =	stream.indirect.gather [hbm4b:s5+s7], $0x10, s9, s7, $0xb8;
	[tilespmem:$0x8800] =	vst v63  }
0x82: {  	_ = 	snop  }
0x83: {  	[tilespmem:s12], [sflag:$0x1] =	stream.indirect.gather [hbm4b:s5+s7], $0x10, s11, s7, $0xb8;
	[tilespmem:$0x8800] =	vst v63  }
0x84: {  	_ = 	snop  }
0x85: {  	[tilespmem:s14], [sflag:$0x1] =	stream.indirect.gather [hbm4b:s5+s7], $0x10, s13, s7, $0xb8;
	[tilespmem:$0x8800] =	vst v63  }
0x86: {  	_ = 	snop  }
0x87: {  	[tilespmem:s16], [sflag:$0x1] =	stream.indirect.gather [hbm4b:s5+s7], $0x10, s15, s7, $0xb8;
	[tilespmem:$0x8800] =	vst v63  }
0x88: {  	_ = 	snop  }
0x89: {  	[tilespmem:s18], [sflag:$0x1] =	stream.indirect.gather [hbm4b:s5+s7], $0x10, s17, s7, $0xb8;
	[tilespmem:$0x8800] =	vst v63  }
0x8a: {  	_ = 	snop  }
0x8b: {  	[tilespmem:s20], [sflag:$0x1] =	stream.indirect.gather [hbm4b:s5+s7], $0x10, s19, s7, $0xb8;
	[tilespmem:$0x8800] =	vst v63  }
0x8c: {  	_ = 	snop  }
0x8d: {  	[tilespmem:s22], [sflag:$0x1] =	stream.indirect.gather [hbm4b:s5+s7], $0x10, s21, s7, $0xb8;
	[tilespmem:$0x8800] =	vst v63  }
0x8e: {  	_ = 	snop  }
0x8f: {  	[tilespmem:s24], [sflag:$0x1] =	stream.indirect.gather [hbm4b:s5+s7], $0x10, s23, s7, $0xb8;
	[tilespmem:$0x8800] =	vst v63  }
0x90: {  	_ = 	snop  }
0x91: {  	[tilespmem:s26], [sflag:$0x1] =	stream.indirect.gather [hbm4b:s5+s7], $0x10, s25, s7, $0xb8;
	[tilespmem:$0x8800] =	vst v63  }
0x92: {  	_ = 	snop  }
0x93: {  	[tilespmem:s29], [sflag:$0x1] =	stream.indirect.gather [hbm4b:s5+s7], $0x10, s28, s7, $0xb8;
	[tilespmem:$0x8800] =	vst v63  }
0x94: {  	_ = 	snop  }
0x95: {  	[tilespmem:s31], [sflag:$0x1] =	stream.indirect.gather [hbm4b:s5+s7], $0x10, s30, s7, $0xb8;
	[tilespmem:$0x8800] =	vst v63  }
0x96: {  	_ =	swait.ge [sflag:s6], $0x800  }
0x97: {  	[sflag:s6] =	ssyncset.done $0x0  }
0x98: {  	[sflag:s6] =	ssyncadd.s32 $0xFFFFF800  }
0x99: {  	_ =	swait.ge [sflag:s6], $0x800  }
0x9a: {  	[sflag:s6] =	ssyncset.done $0x0  }
0x9b: {  	[sflag:s6] =	ssyncadd.s32 $0xFFFFF800  }
0x9c: {  	_ =	swait.ge [sflag:s6], $0x800  }
0x9d: {  	[sflag:s6] =	ssyncset.done $0x0  }
0x9e: {  	[sflag:s6] =	ssyncadd.s32 $0xFFFFF800  }
0x9f: {  	_ =	swait.ge [sflag:s6], $0x800  }
0xa0: {  	[sflag:s6] =	ssyncset.done $0x0  }
0xa1: {  	[sflag:s6] =	ssyncadd.s32 $0xFFFFF800  }
0xa2: {  	_ =	swait.ge [sflag:s6], $0x800  }
0xa3: {  	[sflag:s6] =	ssyncset.done $0x0  }
0xa4: {  	[sflag:s6] =	ssyncadd.s32 $0xFFFFF800  }
0xa5: {  	_ =	swait.ge [sflag:s6], $0x800  }
0xa6: {  	[sflag:s6] =	ssyncset.done $0x0  }
0xa7: {  	[sflag:s6] =	ssyncadd.s32 $0xFFFFF800  }
0xa8: {  	_ =	swait.ge [sflag:s6], $0x800  }
0xa9: {  	[sflag:s6] =	ssyncset.done $0x0  }
0xaa: {  	[sflag:s6] =	ssyncadd.s32 $0xFFFFF800  }
0xab: {  	_ =	swait.ge [sflag:s6], $0x800  }
0xac: {  	[sflag:s6] =	ssyncset.done $0x0  }
0xad: {  	[sflag:s6] =	ssyncadd.s32 $0xFFFFF800  }
0xae: {  	_ =	swait.ge [sflag:s6], $0x800  }
0xaf: {  	[sflag:s6] =	ssyncset.done $0x0  }
0xb0: {  	[sflag:s6] =	ssyncadd.s32 $0xFFFFF800  }
0xb1: {  	_ =	swait.ge [sflag:s6], $0x800  }
0xb2: {  	[sflag:s6] =	ssyncset.done $0x0  }
0xb3: {  	[sflag:s6] =	ssyncadd.s32 $0xFFFFF800  }
0xb4: {  	_ =	swait.ge [sflag:s6], $0x800  }
0xb5: {  	[sflag:s6] =	ssyncset.done $0x0  }
0xb6: {  	[sflag:s6] =	ssyncadd.s32 $0xFFFFF800  }
0xb7: {  	_ =	swait.ge [sflag:s6], $0x800  }
0xb8: {  	[sflag:s6] =	ssyncset.done $0x0  }
0xb9: {  	[sflag:s6] =	ssyncadd.s32 $0xFFFFF800  }
0xba: {  	_ =	swait.ge [sflag:s6], $0x800  }
0xbb: {  	[sflag:s6] =	ssyncset.done $0x0  }
0xbc: {  	[sflag:s6] =	ssyncadd.s32 $0xFFFFF800  }
0xbd: {  	_ =	swait.ge [sflag:s6], $0x800  }
0xbe: {  	[sflag:s6] =	ssyncset.done $0x0  }
0xbf: {  	[sflag:s6] =	ssyncadd.s32 $0xFFFFF800  }
0xc0: {  	_ =	swait.ge [sflag:s6], $0x800  }
0xc1: {  	p1 =	sne.s32 s1, $0x1;
	[sflag:s6] =	ssyncset.done $0x0  }
.Ltmp2:
0xc2: {  	[sflag:s6] =	ssyncadd.s32 $0xFFFFF800;
	(pc) =	sbr.rel @p1 .LBB2_2-.Ltmp2, $4  }
0xc3: {  	_ =	swait.ge [sflag:s6], $0x800  }
0xc4: {  	[sflag:s6] =	ssyncset.done $0x0  }
0xc5: {  	s1 =	sadd.s32 $0xFFFFFFFF, s1;
	s10 =	rddreg [dreg:$0x5];
	[sflag:s6] =	ssyncadd.s32 $0xFFFFF800  }
0xc6: {  	[hbm4b:s10+s2] =	stream.linear.scatter [tilespmem:s4], [sflag:$0x2], $0x8000, $0x38;
	[tilespmem:$0x8800] =	vst v63  }
.LBB2_3:
0xc7: {  	_ =	swait.ge @p0 [sflag:s3], $0x8000  }
0xc8: {  	[sflag:s3] =	ssyncset.done @p0 $0x0  }
0xc9: {  	s0 =	rddreg [dreg:$0x4];
	[sflag:s3] =	ssyncadd.s32 @p0 $0xFFFF8000  }
0xca: {  	[tilespmem:s2], [sflag:$0x2] =	stream.linear.gather [hbm4b:s0+s2], $0x800, $0x38;
	[tilespmem:$0x8800] =	vst v63  }
0xcb: {  	_ =	swait.ge [sflag:s3], $0x800  }
0xcc: {  	[sflag:s3] =	ssyncset.done $0x0;
	s10 =	rddreg [dreg:$0x6]  }
0xcd: {  	s0 =	rddreg [dreg:$0x7];
	[sflag:s3] =	ssyncadd.s32 $0xFFFFF800  }
0xce: {  	[tilespmem:s4], [sflag:$0x1] =	stream.indirect.gather [hbm4b:s5+s7], $0x10, s2, s7, $0xb8;
	[tilespmem:$0x8800] =	vst v63  }
0xcf: {  	s1 =	rddreg [dreg:$0x8]  }
0xd0: {  	[tilespmem:s10], [sflag:$0x1] =	stream.indirect.gather [hbm4b:s5+s7], $0x10, s7, s7, $0xb8;
	[tilespmem:$0x8800] =	vst v63  }
0xd1: {  	s8 =	rddreg [dreg:$0xa]  }
0xd2: {  	[tilespmem:s1], [sflag:$0x1] =	stream.indirect.gather [hbm4b:s5+s7], $0x10, s0, s7, $0xb8;
	[tilespmem:$0x8800] =	vst v63  }
0xd3: {  	s9 =	rddreg [dreg:$0x9]  }
0xd4: {  	[tilespmem:s8], [sflag:$0x1] =	stream.indirect.gather [hbm4b:s5+s7], $0x10, s9, s7, $0xb8;
	[tilespmem:$0x8800] =	vst v63  }
0xd5: {  	s10 =	simm.s32 $0x2800;
	s1 =	rddreg [dreg:$0xb]  }
0xd6: {  	[tilespmem:s10], [sflag:$0x1] =	stream.indirect.gather [hbm4b:s5+s7], $0x10, s1, s7, $0xb8;
	[tilespmem:$0x8800] =	vst v63  }
0xd7: {  	s9 =	simm.s32 $0x3000;
	s10 =	simm.s32 $0x280  }
0xd8: {  	[tilespmem:s9], [sflag:$0x1] =	stream.indirect.gather [hbm4b:s5+s7], $0x10, s10, s7, $0xb8;
	[tilespmem:$0x8800] =	vst v63  }
0xd9: {  	_ = 	snop  }
0xda: {  	[tilespmem:s12], [sflag:$0x1] =	stream.indirect.gather [hbm4b:s5+s7], $0x10, s11, s7, $0xb8;
	[tilespmem:$0x8800] =	vst v63  }
0xdb: {  	_ = 	snop  }
0xdc: {  	[tilespmem:s14], [sflag:$0x1] =	stream.indirect.gather [hbm4b:s5+s7], $0x10, s13, s7, $0xb8;
	[tilespmem:$0x8800] =	vst v63  }
0xdd: {  	_ = 	snop  }
0xde: {  	[tilespmem:s16], [sflag:$0x1] =	stream.indirect.gather [hbm4b:s5+s7], $0x10, s15, s7, $0xb8;
	[tilespmem:$0x8800] =	vst v63  }
0xdf: {  	_ = 	snop  }
0xe0: {  	[tilespmem:s18], [sflag:$0x1] =	stream.indirect.gather [hbm4b:s5+s7], $0x10, s17, s7, $0xb8;
	[tilespmem:$0x8800] =	vst v63  }
0xe1: {  	_ = 	snop  }
0xe2: {  	[tilespmem:s20], [sflag:$0x1] =	stream.indirect.gather [hbm4b:s5+s7], $0x10, s19, s7, $0xb8;
	[tilespmem:$0x8800] =	vst v63  }
0xe3: {  	_ = 	snop  }
0xe4: {  	[tilespmem:s22], [sflag:$0x1] =	stream.indirect.gather [hbm4b:s5+s7], $0x10, s21, s7, $0xb8;
	[tilespmem:$0x8800] =	vst v63  }
0xe5: {  	_ = 	snop  }
0xe6: {  	[tilespmem:s24], [sflag:$0x1] =	stream.indirect.gather [hbm4b:s5+s7], $0x10, s23, s7, $0xb8;
	[tilespmem:$0x8800] =	vst v63  }
0xe7: {  	_ = 	snop  }
0xe8: {  	[tilespmem:s26], [sflag:$0x1] =	stream.indirect.gather [hbm4b:s5+s7], $0x10, s25, s7, $0xb8;
	[tilespmem:$0x8800] =	vst v63  }
0xe9: {  	_ = 	snop  }
0xea: {  	[tilespmem:s29], [sflag:$0x1] =	stream.indirect.gather [hbm4b:s5+s7], $0x10, s28, s7, $0xb8;
	[tilespmem:$0x8800] =	vst v63  }
0xeb: {  	_ = 	snop  }
0xec: {  	[tilespmem:s31], [sflag:$0x1] =	stream.indirect.gather [hbm4b:s5+s7], $0x10, s30, s7, $0xb8;
	[tilespmem:$0x8800] =	vst v63  }
0xed: {  	_ =	swait.ge [sflag:s6], $0x800  }
0xee: {  	[sflag:s6] =	ssyncset.done $0x0  }
0xef: {  	[sflag:s6] =	ssyncadd.s32 $0xFFFFF800  }
0xf0: {  	_ =	swait.ge [sflag:s6], $0x800  }
0xf1: {  	[sflag:s6] =	ssyncset.done $0x0  }
0xf2: {  	[sflag:s6] =	ssyncadd.s32 $0xFFFFF800  }
0xf3: {  	_ =	swait.ge [sflag:s6], $0x800  }
0xf4: {  	[sflag:s6] =	ssyncset.done $0x0  }
0xf5: {  	[sflag:s6] =	ssyncadd.s32 $0xFFFFF800  }
0xf6: {  	_ =	swait.ge [sflag:s6], $0x800  }
0xf7: {  	[sflag:s6] =	ssyncset.done $0x0  }
0xf8: {  	[sflag:s6] =	ssyncadd.s32 $0xFFFFF800  }
0xf9: {  	_ =	swait.ge [sflag:s6], $0x800  }
0xfa: {  	[sflag:s6] =	ssyncset.done $0x0  }
0xfb: {  	[sflag:s6] =	ssyncadd.s32 $0xFFFFF800  }
0xfc: {  	_ =	swait.ge [sflag:s6], $0x800  }
0xfd: {  	[sflag:s6] =	ssyncset.done $0x0  }
0xfe: {  	[sflag:s6] =	ssyncadd.s32 $0xFFFFF800  }
0xff: {  	_ =	swait.ge [sflag:s6], $0x800  }
0x100: {  	[sflag:s6] =	ssyncset.done $0x0  }
0x101: {  	[sflag:s6] =	ssyncadd.s32 $0xFFFFF800  }
0x102: {  	_ =	swait.ge [sflag:s6], $0x800  }
0x103: {  	[sflag:s6] =	ssyncset.done $0x0  }
0x104: {  	[sflag:s6] =	ssyncadd.s32 $0xFFFFF800  }
0x105: {  	_ =	swait.ge [sflag:s6], $0x800  }
0x106: {  	[sflag:s6] =	ssyncset.done $0x0  }
0x107: {  	[sflag:s6] =	ssyncadd.s32 $0xFFFFF800  }
0x108: {  	_ =	swait.ge [sflag:s6], $0x800  }
0x109: {  	[sflag:s6] =	ssyncset.done $0x0  }
0x10a: {  	[sflag:s6] =	ssyncadd.s32 $0xFFFFF800  }
0x10b: {  	_ =	swait.ge [sflag:s6], $0x800  }
0x10c: {  	[sflag:s6] =	ssyncset.done $0x0  }
0x10d: {  	[sflag:s6] =	ssyncadd.s32 $0xFFFFF800  }
0x10e: {  	_ =	swait.ge [sflag:s6], $0x800  }
0x10f: {  	[sflag:s6] =	ssyncset.done $0x0  }
0x110: {  	[sflag:s6] =	ssyncadd.s32 $0xFFFFF800  }
0x111: {  	_ =	swait.ge [sflag:s6], $0x800  }
0x112: {  	[sflag:s6] =	ssyncset.done $0x0  }
0x113: {  	[sflag:s6] =	ssyncadd.s32 $0xFFFFF800  }
0x114: {  	_ =	swait.ge [sflag:s6], $0x800  }
0x115: {  	[sflag:s6] =	ssyncset.done $0x0  }
0x116: {  	[sflag:s6] =	ssyncadd.s32 $0xFFFFF800  }
0x117: {  	_ =	swait.ge [sflag:s6], $0x800  }
0x118: {  	[sflag:s6] =	ssyncset.done $0x0  }
0x119: {  	[sflag:s6] =	ssyncadd.s32 $0xFFFFF800  }
0x11a: {  	_ =	swait.ge [sflag:s6], $0x800  }
0x11b: {  	[sflag:s6] =	ssyncset.done $0x0  }
0x11c: {  	s30 =	rddreg [dreg:$0x5];
	[sflag:s6] =	ssyncadd.s32 $0xFFFFF800  }
0x11d: {  	[hbm4b:s30+s2] =	stream.linear.scatter [tilespmem:s4], [sflag:$0x2], $0x8000, $0x38;
	[tilespmem:$0x8800] =	vst v63  }
0x11e: {  	_ =	swait.ge [sflag:s3], $0x8000  }
0x11f: {  	[sflag:s3] =	ssyncset.done $0x0  }
0x120: {  	[sflag:s3] =	ssyncadd.s32 $0xFFFF8000  }
0x121: {  	_ =	sfence.sel $0x180000  }
0x122: {  	[bflag:$0x0] =	sbarrier.arrive $0xFFFF  }
0x123: {  	_ =	strace $0x90000047  }
0x124: {  	s31 =	stileid.u32;
	[bflag:$0x2] =	sbarrier.arrive $0xFFFF  }
0x125: {  	p0 =	sne.s32 s31, $0x0;
	s0 =	rddreg [dreg:$0x3]  }
0x126: {  	s0 =	sadd.s32 @!p0 $0x100000, s0  }
0x127: {  	[sflag:s0] =	ssyncadd.tile.s32 @!p0 $0x1;
	_ =	shalt  }
.Lfunc_end2:
_tile_overlayer_lowered:
.L_overlay_start_2:
0x128: {  	(tag) =	ssettag $0x2  }
0x129: {  	s0 =	rddreg [dreg:$0x0];
	s2 =	stileid.u32  }
0x12a: {  	s1 =	rddreg [dreg:$0x1];
	p0 =	sne.s32 s2, $0x0  }
0x12b: {  	s3 =	rddreg [dreg:$0x2];
	[bflag:$0x3] =	sbarrier.arrive $0xFFFF;
	s2 =	simm.s32 @!p0 $0x1C02  }
0x12c: {  	[timem:s3], [sflag:s2] =	dma.local @!p0 [hbm:s0], s1  }
0x12d: {  	s0 =	simm.s32 @!p0 $0x2  }
0x12e: {  	_ =	swait.ge @!p0 [sflag:s0], s1  }
0x12f: {  	s1 =	ssub.s32 @!p0 $0x0, s1;
	[sflag:s0] =	ssyncset.done @!p0 $0x0  }
0x130: {  	[sflag:s0] =	ssyncadd.s32 @!p0 s1  }
0x131: {  	[bflag:$0x3] =	sbarrier.arrive $0xFFFF  }
0x132: {  	_ =	shalt  }

// kernel: kernel.17.cloned.1.call-start
scs
__scs_entry_jumppad:
0x0: {  	(pc) =	sbr.rel $0x88, $3  }
0x1: {  	(tag) =	ssettag $0x0;
	lr =	simm.s32 $0x1  }
0x2: {  	[smem:$0x3F88] =	sst lr;
	_ =	strace $0xD0000000  }
0x3: {  	_ = 	snop  }
0x4: {  	_ = 	snop  }
0x5: {  	_ = 	snop  }
0x6: {  	_ = 	snop  }
0x7: {  	_ = 	snop  }
__scs_overlays_trampoline_lowered:
0x8: {  	[smem:$0x3F97] =	sst s0  }
0x9: {  	[smem:$0x3F98] =	sst s1  }
0xa: {  	[smem:$0x3F99] =	sst s2  }
0xb: {  	[smem:$0x3F9A] =	sst s3  }
0xc: {  	[smem:$0x3F9B] =	sst s4  }
0xd: {  	[smem:$0x3F9C] =	sst s5  }
0xe: {  	[smem:$0x3F9D] =	sst s6  }
0xf: {  	[smem:$0x3F9E] =	sst s7  }
0x10: {  	[smem:$0x3F9F] =	sst s8  }
0x11: {  	[smem:$0x3FA0] =	sst s9;
	s0 =	simm.s32 @!p0 $0x0  }
0x12: {  	s1 =	sld [smem:$0x3F86];
	s0 =	simm.s32 @p0 $0x1  }
0x13: {  	[smem:$0x3FA1] =	sst s0;
	s0 =	simm.s32 @!p1 $0x0  }
0x14: {  	s2 =	sld [smem:$0x3F85];
	s0 =	simm.s32 @p1 $0x1  }
0x15: {  	[smem:$0x3FA2] =	sst s0;
	s0 =	simm.s32 @!p2 $0x0  }
0x16: {  	s3 =	sld [smem:$0x3FDB];
	s0 =	simm.s32 @p2 $0x1  }
0x17: {  	s4 =	simm.s32 $0x1BF5;
	[smem:$0x3FA4] =	sst s0  }
0x18: {  	s0 =	sld [smem:$0x3F87];
	_ =	swait.ge [sflag:s4], $0x0  }
0x19: {  	s7 =	sld [smem:$0x3F88]  }
0x1a: {  	s8 =	sadd.s32 $0xFFFFE003, lr  }
0x1b: {  	s9 =	sadd.s32 $0xFFFFFEF7, lr;
	s5 =	simm.s32 $0xFFFFFFFF;
	p2 =	slt.u32 s8, $0xFFFFF086  }
0x1c: {  	p1 =	slt.u32 s9, $0xF7A;
	s5 =	simm.s32 @!p2 $0x0  }
0x1d: {  	s5 =	simm.s32 @p1 $0x1;
	p0 =	seq.s32 s7, s2  }
0x1e: {  	s7 =	smul.u32 @!p0 $0xF7A, s2;
	p2 =	seq.s32 @!p0 s5, $0x0  }
0x1f: {  	s9 =	smul.u32 $0xF7A, s1;
	s8 =	simm.s32 @!p0 $0x1BF5;
	p2 =	por !p2, p0  }
0x20: {  	[sflag:s8] =	ssyncset.s32 @!p0 $0xFFFFF086;
	s6 =	sadd.s32 @!p0 s3, s7;
	s7 =	simm.s32 @!p0 $0x108  }
0x21: {  	s3 =	sadd.s32 s3, s9;
	s6 =	sadd.s32 @!p0 $0x88, s6;
	s7 =	simm.s32 @p2 $0x1082  }
0x22: {  	[simem:s7], [sflag:s8] =	dma.local @!p0 [hbm:s6], $0xF7A  }
0x23: {  	s9 =	sor.u32 $0xD0000000, s2;
	s6 =	simm.s32 $0x108;
	_ =	swait.ge @!p0 [sflag:s8], $0x0  }
0x24: {  	s3 =	sadd.s32 $0x88, s3;
	s6 =	simm.s32 @!p1 $0x1082;
	[sflag:s4] =	ssyncset.s32 $0xFFFFF086  }
0x25: {  	[simem:s6], [sflag:s4] =	dma.local [hbm:s3], $0xF7A  }
0x26: {  	[smem:$0x3F88] =	sst s1;
	(tag) =	ssettag s2;
	_ =	strace s9  }
0x27: {  	s1 =	sld [smem:$0x3F98]  }
0x28: {  	s2 =	sld [smem:$0x3F99]  }
0x29: {  	s4 =	sld [smem:$0x3F9B]  }
0x2a: {  	p0 =	seq.s32 s5, $0x0;
	s5 =	sld [smem:$0x3F9C]  }
0x2b: {  	s6 =	sld [smem:$0x3F9D]  }
0x2c: {  	s7 =	sld [smem:$0x3F9E]  }
0x2d: {  	s3 =	simm.s32 $0x108;
	s8 =	sld [smem:$0x3F9F]  }
0x2e: {  	s3 =	simm.s32 @!p0 $0x1082;
	s9 =	sld [smem:$0x3FA0]  }
0x2f: {  	lr =	sadd.s32 s0, s3;
	s0 =	sld [smem:$0x3F97]  }
0x30: {  	s3 =	sld [smem:$0x3F9A]  }
0x31: {  	[smem:$0x3FA3] =	sst s10  }
0x32: {  	s10 =	sld [smem:$0x3FA1];
	_ =	sdelay $0x3  }
0x33: {  	p0 =	seq.s32 s10, $0x1;
	s10 =	sld [smem:$0x3FA3];
	_ =	sdelay $0x3  }
0x34: {  	[smem:$0x3FA3] =	sst s10  }
0x35: {  	s10 =	sld [smem:$0x3FA2];
	_ =	sdelay $0x3  }
0x36: {  	p1 =	seq.s32 s10, $0x1;
	s10 =	sld [smem:$0x3FA3];
	_ =	sdelay $0x3  }
0x37: {  	[smem:$0x3FA3] =	sst s10  }
0x38: {  	s10 =	sld [smem:$0x3FA4]  }
0x39: {  	_ = 	snop;
	(pc) =	sbr.ind lr, $3  }
0x3a: {  	_ = 	snop  }
0x3b: {  	_ = 	snop  }
0x3c: {  	p2 =	seq.s32 s10, $0x1;
	s10 =	sld [smem:$0x3FA3]  }
0x3d: {  	_ =	shalt  }
0x3e: {  	_ =	shalt  }
0x3f: {  	_ =	shalt  }
0x40: {  	_ =	shalt  }
0x41: {  	_ =	shalt  }
0x42: {  	_ =	shalt  }
0x43: {  	_ =	shalt  }
0x44: {  	_ =	shalt  }
0x45: {  	_ =	shalt  }
0x46: {  	_ =	shalt  }
0x47: {  	_ =	shalt  }
0x48: {  	_ =	shalt  }
0x49: {  	_ =	shalt  }
0x4a: {  	_ =	shalt  }
0x4b: {  	_ =	shalt  }
0x4c: {  	_ =	shalt  }
0x4d: {  	_ =	shalt  }
0x4e: {  	_ =	shalt  }
0x4f: {  	_ =	shalt  }
0x50: {  	_ =	shalt  }
0x51: {  	_ =	shalt  }
0x52: {  	_ =	shalt  }
0x53: {  	_ =	shalt  }
0x54: {  	_ =	shalt  }
0x55: {  	_ =	shalt  }
0x56: {  	_ =	shalt  }
0x57: {  	_ =	shalt  }
0x58: {  	_ =	shalt  }
0x59: {  	_ =	shalt  }
0x5a: {  	_ =	shalt  }
0x5b: {  	_ =	shalt  }
0x5c: {  	_ =	shalt  }
0x5d: {  	_ =	shalt  }
0x5e: {  	_ =	shalt  }
0x5f: {  	_ =	shalt  }
0x60: {  	_ =	shalt  }
0x61: {  	_ =	shalt  }
0x62: {  	_ =	shalt  }
0x63: {  	_ =	shalt  }
0x64: {  	_ =	shalt  }
0x65: {  	_ =	shalt  }
0x66: {  	_ =	shalt  }
0x67: {  	_ =	shalt  }
0x68: {  	_ =	shalt  }
0x69: {  	_ =	shalt  }
0x6a: {  	_ =	shalt  }
0x6b: {  	_ =	shalt  }
0x6c: {  	_ =	shalt  }
0x6d: {  	_ =	shalt  }
0x6e: {  	_ =	shalt  }
0x6f: {  	_ =	shalt  }
0x70: {  	_ =	shalt  }
0x71: {  	_ =	shalt  }
0x72: {  	_ =	shalt  }
0x73: {  	_ =	shalt  }
0x74: {  	_ =	shalt  }
0x75: {  	_ =	shalt  }
0x76: {  	_ =	shalt  }
0x77: {  	_ =	shalt  }
0x78: {  	_ =	shalt  }
0x79: {  	_ =	shalt  }
0x7a: {  	_ =	shalt  }
0x7b: {  	_ =	shalt  }
0x7c: {  	_ =	shalt  }
0x7d: {  	_ =	shalt  }
0x7e: {  	_ =	shalt  }
0x7f: {  	_ =	shalt  }
0x80: {  	_ =	shalt  }
0x81: {  	_ =	shalt  }
0x82: {  	_ =	shalt  }
0x83: {  	_ =	shalt  }
0x84: {  	_ =	shalt  }
0x85: {  	_ =	shalt  }
0x86: {  	_ =	shalt  }
0x87: {  	_ =	shalt  }
.Lfunc_end0:
.L_simem_size_0:
called_computation.1_lowered:
.L_overlay_start_0:
0x88: {  	s2 =	sld [smem:$0x3FD9]  }
0x89: {  	s3 =	sld [smem:$0x3FFE];
	_ =	sdelay $0x1  }
0x8a: {  	s1 =	srdreg.scid  }
0x8b: {  	s0 =	sand.u32 $0x1, s1  }
0x8c: {  	s14 =	sshll.u32 s0, $0xA;
	s2 =	sadd.s32 s3, s2  }
0x8d: {  	s2 =	sadd.s32 s2, s14  }
0x8e: {  	[smem:$0x3FAF] =	sst s2  }
0x8f: {  	_ = 	snop  }
0x90: {  	s2 =	sld [smem:$0x3FD0];
	_ =	sdelay $0x2  }
0x91: {  	s15 =	simm.s32 $0xA;
	s4 =	simm.s32 $0x10  }
0x92: {  	[smem:s4], [sflag:s15] =	dma.local [hbm:s2], $0x1  }
0x93: {  	_ =	swait.eq [sflag:s15], $0x1  }
0x94: {  	[sflag:s15] =	ssyncset.done $0x0  }
0x95: {  	[sflag:s15] =	ssyncadd.s32 $0xFFFFFFFF  }
0x96: {  	s16 =	sld [smem:$0x11];
	(tm) =	ssettm $0x1  }
0x97: {  	s17 =	sld [smem:$0x3FFB];
	_ =	sdelay $0x3  }
0x98: {  	_ =	strace s17  }
0x99: {  	s3 =	sld [smem:$0x3FFC];
	_ =	sdelay $0x3  }
0x9a: {  	_ =	strace s3  }
0x9b: {  	s3 =	sld [smem:$0x3FFD];
	_ =	sdelay $0x3  }
0x9c: {  	_ =	strace s3  }
0x9d: {  	_ =	strace $0x8FFFFFFF  }
0x9e: {  	s18 =	sld [smem:$0x3FDB];
	_ =	sdelay $0x1  }
0x9f: {  	s19 =	simm.s32 $_scs_section_size  }
0xa0: {  	s5 =	simm.s32 $_size__tile_overlayer_lowered;
	s6 =	simm.s32 $_tile_overlayer_lowered  }
0xa1: {  	s22 =	simm.s32 $0x1BFF;
	s21 =	sshll.u32 s6, $0x1;
	s3 =	sadd.s32 s19, s18  }
0xa2: {  	s7 =	simm.s32 $0x0;
	s20 =	sshll.u32 s5, $0x1;
	s5 =	sadd.s32 s21, s3  }
0xa3: {  	[timem:s7], [sflag:s22] =	dma.local [hbm:s5], s20  }
0xa4: {  	_ =	swait.ge [sflag:s22], s20  }
0xa5: {  	s4 =	ssub.s32 $0x0, s20;
	[sflag:s22] =	ssyncset.done $0x0  }
0xa6: {  	[sflag:s22] =	ssyncadd.s32 s4;
	_ =	sdelay $0x1  }
0xa7: {  	s23 =	simm.s32 $0x1B8B  }
0xa8: {  	_ =	swait.ge [sflag:s23], $0x1  }
0xa9: {  	[sflag:s23] =	ssyncset.done $0x0  }
0xaa: {  	s25 =	simm.s32 $0x1B8E;
	s24 =	sld [smem:$0x3FFE];
	[sflag:s23] =	ssyncadd.s32 $0xFFFFFFFF  }
0xab: {  	s26 =	simm.s32 $execute0_lowered;
	[smem:$0x3FD2] =	sst s25  }
0xac: {  	s5 =	sshll.u32 s26, $0x1;
	_ =	strace $0x80000049;
	[dreg:$0x1] =	wrdreg $0xFFFFFFFF  }
0xad: {  	s28 =	simm.s32 $_size_execute0_lowered;
	s3 =	sadd.s32 s3, s5;
	[dreg:$0x0] =	wrdreg $0x0  }
0xae: {  	s5 =	sshll.u32 s28, $0x1;
	[dreg:$0x2] =	wrdreg s3  }
0xaf: {  	[dreg:$0x3] =	wrdreg s5  }
0xb0: {  	[dreg:$0x4] =	wrdreg $0xC0  }
0xb1: {  	_ =	task [dreg:s7], $0x5FFFF  }
0xb2: {  	[dreg:$0x1] =	wrdreg $0xFFFFFFFF  }
0xb3: {  	[dreg:$0x0] =	wrdreg $0x60  }
0xb4: {  	[dreg:$0x2] =	wrdreg s24  }
0xb5: {  	[dreg:$0x3] =	wrdreg s16  }
0xb6: {  	[dreg:$0x4] =	wrdreg $0x9  }
0xb7: {  	_ =	task.clear_ibuf [dreg:s7], $0x5FFFF;
	_ =	strace $0x90000049  }
0xb8: {  	s29 =	simm.s32 $0x9;
	_ =	strace $0x8000004B  }
0xb9: {  	_ =	swait.ge [sflag:s29], $0x1  }
0xba: {  	[sflag:s29] =	ssyncadd.s32 $0xFFFFFFFF  }
0xbb: {  	_ =	strace $0x9000004B  }
0xbc: {  	_ =	sfence  }
0xbd: {  	s30 =	sld [smem:$0x0];
	_ =	sdelay $0x2  }
0xbe: {  	s31 =	sshll.u32 s1, $0xD;
	s1 =	sshrl.u32 s1, $0x2  }
0xbf: {  	s3 =	sand.u32 $0x4000, s31;
	s1 =	sadd.s32 s1, s30  }
0xc0: {  	s0 =	sor.u32 s3, s0;
	s1 =	sshll.u32 s1, $0x11  }
0xc1: {  	s0 =	sor.u32 s1, s0  }
0xc2: {  	s0 =	sadd.s32 $0x8F2B, s0  }
0xc3: {  	[sflag:s0] =	ssyncadd.remote.s32 $0x1  }
0xc4: {  	_ =	sfence.sel $0xFFFF  }
0xc5: {  	[dreg:$0x0] =	wrdreg $0xFFFFFFFF;
	(pc) =	sbr.abs _section_cstart, $3  }
0xc6: {  	[dreg:$0x1] =	wrdreg $0xFFFFFFFF  }
0xc7: {  	_ =	task.clear_ibuf [dreg:s7], $0x2FFFF;
	_ =	strace $0x9FFFFFFF  }
0xc8: {  	(tm) =	ssettm $0x7FFFFFFF  }
0xc9: {  	_ =	shalt  }
tec
execute0_lowered:
.L_overlay_start_1:
0x0: {  	(tag) =	ssettag $0x1  }
0x1: {  	s22 =	rddreg [dreg:$0x0]  }
0x2: {  	s1 =	srdreg.scid;
	s0 =	stileid.u32  }
0x3: {  	s3 =	rddreg [dreg:$0x1];
	s23 =	sand.u32 $0x1, s1;
	s4 =	sshll.u32 s0, $0x1  }
0x4: {  	s2 =	simm.s32 $0x0;
	s1 =	rddreg [dreg:$0x2];
	s24 =	sor.u32 s23, s4  }
0x5: {  	[smem:$0x7FF] =	sst s2;
	s4 =	sshll.u32 s24, $0x7  }
0x6: {  	_ =	strace $0x8000004A;
	s4 =	sadd.s32 s3, s4;
	s3 =	simm.s32 $0x2  }
0x7: {  	[tilespmem:s2], [sflag:$0x2] =	stream.linear.gather [hbm4b:s4+s2], $0x400, $0x38;
	[tilespmem:$0x1C400] =	vst v63  }
0x8: {  	_ =	swait.ge [sflag:s3], $0x400  }
0x9: {  	s6 =	simm.s32 $0x80;
	[sflag:s3] =	ssyncset.done $0x0  }
0xa: {  	s7 =	simm.s32 $0x400;
	s5 =	sadd.s32 $0x3E00, s22;
	[sflag:s3] =	ssyncadd.s32 $0xFFFFFC00  }
0xb: {  	[tilespmem:s7], [sflag:$0x1] =	stream.indirect.gather [hbm4b:s5+s6], $0x70, s2, s6, $0xb8;
	[tilespmem:$0x1C400] =	vst v63  }
0xc: {  	s8 =	simm.s32 $0x3C00  }
0xd: {  	[tilespmem:s8], [sflag:$0x1] =	stream.indirect.gather [hbm4b:s5+s6], $0x70, s6, s6, $0xb8;
	[tilespmem:$0x1C400] =	vst v63  }
0xe: {  	s9 =	simm.s32 $0x100;
	s10 =	simm.s32 $0x7400  }
0xf: {  	[tilespmem:s10], [sflag:$0x1] =	stream.indirect.gather [hbm4b:s5+s6], $0x70, s9, s6, $0xb8;
	[tilespmem:$0x1C400] =	vst v63  }
0x10: {  	s11 =	simm.s32 $0x180;
	s12 =	simm.s32 $0xAC00  }
0x11: {  	[tilespmem:s12], [sflag:$0x1] =	stream.indirect.gather [hbm4b:s5+s6], $0x70, s11, s6, $0xb8;
	[tilespmem:$0x1C400] =	vst v63  }
0x12: {  	s13 =	simm.s32 $0x200;
	s14 =	simm.s32 $0xE400  }
0x13: {  	[tilespmem:s14], [sflag:$0x1] =	stream.indirect.gather [hbm4b:s5+s6], $0x70, s13, s6, $0xb8;
	[tilespmem:$0x1C400] =	vst v63  }
0x14: {  	s15 =	simm.s32 $0x280;
	s16 =	simm.s32 $0x11C00  }
0x15: {  	[tilespmem:s16], [sflag:$0x1] =	stream.indirect.gather [hbm4b:s5+s6], $0x70, s15, s6, $0xb8;
	[tilespmem:$0x1C400] =	vst v63  }
0x16: {  	s17 =	simm.s32 $0x300;
	s18 =	simm.s32 $0x15400  }
0x17: {  	[tilespmem:s18], [sflag:$0x1] =	stream.indirect.gather [hbm4b:s5+s6], $0x70, s17, s6, $0xb8;
	[tilespmem:$0x1C400] =	vst v63  }
0x18: {  	s19 =	simm.s32 $0x380;
	s20 =	simm.s32 $0x18C00;
	s21 =	simm.s32 $0x1  }
0x19: {  	[tilespmem:s20], [sflag:$0x1] =	stream.indirect.gather [hbm4b:s5+s6], $0x70, s19, s6, $0xb8;
	[tilespmem:$0x1C400] =	vst v63  }
0x1a: {  	_ =	swait.ge [sflag:s21], $0x3800  }
0x1b: {  	[sflag:s21] =	ssyncset.done $0x0  }
0x1c: {  	[sflag:s21] =	ssyncadd.s32 $0xFFFFC800  }
0x1d: {  	_ =	swait.ge [sflag:s21], $0x3800  }
0x1e: {  	[sflag:s21] =	ssyncset.done $0x0  }
0x1f: {  	[sflag:s21] =	ssyncadd.s32 $0xFFFFC800  }
0x20: {  	_ =	swait.ge [sflag:s21], $0x3800  }
0x21: {  	[sflag:s21] =	ssyncset.done $0x0  }
0x22: {  	[sflag:s21] =	ssyncadd.s32 $0xFFFFC800  }
0x23: {  	_ =	swait.ge [sflag:s21], $0x3800  }
0x24: {  	[sflag:s21] =	ssyncset.done $0x0  }
0x25: {  	[sflag:s21] =	ssyncadd.s32 $0xFFFFC800  }
0x26: {  	_ =	swait.ge [sflag:s21], $0x3800  }
0x27: {  	[sflag:s21] =	ssyncset.done $0x0  }
0x28: {  	[sflag:s21] =	ssyncadd.s32 $0xFFFFC800  }
0x29: {  	_ =	swait.ge [sflag:s21], $0x3800  }
0x2a: {  	[sflag:s21] =	ssyncset.done $0x0  }
0x2b: {  	s23 =	ssub.s32 $0x2, s23;
	[sflag:s21] =	ssyncadd.s32 $0xFFFFC800  }
0x2c: {  	s25 =	sshrl.u32 s23, $0x1;
	_ =	swait.ge [sflag:s21], $0x3800  }
0x2d: {  	s23 =	ssub.s32 s23, s25;
	[sflag:s21] =	ssyncset.done $0x0  }
0x2e: {  	s24 =	smul.u32 $0x3800, s24;
	s23 =	smax.u32 s23, $0x1;
	[sflag:s21] =	ssyncadd.s32 $0xFFFFC800  }
0x2f: {  	p0 =	sne.s32 s23, $0x1;
	_ =	swait.ge [sflag:s21], $0x3800  }
.Ltmp0:
0x30: {  	s22 =	sadd.s32 s24, s22;
	[sflag:s21] =	ssyncset.done $0x0;
	(pc) =	sbr.rel @!p0 .LBB2_2-.Ltmp0, $4  }
0x31: {  	s22 =	sadd.s32 $0x11E00, s22;
	[sflag:s21] =	ssyncadd.s32 $0xFFFFC800  }
0x32: {  	[hbm4b:s22+s2] =	stream.linear.scatter [tilespmem:s7], [sflag:$0x2], $0x1C000, $0x38;
	[tilespmem:$0x1C400] =	vst v63  }
0x33: {  	_ =	swait.ge [sflag:s3], $0x1C000  }
0x34: {  	s23 =	sadd.s32 $0xFFFFFFFF, s23;
	[sflag:s3] =	ssyncset.done $0x0  }
.LBB2_1:
0x35: {  	p0 =	sne.s32 s23, $0x1;
	s23 =	sadd.s32 $0xFFFFFFFF, s23;
	[sflag:s3] =	ssyncadd.s32 $0xFFFE4000  }
0x36: {  	[tilespmem:s2], [sflag:$0x2] =	stream.linear.gather [hbm4b:s4+s2], $0x400, $0x38;
	[tilespmem:$0x1C400] =	vst v63  }
0x37: {  	_ =	swait.ge [sflag:s3], $0x400  }
0x38: {  	[sflag:s3] =	ssyncset.done $0x0  }
0x39: {  	[sflag:s3] =	ssyncadd.s32 $0xFFFFFC00  }
0x3a: {  	[tilespmem:s7], [sflag:$0x1] =	stream.indirect.gather [hbm4b:s5+s6], $0x70, s2, s6, $0xb8;
	[tilespmem:$0x1C400] =	vst v63  }
0x3b: {  	_ = 	snop  }
0x3c: {  	[tilespmem:s8], [sflag:$0x1] =	stream.indirect.gather [hbm4b:s5+s6], $0x70, s6, s6, $0xb8;
	[tilespmem:$0x1C400] =	vst v63  }
0x3d: {  	_ = 	snop  }
0x3e: {  	[tilespmem:s10], [sflag:$0x1] =	stream.indirect.gather [hbm4b:s5+s6], $0x70, s9, s6, $0xb8;
	[tilespmem:$0x1C400] =	vst v63  }
0x3f: {  	_ = 	snop  }
0x40: {  	[tilespmem:s12], [sflag:$0x1] =	stream.indirect.gather [hbm4b:s5+s6], $0x70, s11, s6, $0xb8;
	[tilespmem:$0x1C400] =	vst v63  }
0x41: {  	_ = 	snop  }
0x42: {  	[tilespmem:s14], [sflag:$0x1] =	stream.indirect.gather [hbm4b:s5+s6], $0x70, s13, s6, $0xb8;
	[tilespmem:$0x1C400] =	vst v63  }
0x43: {  	_ = 	snop  }
0x44: {  	[tilespmem:s16], [sflag:$0x1] =	stream.indirect.gather [hbm4b:s5+s6], $0x70, s15, s6, $0xb8;
	[tilespmem:$0x1C400] =	vst v63  }
0x45: {  	_ = 	snop  }
0x46: {  	[tilespmem:s18], [sflag:$0x1] =	stream.indirect.gather [hbm4b:s5+s6], $0x70, s17, s6, $0xb8;
	[tilespmem:$0x1C400] =	vst v63  }
0x47: {  	_ = 	snop  }
0x48: {  	[tilespmem:s20], [sflag:$0x1] =	stream.indirect.gather [hbm4b:s5+s6], $0x70, s19, s6, $0xb8;
	[tilespmem:$0x1C400] =	vst v63  }
0x49: {  	_ =	swait.ge [sflag:s21], $0x3800  }
0x4a: {  	[sflag:s21] =	ssyncset.done $0x0  }
0x4b: {  	[sflag:s21] =	ssyncadd.s32 $0xFFFFC800  }
0x4c: {  	_ =	swait.ge [sflag:s21], $0x3800  }
0x4d: {  	[sflag:s21] =	ssyncset.done $0x0  }
0x4e: {  	[sflag:s21] =	ssyncadd.s32 $0xFFFFC800  }
0x4f: {  	_ =	swait.ge [sflag:s21], $0x3800  }
0x50: {  	[sflag:s21] =	ssyncset.done $0x0  }
0x51: {  	[sflag:s21] =	ssyncadd.s32 $0xFFFFC800  }
0x52: {  	_ =	swait.ge [sflag:s21], $0x3800  }
0x53: {  	[sflag:s21] =	ssyncset.done $0x0  }
0x54: {  	[sflag:s21] =	ssyncadd.s32 $0xFFFFC800  }
0x55: {  	_ =	swait.ge [sflag:s21], $0x3800  }
0x56: {  	[sflag:s21] =	ssyncset.done $0x0  }
0x57: {  	[sflag:s21] =	ssyncadd.s32 $0xFFFFC800  }
0x58: {  	_ =	swait.ge [sflag:s21], $0x3800  }
0x59: {  	[sflag:s21] =	ssyncset.done $0x0  }
0x5a: {  	[sflag:s21] =	ssyncadd.s32 $0xFFFFC800  }
0x5b: {  	_ =	swait.ge [sflag:s21], $0x3800  }
0x5c: {  	[sflag:s21] =	ssyncset.done $0x0  }
0x5d: {  	[sflag:s21] =	ssyncadd.s32 $0xFFFFC800  }
0x5e: {  	_ =	swait.ge [sflag:s21], $0x3800  }
.Ltmp1:
0x5f: {  	[sflag:s21] =	ssyncset.done $0x0;
	(pc) =	sbr.rel @p0 .LBB2_1-.Ltmp1, $4  }
0x60: {  	[sflag:s21] =	ssyncadd.s32 $0xFFFFC800  }
0x61: {  	[hbm4b:s22+s2] =	stream.linear.scatter [tilespmem:s7], [sflag:$0x2], $0x1C000, $0x38;
	[tilespmem:$0x1C400] =	vst v63  }
0x62: {  	_ =	swait.ge [sflag:s3], $0x1C000  }
0x63: {  	[sflag:s3] =	ssyncset.done $0x0  }
.LBB2_2:
0x64: {  	[sflag:s3] =	ssyncadd.s32 $0xFFFE4000  }
0x65: {  	_ =	sfence.sel $0x180000  }
0x66: {  	[bflag:$0x0] =	sbarrier.arrive $0xFFFF  }
0x67: {  	p0 =	sne.s32 s0, $0x0;
	_ =	strace $0x9000004A  }
0x68: {  	s0 =	sadd.s32 @!p0 $0x100000, s1;
	[bflag:$0x2] =	sbarrier.arrive $0xFFFF  }
0x69: {  	[sflag:s0] =	ssyncadd.tile.s32 @!p0 $0x1;
	_ =	shalt  }
.Lfunc_end2:
_tile_overlayer_lowered:
.L_overlay_start_2:
0x6a: {  	(tag) =	ssettag $0x2  }
0x6b: {  	s0 =	rddreg [dreg:$0x0];
	s2 =	stileid.u32  }
0x6c: {  	s1 =	rddreg [dreg:$0x1];
	p0 =	sne.s32 s2, $0x0  }
0x6d: {  	s3 =	rddreg [dreg:$0x2];
	[bflag:$0x3] =	sbarrier.arrive $0xFFFF;
	s2 =	simm.s32 @!p0 $0x1C02  }
0x6e: {  	[timem:s3], [sflag:s2] =	dma.local @!p0 [hbm:s0], s1  }
0x6f: {  	s0 =	simm.s32 @!p0 $0x2  }
0x70: {  	_ =	swait.ge @!p0 [sflag:s0], s1  }
0x71: {  	s1 =	ssub.s32 @!p0 $0x0, s1;
	[sflag:s0] =	ssyncset.done @!p0 $0x0  }
0x72: {  	[sflag:s0] =	ssyncadd.s32 @!p0 s1  }
0x73: {  	[bflag:$0x3] =	sbarrier.arrive $0xFFFF  }
0x74: {  	_ =	shalt  }

// kernel: kernel.20.cloned.1.call-start
scs
__scs_entry_jumppad:
0x0: {  	(pc) =	sbr.rel $0x88, $3  }
0x1: {  	(tag) =	ssettag $0x0;
	lr =	simm.s32 $0x1  }
0x2: {  	[smem:$0x3F88] =	sst lr;
	_ =	strace $0xD0000000  }
0x3: {  	_ = 	snop  }
0x4: {  	_ = 	snop  }
0x5: {  	_ = 	snop  }
0x6: {  	_ = 	snop  }
0x7: {  	_ = 	snop  }
__scs_overlays_trampoline_lowered:
0x8: {  	[smem:$0x3F97] =	sst s0  }
0x9: {  	[smem:$0x3F98] =	sst s1  }
0xa: {  	[smem:$0x3F99] =	sst s2  }
0xb: {  	[smem:$0x3F9A] =	sst s3  }
0xc: {  	[smem:$0x3F9B] =	sst s4  }
0xd: {  	[smem:$0x3F9C] =	sst s5  }
0xe: {  	[smem:$0x3F9D] =	sst s6  }
0xf: {  	[smem:$0x3F9E] =	sst s7  }
0x10: {  	[smem:$0x3F9F] =	sst s8  }
0x11: {  	[smem:$0x3FA0] =	sst s9;
	s0 =	simm.s32 @!p0 $0x0  }
0x12: {  	s1 =	sld [smem:$0x3F86];
	s0 =	simm.s32 @p0 $0x1  }
0x13: {  	[smem:$0x3FA1] =	sst s0;
	s0 =	simm.s32 @!p1 $0x0  }
0x14: {  	s2 =	sld [smem:$0x3F85];
	s0 =	simm.s32 @p1 $0x1  }
0x15: {  	[smem:$0x3FA2] =	sst s0;
	s0 =	simm.s32 @!p2 $0x0  }
0x16: {  	s3 =	sld [smem:$0x3FDB];
	s0 =	simm.s32 @p2 $0x1  }
0x17: {  	s4 =	simm.s32 $0x1BF5;
	[smem:$0x3FA4] =	sst s0  }
0x18: {  	s0 =	sld [smem:$0x3F87];
	_ =	swait.ge [sflag:s4], $0x0  }
0x19: {  	s7 =	sld [smem:$0x3F88]  }
0x1a: {  	s8 =	sadd.s32 $0xFFFFE003, lr  }
0x1b: {  	s9 =	sadd.s32 $0xFFFFFEF7, lr;
	s5 =	simm.s32 $0xFFFFFFFF;
	p2 =	slt.u32 s8, $0xFFFFF086  }
0x1c: {  	p1 =	slt.u32 s9, $0xF7A;
	s5 =	simm.s32 @!p2 $0x0  }
0x1d: {  	s5 =	simm.s32 @p1 $0x1;
	p0 =	seq.s32 s7, s2  }
0x1e: {  	s7 =	smul.u32 @!p0 $0xF7A, s2;
	p2 =	seq.s32 @!p0 s5, $0x0  }
0x1f: {  	s9 =	smul.u32 $0xF7A, s1;
	s8 =	simm.s32 @!p0 $0x1BF5;
	p2 =	por !p2, p0  }
0x20: {  	[sflag:s8] =	ssyncset.s32 @!p0 $0xFFFFF086;
	s6 =	sadd.s32 @!p0 s3, s7;
	s7 =	simm.s32 @!p0 $0x108  }
0x21: {  	s3 =	sadd.s32 s3, s9;
	s6 =	sadd.s32 @!p0 $0x88, s6;
	s7 =	simm.s32 @p2 $0x1082  }
0x22: {  	[simem:s7], [sflag:s8] =	dma.local @!p0 [hbm:s6], $0xF7A  }
0x23: {  	s9 =	sor.u32 $0xD0000000, s2;
	s6 =	simm.s32 $0x108;
	_ =	swait.ge @!p0 [sflag:s8], $0x0  }
0x24: {  	s3 =	sadd.s32 $0x88, s3;
	s6 =	simm.s32 @!p1 $0x1082;
	[sflag:s4] =	ssyncset.s32 $0xFFFFF086  }
0x25: {  	[simem:s6], [sflag:s4] =	dma.local [hbm:s3], $0xF7A  }
0x26: {  	[smem:$0x3F88] =	sst s1;
	(tag) =	ssettag s2;
	_ =	strace s9  }
0x27: {  	s1 =	sld [smem:$0x3F98]  }
0x28: {  	s2 =	sld [smem:$0x3F99]  }
0x29: {  	s4 =	sld [smem:$0x3F9B]  }
0x2a: {  	p0 =	seq.s32 s5, $0x0;
	s5 =	sld [smem:$0x3F9C]  }
0x2b: {  	s6 =	sld [smem:$0x3F9D]  }
0x2c: {  	s7 =	sld [smem:$0x3F9E]  }
0x2d: {  	s3 =	simm.s32 $0x108;
	s8 =	sld [smem:$0x3F9F]  }
0x2e: {  	s3 =	simm.s32 @!p0 $0x1082;
	s9 =	sld [smem:$0x3FA0]  }
0x2f: {  	lr =	sadd.s32 s0, s3;
	s0 =	sld [smem:$0x3F97]  }
0x30: {  	s3 =	sld [smem:$0x3F9A]  }
0x31: {  	[smem:$0x3FA3] =	sst s10  }
0x32: {  	s10 =	sld [smem:$0x3FA1];
	_ =	sdelay $0x3  }
0x33: {  	p0 =	seq.s32 s10, $0x1;
	s10 =	sld [smem:$0x3FA3];
	_ =	sdelay $0x3  }
0x34: {  	[smem:$0x3FA3] =	sst s10  }
0x35: {  	s10 =	sld [smem:$0x3FA2];
	_ =	sdelay $0x3  }
0x36: {  	p1 =	seq.s32 s10, $0x1;
	s10 =	sld [smem:$0x3FA3];
	_ =	sdelay $0x3  }
0x37: {  	[smem:$0x3FA3] =	sst s10  }
0x38: {  	s10 =	sld [smem:$0x3FA4]  }
0x39: {  	_ = 	snop;
	(pc) =	sbr.ind lr, $3  }
0x3a: {  	_ = 	snop  }
0x3b: {  	_ = 	snop  }
0x3c: {  	p2 =	seq.s32 s10, $0x1;
	s10 =	sld [smem:$0x3FA3]  }
0x3d: {  	_ =	shalt  }
0x3e: {  	_ =	shalt  }
0x3f: {  	_ =	shalt  }
0x40: {  	_ =	shalt  }
0x41: {  	_ =	shalt  }
0x42: {  	_ =	shalt  }
0x43: {  	_ =	shalt  }
0x44: {  	_ =	shalt  }
0x45: {  	_ =	shalt  }
0x46: {  	_ =	shalt  }
0x47: {  	_ =	shalt  }
0x48: {  	_ =	shalt  }
0x49: {  	_ =	shalt  }
0x4a: {  	_ =	shalt  }
0x4b: {  	_ =	shalt  }
0x4c: {  	_ =	shalt  }
0x4d: {  	_ =	shalt  }
0x4e: {  	_ =	shalt  }
0x4f: {  	_ =	shalt  }
0x50: {  	_ =	shalt  }
0x51: {  	_ =	shalt  }
0x52: {  	_ =	shalt  }
0x53: {  	_ =	shalt  }
0x54: {  	_ =	shalt  }
0x55: {  	_ =	shalt  }
0x56: {  	_ =	shalt  }
0x57: {  	_ =	shalt  }
0x58: {  	_ =	shalt  }
0x59: {  	_ =	shalt  }
0x5a: {  	_ =	shalt  }
0x5b: {  	_ =	shalt  }
0x5c: {  	_ =	shalt  }
0x5d: {  	_ =	shalt  }
0x5e: {  	_ =	shalt  }
0x5f: {  	_ =	shalt  }
0x60: {  	_ =	shalt  }
0x61: {  	_ =	shalt  }
0x62: {  	_ =	shalt  }
0x63: {  	_ =	shalt  }
0x64: {  	_ =	shalt  }
0x65: {  	_ =	shalt  }
0x66: {  	_ =	shalt  }
0x67: {  	_ =	shalt  }
0x68: {  	_ =	shalt  }
0x69: {  	_ =	shalt  }
0x6a: {  	_ =	shalt  }
0x6b: {  	_ =	shalt  }
0x6c: {  	_ =	shalt  }
0x6d: {  	_ =	shalt  }
0x6e: {  	_ =	shalt  }
0x6f: {  	_ =	shalt  }
0x70: {  	_ =	shalt  }
0x71: {  	_ =	shalt  }
0x72: {  	_ =	shalt  }
0x73: {  	_ =	shalt  }
0x74: {  	_ =	shalt  }
0x75: {  	_ =	shalt  }
0x76: {  	_ =	shalt  }
0x77: {  	_ =	shalt  }
0x78: {  	_ =	shalt  }
0x79: {  	_ =	shalt  }
0x7a: {  	_ =	shalt  }
0x7b: {  	_ =	shalt  }
0x7c: {  	_ =	shalt  }
0x7d: {  	_ =	shalt  }
0x7e: {  	_ =	shalt  }
0x7f: {  	_ =	shalt  }
0x80: {  	_ =	shalt  }
0x81: {  	_ =	shalt  }
0x82: {  	_ =	shalt  }
0x83: {  	_ =	shalt  }
0x84: {  	_ =	shalt  }
0x85: {  	_ =	shalt  }
0x86: {  	_ =	shalt  }
0x87: {  	_ =	shalt  }
.Lfunc_end0:
.L_simem_size_0:
called_computation.2_lowered:
.L_overlay_start_0:
0x88: {  	s2 =	sld [smem:$0x3FD9]  }
0x89: {  	s3 =	sld [smem:$0x3FFE];
	_ =	sdelay $0x1  }
0x8a: {  	s1 =	srdreg.scid  }
0x8b: {  	s0 =	sand.u32 $0x1, s1  }
0x8c: {  	s14 =	sshll.u32 s0, $0xA;
	s2 =	sadd.s32 s3, s2  }
0x8d: {  	s2 =	sadd.s32 s2, s14  }
0x8e: {  	[smem:$0x3FAF] =	sst s2  }
0x8f: {  	_ = 	snop  }
0x90: {  	s2 =	sld [smem:$0x3FD0];
	_ =	sdelay $0x2  }
0x91: {  	s15 =	simm.s32 $0xA;
	s4 =	simm.s32 $0x10  }
0x92: {  	[smem:s4], [sflag:s15] =	dma.local [hbm:s2], $0x1  }
0x93: {  	_ =	swait.eq [sflag:s15], $0x1  }
0x94: {  	[sflag:s15] =	ssyncset.done $0x0  }
0x95: {  	[sflag:s15] =	ssyncadd.s32 $0xFFFFFFFF  }
0x96: {  	s16 =	sld [smem:$0x13];
	(tm) =	ssettm $0x1  }
0x97: {  	s17 =	sld [smem:$0x3FFB];
	_ =	sdelay $0x3  }
0x98: {  	_ =	strace s17  }
0x99: {  	s3 =	sld [smem:$0x3FFC];
	_ =	sdelay $0x3  }
0x9a: {  	_ =	strace s3  }
0x9b: {  	s3 =	sld [smem:$0x3FFD];
	_ =	sdelay $0x3  }
0x9c: {  	_ =	strace s3  }
0x9d: {  	_ =	strace $0x8FFFFFFF  }
0x9e: {  	s18 =	sld [smem:$0x3FDB];
	_ =	sdelay $0x1  }
0x9f: {  	s19 =	simm.s32 $_scs_section_size  }
0xa0: {  	s5 =	simm.s32 $_size__tile_overlayer_lowered;
	s6 =	simm.s32 $_tile_overlayer_lowered  }
0xa1: {  	s22 =	simm.s32 $0x1BFF;
	s21 =	sshll.u32 s6, $0x1;
	s3 =	sadd.s32 s19, s18  }
0xa2: {  	s7 =	simm.s32 $0x0;
	s20 =	sshll.u32 s5, $0x1;
	s5 =	sadd.s32 s21, s3  }
0xa3: {  	[timem:s7], [sflag:s22] =	dma.local [hbm:s5], s20  }
0xa4: {  	_ =	swait.ge [sflag:s22], s20  }
0xa5: {  	s4 =	ssub.s32 $0x0, s20;
	[sflag:s22] =	ssyncset.done $0x0  }
0xa6: {  	[sflag:s22] =	ssyncadd.s32 s4;
	_ =	sdelay $0x1  }
0xa7: {  	s23 =	simm.s32 $0x1B8B  }
0xa8: {  	_ =	swait.ge [sflag:s23], $0x1  }
0xa9: {  	[sflag:s23] =	ssyncset.done $0x0  }
0xaa: {  	s25 =	simm.s32 $0x1B8E;
	s24 =	sld [smem:$0x3FFE];
	[sflag:s23] =	ssyncadd.s32 $0xFFFFFFFF  }
0xab: {  	s26 =	simm.s32 $execute0_lowered;
	[smem:$0x3FD2] =	sst s25  }
0xac: {  	s5 =	sshll.u32 s26, $0x1;
	_ =	strace $0x8000004C;
	[dreg:$0x1] =	wrdreg $0xFFFFFFFF  }
0xad: {  	s28 =	simm.s32 $_size_execute0_lowered;
	s3 =	sadd.s32 s3, s5;
	[dreg:$0x0] =	wrdreg $0x0  }
0xae: {  	s5 =	sshll.u32 s28, $0x1;
	[dreg:$0x2] =	wrdreg s3  }
0xaf: {  	[dreg:$0x3] =	wrdreg s5  }
0xb0: {  	[dreg:$0x4] =	wrdreg $0xC0  }
0xb1: {  	_ =	task [dreg:s7], $0x5FFFF  }
0xb2: {  	[dreg:$0x1] =	wrdreg $0xFFFFFFFF  }
0xb3: {  	[dreg:$0x0] =	wrdreg $0x60  }
0xb4: {  	[dreg:$0x2] =	wrdreg s24  }
0xb5: {  	[dreg:$0x3] =	wrdreg s16  }
0xb6: {  	[dreg:$0x4] =	wrdreg $0x9  }
0xb7: {  	_ =	task.clear_ibuf [dreg:s7], $0x5FFFF;
	_ =	strace $0x9000004C  }
0xb8: {  	s29 =	simm.s32 $0x9;
	_ =	strace $0x8000004E  }
0xb9: {  	_ =	swait.ge [sflag:s29], $0x1  }
0xba: {  	[sflag:s29] =	ssyncadd.s32 $0xFFFFFFFF  }
0xbb: {  	_ =	strace $0x9000004E  }
0xbc: {  	_ =	sfence  }
0xbd: {  	s30 =	sld [smem:$0x0];
	_ =	sdelay $0x2  }
0xbe: {  	s31 =	sshll.u32 s1, $0xD;
	s1 =	sshrl.u32 s1, $0x2  }
0xbf: {  	s3 =	sand.u32 $0x4000, s31;
	s1 =	sadd.s32 s1, s30  }
0xc0: {  	s0 =	sor.u32 s3, s0;
	s1 =	sshll.u32 s1, $0x11  }
0xc1: {  	s0 =	sor.u32 s1, s0  }
0xc2: {  	s0 =	sadd.s32 $0x8F2B, s0  }
0xc3: {  	[sflag:s0] =	ssyncadd.remote.s32 $0x1  }
0xc4: {  	_ =	sfence.sel $0xFFFF  }
0xc5: {  	[dreg:$0x0] =	wrdreg $0xFFFFFFFF;
	(pc) =	sbr.abs _section_cstart, $3  }
0xc6: {  	[dreg:$0x1] =	wrdreg $0xFFFFFFFF  }
0xc7: {  	_ =	task.clear_ibuf [dreg:s7], $0x2FFFF;
	_ =	strace $0x9FFFFFFF  }
0xc8: {  	(tm) =	ssettm $0x7FFFFFFF  }
0xc9: {  	_ =	shalt  }
tec
execute0_lowered:
.L_overlay_start_1:
0x0: {  	(tag) =	ssettag $0x1  }
0x1: {  	s14 =	rddreg [dreg:$0x0]  }
0x2: {  	s1 =	srdreg.scid;
	s0 =	stileid.u32  }
0x3: {  	s3 =	rddreg [dreg:$0x1];
	s15 =	sand.u32 $0x1, s1;
	s4 =	sshll.u32 s0, $0x1  }
0x4: {  	s2 =	simm.s32 $0x0;
	s1 =	rddreg [dreg:$0x2];
	s16 =	sor.u32 s15, s4  }
0x5: {  	[smem:$0x7FF] =	sst s2;
	s4 =	sshll.u32 s16, $0x6  }
0x6: {  	_ =	strace $0x8000004D;
	s4 =	sadd.s32 s3, s4;
	s3 =	simm.s32 $0x2  }
0x7: {  	[tilespmem:s2], [sflag:$0x2] =	stream.linear.gather [hbm4b:s4+s2], $0x200, $0x38;
	[tilespmem:$0x12200] =	vst v63  }
0x8: {  	_ =	swait.ge [sflag:s3], $0x200  }
0x9: {  	s6 =	simm.s32 $0x80;
	[sflag:s3] =	ssyncset.done $0x0  }
0xa: {  	s7 =	simm.s32 $0x200;
	s5 =	sadd.s32 $0x3E00, s14;
	[sflag:s3] =	ssyncadd.s32 $0xFFFFFE00  }
0xb: {  	[tilespmem:s7], [sflag:$0x1] =	stream.indirect.gather [hbm4b:s5+s6], $0x90, s2, s6, $0xb8;
	[tilespmem:$0x12200] =	vst v63  }
0xc: {  	s8 =	simm.s32 $0x4A00  }
0xd: {  	[tilespmem:s8], [sflag:$0x1] =	stream.indirect.gather [hbm4b:s5+s6], $0x90, s6, s6, $0xb8;
	[tilespmem:$0x12200] =	vst v63  }
0xe: {  	s9 =	simm.s32 $0x100;
	s10 =	simm.s32 $0x9200  }
0xf: {  	[tilespmem:s10], [sflag:$0x1] =	stream.indirect.gather [hbm4b:s5+s6], $0x90, s9, s6, $0xb8;
	[tilespmem:$0x12200] =	vst v63  }
0x10: {  	s11 =	simm.s32 $0x180;
	s12 =	simm.s32 $0xDA00;
	s13 =	simm.s32 $0x1  }
0x11: {  	[tilespmem:s12], [sflag:$0x1] =	stream.indirect.gather [hbm4b:s5+s6], $0x90, s11, s6, $0xb8;
	[tilespmem:$0x12200] =	vst v63  }
0x12: {  	_ =	swait.ge [sflag:s13], $0x4800  }
0x13: {  	[sflag:s13] =	ssyncset.done $0x0  }
0x14: {  	[sflag:s13] =	ssyncadd.s32 $0xFFFFB800  }
0x15: {  	_ =	swait.ge [sflag:s13], $0x4800  }
0x16: {  	[sflag:s13] =	ssyncset.done $0x0  }
0x17: {  	s15 =	ssub.s32 $0x2, s15;
	[sflag:s13] =	ssyncadd.s32 $0xFFFFB800  }
0x18: {  	s17 =	sshrl.u32 s15, $0x1;
	_ =	swait.ge [sflag:s13], $0x4800  }
0x19: {  	s15 =	ssub.s32 s15, s17;
	[sflag:s13] =	ssyncset.done $0x0  }
0x1a: {  	s16 =	smul.u32 $0x2400, s16;
	s15 =	smax.u32 s15, $0x1;
	[sflag:s13] =	ssyncadd.s32 $0xFFFFB800  }
0x1b: {  	p0 =	sne.s32 s15, $0x1;
	_ =	swait.ge [sflag:s13], $0x4800  }
.Ltmp0:
0x1c: {  	s14 =	sadd.s32 s16, s14;
	[sflag:s13] =	ssyncset.done $0x0;
	(pc) =	sbr.rel @!p0 .LBB2_2-.Ltmp0, $4  }
0x1d: {  	s14 =	sadd.s32 $0xCE00, s14;
	[sflag:s13] =	ssyncadd.s32 $0xFFFFB800  }
0x1e: {  	[hbm4b:s14+s2] =	stream.linear.scatter [tilespmem:s7], [sflag:$0x2], $0x12000, $0x38;
	[tilespmem:$0x12200] =	vst v63  }
0x1f: {  	_ =	swait.ge [sflag:s3], $0x12000  }
0x20: {  	s15 =	sadd.s32 $0xFFFFFFFF, s15;
	[sflag:s3] =	ssyncset.done $0x0  }
.LBB2_1:
0x21: {  	p0 =	sne.s32 s15, $0x1;
	s15 =	sadd.s32 $0xFFFFFFFF, s15;
	[sflag:s3] =	ssyncadd.s32 $0xFFFEE000  }
0x22: {  	[tilespmem:s2], [sflag:$0x2] =	stream.linear.gather [hbm4b:s4+s2], $0x200, $0x38;
	[tilespmem:$0x12200] =	vst v63  }
0x23: {  	_ =	swait.ge [sflag:s3], $0x200  }
0x24: {  	[sflag:s3] =	ssyncset.done $0x0  }
0x25: {  	[sflag:s3] =	ssyncadd.s32 $0xFFFFFE00  }
0x26: {  	[tilespmem:s7], [sflag:$0x1] =	stream.indirect.gather [hbm4b:s5+s6], $0x90, s2, s6, $0xb8;
	[tilespmem:$0x12200] =	vst v63  }
0x27: {  	_ = 	snop  }
0x28: {  	[tilespmem:s8], [sflag:$0x1] =	stream.indirect.gather [hbm4b:s5+s6], $0x90, s6, s6, $0xb8;
	[tilespmem:$0x12200] =	vst v63  }
0x29: {  	_ = 	snop  }
0x2a: {  	[tilespmem:s10], [sflag:$0x1] =	stream.indirect.gather [hbm4b:s5+s6], $0x90, s9, s6, $0xb8;
	[tilespmem:$0x12200] =	vst v63  }
0x2b: {  	_ = 	snop  }
0x2c: {  	[tilespmem:s12], [sflag:$0x1] =	stream.indirect.gather [hbm4b:s5+s6], $0x90, s11, s6, $0xb8;
	[tilespmem:$0x12200] =	vst v63  }
0x2d: {  	_ =	swait.ge [sflag:s13], $0x4800  }
0x2e: {  	[sflag:s13] =	ssyncset.done $0x0  }
0x2f: {  	[sflag:s13] =	ssyncadd.s32 $0xFFFFB800  }
0x30: {  	_ =	swait.ge [sflag:s13], $0x4800  }
0x31: {  	[sflag:s13] =	ssyncset.done $0x0  }
0x32: {  	[sflag:s13] =	ssyncadd.s32 $0xFFFFB800  }
0x33: {  	_ =	swait.ge [sflag:s13], $0x4800  }
0x34: {  	[sflag:s13] =	ssyncset.done $0x0  }
0x35: {  	[sflag:s13] =	ssyncadd.s32 $0xFFFFB800  }
0x36: {  	_ =	swait.ge [sflag:s13], $0x4800  }
.Ltmp1:
0x37: {  	[sflag:s13] =	ssyncset.done $0x0;
	(pc) =	sbr.rel @p0 .LBB2_1-.Ltmp1, $4  }
0x38: {  	[sflag:s13] =	ssyncadd.s32 $0xFFFFB800  }
0x39: {  	[hbm4b:s14+s2] =	stream.linear.scatter [tilespmem:s7], [sflag:$0x2], $0x12000, $0x38;
	[tilespmem:$0x12200] =	vst v63  }
0x3a: {  	_ =	swait.ge [sflag:s3], $0x12000  }
0x3b: {  	[sflag:s3] =	ssyncset.done $0x0  }
.LBB2_2:
0x3c: {  	[sflag:s3] =	ssyncadd.s32 $0xFFFEE000  }
0x3d: {  	_ =	sfence.sel $0x180000  }
0x3e: {  	[bflag:$0x0] =	sbarrier.arrive $0xFFFF  }
0x3f: {  	p0 =	sne.s32 s0, $0x0;
	_ =	strace $0x9000004D  }
0x40: {  	s0 =	sadd.s32 @!p0 $0x100000, s1;
	[bflag:$0x2] =	sbarrier.arrive $0xFFFF  }
0x41: {  	[sflag:s0] =	ssyncadd.tile.s32 @!p0 $0x1;
	_ =	shalt  }
.Lfunc_end2:
_tile_overlayer_lowered:
.L_overlay_start_2:
0x42: {  	(tag) =	ssettag $0x2  }
0x43: {  	s0 =	rddreg [dreg:$0x0];
	s2 =	stileid.u32  }
0x44: {  	s1 =	rddreg [dreg:$0x1];
	p0 =	sne.s32 s2, $0x0  }
0x45: {  	s3 =	rddreg [dreg:$0x2];
	[bflag:$0x3] =	sbarrier.arrive $0xFFFF;
	s2 =	simm.s32 @!p0 $0x1C02  }
0x46: {  	[timem:s3], [sflag:s2] =	dma.local @!p0 [hbm:s0], s1  }
0x47: {  	s0 =	simm.s32 @!p0 $0x2  }
0x48: {  	_ =	swait.ge @!p0 [sflag:s0], s1  }
0x49: {  	s1 =	ssub.s32 @!p0 $0x0, s1;
	[sflag:s0] =	ssyncset.done @!p0 $0x0  }
0x4a: {  	[sflag:s0] =	ssyncadd.s32 @!p0 s1  }
0x4b: {  	[bflag:$0x3] =	sbarrier.arrive $0xFFFF  }
0x4c: {  	_ =	shalt  }

</sc_bundles>
